<compile_context>
chip_gen: v7x
topology: tpu7x:2x2x1
jax: 0.10.2.dev20260603
libtpu: 0.0.44.dev20260713+nightly
codegen_flags: <defaults>
</compile_context>

<pallas_src>
import functools

import jax
import jax.numpy as jnp
from jax import lax
from jax.experimental import pallas as pl
from jax.experimental.pallas import tpu as pltpu
from jax.experimental.pallas import tpu_sc as plsc

N = 10000
E = 160000
DIN = 256
DOUT = 256
EPS = 1e-5

T = 4096
HI = 32.0
INV = T / HI

NC = 2
NS = 16
NW = NC * NS

EPW_HI = 5008
EPW_LO = 4992
NV_LO = EPW_LO // 16

EPS_E = E // NS
CH = 80
SCH = 2000


def _sc_mesh():
    return plsc.VectorSubcoreMesh(core_axis_name="c", subcore_axis_name="s",
                                  num_cores=NC, num_subcores=NS)


def _a_body(x_ref, w_ref, b_ref, o_ref):
    y = jnp.dot(x_ref[...], w_ref[...], preferred_element_type=jnp.float32,
                precision=lax.Precision.HIGHEST)
    y = y + b_ref[...]
    o_ref[0] = y[:, :128]
    o_ref[1] = y[:, 128:]


def _x_proj(x, w, b):
    blk = 400
    return pl.pallas_call(
        _a_body,
        grid=(N // blk,),
        in_specs=[
            pl.BlockSpec((blk, DIN), lambda i: (i, 0)),
            pl.BlockSpec((DIN, DOUT), lambda i: (0, 0)),
            pl.BlockSpec((1, DOUT), lambda i: (0, 0)),
        ],
        out_specs=pl.BlockSpec((2, blk, 128), lambda i: (0, i, 0)),
        out_shape=jax.ShapeDtypeStruct((2, N, 128), jnp.float32),
    )(x, w, b.reshape(1, DOUT))


def _b_body(row_h, col_h, px_h, py_h, pz_h,
            d_out, cnt_out, dsum_out, d2sum_out, deg_out,
            px, py, pz, rowb, colb, db, cnt_v, dsum_v, d2sum_v, deg_v):
    cid = lax.axis_index("c")
    sid = lax.axis_index("s")
    wid = sid * NC + cid
    base = jnp.where(wid < 16, wid * EPW_HI,
                     16 * EPW_HI + (wid - 16) * EPW_LO)
    base = pl.multiple_of(base, 16)

    zf = jnp.zeros((16,), jnp.float32)

    def zero_hist(i, _):
        sl = pl.ds(i * 16, 16)
        cnt_v[sl] = zf
        dsum_v[sl] = zf
        d2sum_v[sl] = zf
        return 0

    lax.fori_loop(0, T // 16, zero_hist, 0)

    def zero_deg(i, _):
        deg_v[pl.ds(i * 16, 16)] = zf
        return 0

    lax.fori_loop(0, N // 16, zero_deg, 0)

    pltpu.sync_copy(px_h, px)
    pltpu.sync_copy(py_h, py)
    pltpu.sync_copy(pz_h, pz)

    pltpu.sync_copy(row_h.at[pl.ds(base, EPW_LO)], rowb.at[pl.ds(0, EPW_LO)])
    pltpu.sync_copy(col_h.at[pl.ds(base, EPW_LO)], colb.at[pl.ds(0, EPW_LO)])

    @pl.when(wid < 16)
    def _():
        pltpu.sync_copy(row_h.at[pl.ds(base + EPW_LO, 16)],
                        rowb.at[pl.ds(EPW_LO, 16)])
        pltpu.sync_copy(col_h.at[pl.ds(base + EPW_LO, 16)],
                        colb.at[pl.ds(EPW_LO, 16)])

    one = jnp.ones((16,), jnp.float32)

    def edge_vreg(j):
        sl = pl.ds(j * 16, 16)
        r = rowb[sl]
        c = colb[sl]
        dx = plsc.load_gather(px, [r]) - plsc.load_gather(px, [c])
        dy = plsc.load_gather(py, [r]) - plsc.load_gather(py, [c])
        dz = plsc.load_gather(pz, [r]) - plsc.load_gather(pz, [c])
        d2 = dx * dx + dy * dy + dz * dz
        iv = plsc.bitcast(d2, jnp.int32)
        iv = (iv >> 1) + 0x1FBD1DF5
        y = plsc.bitcast(iv, jnp.float32)
        y = 0.5 * (y + d2 / y)
        y = 0.5 * (y + d2 / y)
        y = 0.5 * (y + d2 / y)
        db[sl] = y
        b = jnp.clip((y * INV).astype(jnp.int32), 0, T - 1)
        plsc.addupdate_scatter(cnt_v, [b], one)
        plsc.addupdate_scatter(dsum_v, [b], y)
        plsc.addupdate_scatter(d2sum_v, [b], d2)
        plsc.addupdate_scatter(deg_v, [r], one)

    def loop_body(j, _):
        edge_vreg(j)
        return 0

    lax.fori_loop(0, NV_LO, loop_body, 0)

    @pl.when(wid < 16)
    def _():
        edge_vreg(NV_LO)

    pltpu.sync_copy(db.at[pl.ds(0, EPW_LO)], d_out.at[pl.ds(base, EPW_LO)])

    @pl.when(wid < 16)
    def _():
        pltpu.sync_copy(db.at[pl.ds(EPW_LO, 16)],
                        d_out.at[pl.ds(base + EPW_LO, 16)])

    toff = pl.multiple_of(wid * T, 8)
    noff = pl.multiple_of(wid * N, 8)
    pltpu.sync_copy(cnt_v, cnt_out.at[pl.ds(toff, T)])
    pltpu.sync_copy(dsum_v, dsum_out.at[pl.ds(toff, T)])
    pltpu.sync_copy(d2sum_v, d2sum_out.at[pl.ds(toff, T)])
    pltpu.sync_copy(deg_v, deg_out.at[pl.ds(noff, N)])


def _pass_b(row_h, col_h, px_h, py_h, pz_h):
    f = pl.kernel(
        _b_body,
        out_type=(
            jax.ShapeDtypeStruct((E,), jnp.float32),
            jax.ShapeDtypeStruct((NW * T,), jnp.float32),
            jax.ShapeDtypeStruct((NW * T,), jnp.float32),
            jax.ShapeDtypeStruct((NW * T,), jnp.float32),
            jax.ShapeDtypeStruct((NW * N,), jnp.float32),
        ),
        mesh=_sc_mesh(),
        compiler_params=pltpu.CompilerParams(needs_layout_passes=False),
        scratch_types=[
            pltpu.VMEM((N,), jnp.float32),
            pltpu.VMEM((N,), jnp.float32),
            pltpu.VMEM((N,), jnp.float32),
            pltpu.VMEM((EPW_HI,), jnp.int32),
            pltpu.VMEM((EPW_HI,), jnp.int32),
            pltpu.VMEM((EPW_HI,), jnp.float32),
            pltpu.VMEM((T,), jnp.float32),
            pltpu.VMEM((T,), jnp.float32),
            pltpu.VMEM((T,), jnp.float32),
            pltpu.VMEM((N,), jnp.float32),
        ],
    )
    return f(row_h, col_h, px_h, py_h, pz_h)


def _d_body(cntp, dsump, d2sump, degp,
            W1, b1, g1, bt1, W2, b2, g2, bt2, W3, b3, g3, bt3, W4, b4,
            dbar_o, psi_o, dinv_o):
    cnt = jnp.sum(cntp[...], axis=1, keepdims=True)
    dsum = jnp.sum(dsump[...], axis=1, keepdims=True)
    d2sum = jnp.sum(d2sump[...], axis=1, keepdims=True)
    fE = float(E)
    centers = (lax.broadcasted_iota(jnp.int32, (T, 1), 0).astype(jnp.float32)
               + 0.5) / INV
    dbar = jnp.where(cnt > 0, dsum / jnp.maximum(cnt, 1.0), centers)
    p = cnt / fE
    mean_d = jnp.sum(dsum) / fE
    var_d = jnp.sum(d2sum) / fE - mean_d * mean_d

    w1 = W1[...]
    h = dbar * w1 + b1[...]
    m1 = mean_d * w1 + b1[...]
    v1 = var_d * w1 * w1
    h = (h - m1) * lax.rsqrt(v1 + EPS) * g1[...] + bt1[...]
    h = jnp.where(h >= 0, h, 0.2 * h)

    h = jnp.dot(h, W2[...], preferred_element_type=jnp.float32,
                precision=lax.Precision.HIGHEST) + b2[...]
    m = jnp.sum(p * h, axis=0, keepdims=True)
    hc = h - m
    v = jnp.sum(p * hc * hc, axis=0, keepdims=True)
    h = hc * lax.rsqrt(v + EPS) * g2[...] + bt2[...]
    h = jnp.where(h >= 0, h, 0.2 * h)

    h = jnp.dot(h, W3[...], preferred_element_type=jnp.float32,
                precision=lax.Precision.HIGHEST) + b3[...]
    m = jnp.sum(p * h, axis=0, keepdims=True)
    hc = h - m
    v = jnp.sum(p * hc * hc, axis=0, keepdims=True)
    h = hc * lax.rsqrt(v + EPS) * g3[...] + bt3[...]
    h = jnp.where(h >= 0, h, 0.2 * h)

    psi = jnp.dot(h, W4[...], preferred_element_type=jnp.float32,
                  precision=lax.Precision.HIGHEST) + b4[...]

    dbar_o[...] = dbar
    psi_o[...] = psi

    deg = jnp.sum(degp[...], axis=1, keepdims=True)
    deg = jnp.where(deg == 0.0, 1.0, deg)
    dinv_o[...] = lax.rsqrt(deg)


def _build_tables(cntp, dsump, d2sump, degp,
                  W1, b1, g1, bt1, W2, b2, g2, bt2, W3, b3, g3, bt3, W4, b4):
    return pl.pallas_call(
        _d_body,
        out_shape=(
            jax.ShapeDtypeStruct((T, 1), jnp.float32),
            jax.ShapeDtypeStruct((T, 1), jnp.float32),
            jax.ShapeDtypeStruct((N, 1), jnp.float32),
        ),
    )(cntp, dsump, d2sump, degp,
      W1, b1.reshape(1, -1), g1.reshape(1, -1), bt1.reshape(1, -1),
      W2, b2.reshape(1, -1), g2.reshape(1, -1), bt2.reshape(1, -1),
      W3, b3.reshape(1, -1), g3.reshape(1, -1), bt3.reshape(1, -1),
      W4, b4.reshape(1, -1))


def _e_body(row_h, col_h, d_hbm, dbar_h, psi_h, dinv_h, xp_h, out_h,
            dinv_v, dbar_v, psi_v, rowb, colb, db, wb,
            srcbuf, dstbuf, gbuf, acc_ref, sem):
    cid = lax.axis_index("c")
    sid = lax.axis_index("s")
    base = pl.multiple_of(sid * EPS_E, 16)

    pltpu.sync_copy(dinv_h, dinv_v)
    pltpu.sync_copy(dbar_h, dbar_v)
    pltpu.sync_copy(psi_h, psi_v)

    zf = jnp.zeros((16,), jnp.float32)

    def zg(j, _):
        for k in range(8):
            gbuf[j, pl.ds(k * 16, 16)] = zf
        return 0

    lax.fori_loop(0, CH, zg, 0)

    @pl.when(sid < 10)
    def _():
        zbase = pl.multiple_of(sid * 1000, 8)
        for k in range(12):
            pltpu.sync_copy(gbuf, acc_ref.at[pl.ds(zbase + k * CH, CH)])
        pltpu.sync_copy(gbuf.at[pl.ds(0, 40)],
                        acc_ref.at[pl.ds(zbase + 960, 40)])
    plsc.subcore_barrier()

    noff = cid * N

    def super_chunk(sc_i, _):
        soff = pl.multiple_of(base + sc_i * SCH, 16)
        pltpu.sync_copy(row_h.at[pl.ds(soff, SCH)], rowb)
        pltpu.sync_copy(col_h.at[pl.ds(soff, SCH)], colb)
        pltpu.sync_copy(d_hbm.at[pl.ds(soff, SCH)], db)

        def wv_body(j, _):
            sl = pl.ds(j * 16, 16)
            r = rowb[sl]
            c = colb[sl]
            d = db[sl]
            b = jnp.clip((d * INV).astype(jnp.int32), 0, T - 1)
            db_b = plsc.load_gather(dbar_v, [b])
            go_r = d >= db_b
            li = jnp.clip(jnp.where(go_r, b, b - 1), 0, T - 1)
            ri = jnp.clip(jnp.where(go_r, b + 1, b), 0, T - 1)
            dl = plsc.load_gather(dbar_v, [li])
            dr = plsc.load_gather(dbar_v, [ri])
            pl_ = plsc.load_gather(psi_v, [li])
            pr = plsc.load_gather(psi_v, [ri])
            t = (d - dl) / jnp.maximum(dr - dl, 1e-12)
            psi_e = pl_ + t * (pr - pl_)
            w = plsc.load_gather(dinv_v, [r]) * plsc.load_gather(dinv_v, [c])
            wb[sl] = w * psi_e
            return 0

        lax.fori_loop(0, SCH // 16, wv_body, 0)

        def run_dir(srcb, dstb):
            def chunk(ch, _):
                off = pl.multiple_of(ch * CH, 16)

                def cp(i, _):
                    sl = pl.ds(i * 16, 16)
                    gs = pl.ds(off + i * 16, 16)
                    srcbuf[sl] = srcb[gs] + noff
                    dstbuf[sl] = dstb[gs]
                    return 0

                lax.fori_loop(0, CH // 16, cp, 0)
                pltpu.async_copy(xp_h.at[srcbuf], gbuf, sem).wait()

                def row(j, _):
                    widx = jnp.zeros((16,), jnp.int32) + (off + j)
                    wv = plsc.load_gather(wb, [widx])
                    for k in range(8):
                        sl = pl.ds(k * 16, 16)
                        gbuf[j, sl] = gbuf[j, sl] * wv
                    return 0

                lax.fori_loop(0, CH, row, 0)
                pltpu.sync_copy(gbuf, acc_ref.at[dstbuf], add=True)
                return 0

            lax.fori_loop(0, SCH // CH, chunk, 0)

        run_dir(colb, rowb)
        run_dir(rowb, colb)
        return 0

    lax.fori_loop(0, EPS_E // SCH, super_chunk, 0)

    plsc.subcore_barrier()

    @pl.when(sid < 10)
    def _():
        rows = 1000
        doff = pl.multiple_of(cid * N + sid * rows, 8)
        pltpu.sync_copy(acc_ref.at[pl.ds(sid * rows, rows)],
                        out_h.at[pl.ds(doff, rows)])


def _pass_e(row_h, col_h, d_hbm, dbar, psi, dinv, xp2):
    f = pl.kernel(
        _e_body,
        out_type=jax.ShapeDtypeStruct((2 * N, 128), jnp.float32),
        mesh=_sc_mesh(),
        compiler_params=pltpu.CompilerParams(needs_layout_passes=False),
        scratch_types=[
            pltpu.VMEM((N,), jnp.float32),
            pltpu.VMEM((T,), jnp.float32),
            pltpu.VMEM((T,), jnp.float32),
            pltpu.VMEM((SCH,), jnp.int32),
            pltpu.VMEM((SCH,), jnp.int32),
            pltpu.VMEM((SCH,), jnp.float32),
            pltpu.VMEM((SCH,), jnp.float32),
            pltpu.VMEM((CH,), jnp.int32),
            pltpu.VMEM((CH,), jnp.int32),
            pltpu.VMEM((CH, 128), jnp.float32),
            pltpu.VMEM_SHARED((N, 128), jnp.float32),
            pltpu.SemaphoreType.DMA,
        ],
    )
    xp_flat = xp2.reshape(2 * N, 128)
    return f(row_h, col_h, d_hbm, dbar, psi, dinv, xp_flat)


def _f_body(a_ref, pos_ref, o_ref):
    o_ref[:, :128] = jnp.maximum(a_ref[0], 0.0)
    o_ref[:, 128:256] = jnp.maximum(a_ref[1], 0.0)
    o_ref[:, 256:259] = pos_ref[...]


def _finalize(acc2, pos):
    blk = 400
    return pl.pallas_call(
        _f_body,
        grid=(N // blk,),
        in_specs=[
            pl.BlockSpec((2, blk, 128), lambda i: (0, i, 0)),
            pl.BlockSpec((blk, 3), lambda i: (i, 0)),
        ],
        out_specs=pl.BlockSpec((blk, 259), lambda i: (i, 0)),
        out_shape=jax.ShapeDtypeStruct((N, 259), jnp.float32),
    )(acc2, pos)


def kernel(pos, x, edge_index, W_node, b_node,
           W1, b1, g1, bt1, W2, b2, g2, bt2, W3, b3, g3, bt3, W4, b4):
    row_h = edge_index[0]
    col_h = edge_index[1]
    px_h, py_h, pz_h = pos[:, 0], pos[:, 1], pos[:, 2]
    xp2 = _x_proj(x, W_node, b_node)
    d_hbm, cntp, dsump, d2sump, degp = _pass_b(row_h, col_h, px_h, py_h, pz_h)
    dbar, psi, dinv = _build_tables(
        cntp.reshape(NW, T).T, dsump.reshape(NW, T).T,
        d2sump.reshape(NW, T).T, degp.reshape(NW, N).T,
        W1, b1, g1, bt1, W2, b2, g2, bt2, W3, b3, g3, bt3, W4, b4)
    acc2 = _pass_e(row_h, col_h, d_hbm,
                   dbar.reshape(T), psi.reshape(T), dinv.reshape(N), xp2)
    return _finalize(acc2.reshape(2, N, 128), pos)

# --- scband reference (transcript-rebuilt; emitter-appended) ---
"""Pipeline reference for scband-peglayer-34308198761093 (READ-ONLY COPY).

The authoritative reference and input builder live on the scoring server;
editing this copy changes nothing except your own understanding.
"""

import jax, jax.numpy as jnp
import numpy as np

N = 10000
E = 160000
DIN = 256
DOUT = 256
EMB = 256
EPS = 1e-5


def setup_inputs(seed: int = 0) -> dict:
    key = jax.random.key(seed)
    ks = jax.random.split(key, 24)
    inp = {}
    inp["pos"] = jax.random.normal(ks[0], (N, 3), dtype=jnp.float32)
    inp["x"] = jax.random.normal(ks[1], (N, DIN), dtype=jnp.float32)
    inp["edge_index"] = jax.random.randint(ks[2], (2, E), 0, N, dtype=jnp.int32)
    # node projection (nn.Linear(node_input_dimension, node_output_dimension))
    inp["W_node"] = jax.random.normal(ks[3], (DIN, DOUT), dtype=jnp.float32) / np.sqrt(DIN)
    inp["b_node"] = jnp.zeros((DOUT,), dtype=jnp.float32)
    # distance embedding MLP: 1 -> 256 -> 512 -> 256 -> 1, each hidden layer has BatchNorm
    inp["W1"] = jax.random.normal(ks[4], (1, EMB), dtype=jnp.float32)
    inp["b1"] = jnp.zeros((EMB,), dtype=jnp.float32)
    inp["g1"] = jnp.ones((EMB,), dtype=jnp.float32)
    inp["bt1"] = jnp.zeros((EMB,), dtype=jnp.float32)
    inp["W2"] = jax.random.normal(ks[5], (EMB, 512), dtype=jnp.float32) / np.sqrt(EMB)
    inp["b2"] = jnp.zeros((512,), dtype=jnp.float32)
    inp["g2"] = jnp.ones((512,), dtype=jnp.float32)
    inp["bt2"] = jnp.zeros((512,), dtype=jnp.float32)
    inp["W3"] = jax.random.normal(ks[6], (512, 256), dtype=jnp.float32) / np.sqrt(512)
    inp["b3"] = jnp.zeros((256,), dtype=jnp.float32)
    inp["g3"] = jnp.ones((256,), dtype=jnp.float32)
    inp["bt3"] = jnp.zeros((256,), dtype=jnp.float32)
    inp["W4"] = jax.random.normal(ks[7], (256, 1), dtype=jnp.float32) / np.sqrt(256)
    inp["b4"] = jnp.zeros((1,), dtype=jnp.float32)
    return inp


def _bn(h, g, b):
    # BatchNorm1d in training mode: batch statistics per feature
    m = jnp.mean(h, axis=0)
    v = jnp.var(h, axis=0)
    return (h - m) / jnp.sqrt(v + EPS) * g + b


def _lrelu(h):
    return jnp.where(h >= 0, h, 0.2 * h)


def reference(pos, x, edge_index, W_node, b_node, W1, b1, g1, bt1, W2, b2, g2, bt2, W3, b3, g3, bt3, W4, b4):
    row = edge_index[0]
    col = edge_index[1]
    # per-edge L2 distance (num_edges, 1)
    dist = jnp.linalg.norm(pos[row] - pos[col], axis=-1, keepdims=True)
    # distance embedding MLP (dropout is identity in eval)
    h = dist @ W1 + b1
    h = _lrelu(_bn(h, g1, bt1))
    h = h @ W2 + b2
    h = _lrelu(_bn(h, g2, bt2))
    h = h @ W3 + b3
    h = _lrelu(_bn(h, g3, bt3))
    demb = h @ W4 + b4  # (E, 1)
    # node projection
    x_proj = x @ W_node + b_node
    # normalized adjacency coefficients
    deg = jnp.bincount(row, length=N).astype(jnp.float32)
    deg = jnp.where(deg == 0, 1.0, deg)
    dinv = deg ** -0.5
    norm = (dinv[row] * dinv[col]).reshape(-1, 1)
    w = norm * demb  # (E, 1)
    # symmetric scatter-add aggregation
    aggr = jnp.zeros_like(x_proj)
    aggr = aggr.at[row].add(w * x_proj[col])
    aggr = aggr.at[col].add(w * x_proj[row])
    aggr = jnp.maximum(aggr, 0.0)
    return jnp.concatenate([aggr, pos], axis=-1)

if __name__ == "__main__":
    import jax
    _d = setup_inputs()
    print(jax.jit(kernel)(*tuple(_d.values())))

</pallas_src>

<mosaic_0001>
#map = affine_map<(d0, d1) -> (0)>
module attributes {stable_mosaic.version = 14 : i64} {
  func.func @_b_body(%arg0: i32, %arg1: i32, %arg2: memref<160000xi32, #tpu.memory_space<hbm>>, %arg3: memref<160000xi32, #tpu.memory_space<hbm>>, %arg4: memref<10000xf32, #tpu.memory_space<hbm>>, %arg5: memref<10000xf32, #tpu.memory_space<hbm>>, %arg6: memref<10000xf32, #tpu.memory_space<hbm>>, %arg7: memref<160000xf32, #tpu.memory_space<hbm>>, %arg8: memref<131072xf32, #tpu.memory_space<hbm>>, %arg9: memref<131072xf32, #tpu.memory_space<hbm>>, %arg10: memref<131072xf32, #tpu.memory_space<hbm>>, %arg11: memref<320000xf32, #tpu.memory_space<hbm>>, %arg12: memref<10000xf32, #tpu.memory_space<vmem>>, %arg13: memref<10000xf32, #tpu.memory_space<vmem>>, %arg14: memref<10000xf32, #tpu.memory_space<vmem>>, %arg15: memref<5008xi32, #tpu.memory_space<vmem>>, %arg16: memref<5008xi32, #tpu.memory_space<vmem>>, %arg17: memref<5008xf32, #tpu.memory_space<vmem>>, %arg18: memref<4096xf32, #tpu.memory_space<vmem>>, %arg19: memref<4096xf32, #tpu.memory_space<vmem>>, %arg20: memref<4096xf32, #tpu.memory_space<vmem>>, %arg21: memref<10000xf32, #tpu.memory_space<vmem>>) attributes {dimension_semantics = [#tpu.dimension_semantics<core_parallel>, #tpu.dimension_semantics<subcore_parallel>], iteration_bounds = array<i64: 2, 16>, scalar_prefetch = 0 : i64, scratch_operands = 10 : i64, tpu.core_type = #tpu.core_type<sc_vector_subcore>, window_params = [{transform_indices = #map}, {transform_indices = #map}, {transform_indices = #map}, {transform_indices = #map}, {transform_indices = #map}, {transform_indices = #map}, {transform_indices = #map}, {transform_indices = #map}, {transform_indices = #map}, {transform_indices = #map}]} {
    %mul3A = arith.constant 2 : i32
    %mul3A_0 = arith.muli %arg1, %mul3A : i32
    %add3A = arith.addi %mul3A_0, %arg0 : i32
    %lt3A = arith.constant 16 : i32
    %lt3A_1 = arith.cmpi slt, %add3A, %lt3A : i32
    %mul3A_2 = arith.constant 5008 : i32
    %mul3A_3 = arith.muli %add3A, %mul3A_2 : i32
    %sub3A = arith.constant 16 : i32
    %sub3A_4 = arith.subi %add3A, %sub3A : i32
    %mul3A_5 = arith.constant 4992 : i32
    %mul3A_6 = arith.muli %sub3A_4, %mul3A_5 : i32
    %add3A_7 = arith.constant 80128 : i32
    %add3A_8 = arith.addi %add3A_7, %mul3A_6 : i32
    %select_n3A = arith.select %lt3A_1, %mul3A_3, %add3A_8 : i32
    %multiple_of3A = tpu.assume_multiple %select_n3A, 16 : i32
    %broadcast_in_dim3A = arith.constant 0.000000e+00 : f32
    %broadcast_in_dim3A_9 = vector.broadcast %broadcast_in_dim3A : f32 to vector<16xf32>
    %scan3A = arith.constant 0 : i32
    %scan3A_10 = arith.constant 0 : i32
    %scan3A_11 = arith.constant 256 : i32
    %scan3A_12 = arith.addi %scan3A_10, %scan3A_11 : i32
    %scan3A_13 = arith.constant 1 : i32
    %scan3A_14 = scf.for %scan3A_51 = %scan3A_10 to %scan3A_12 step %scan3A_13 iter_args(%scan3A_52 = %scan3A) -> (i32)  : i32 {
      %mul3A_53 = arith.constant 16 : i32
      %mul3A_54 = arith.muli %scan3A_51, %mul3A_53 : i32
      %swap3A = arith.index_cast %mul3A_54 : i32 to index
      %swap3A_55 = tpu.vector_load %arg18[%swap3A] {strides = array<i32>} : memref<4096xf32, #tpu.memory_space<vmem>>, vector<16xf32>,
      tpu.vector_store %arg18[%swap3A], %broadcast_in_dim3A_9 {strides = array<i32>} : memref<4096xf32, #tpu.memory_space<vmem>>, vector<16xf32>,
      %swap3A_56 = arith.index_cast %mul3A_54 : i32 to index
      %swap3A_57 = tpu.vector_load %arg19[%swap3A_56] {strides = array<i32>} : memref<4096xf32, #tpu.memory_space<vmem>>, vector<16xf32>,
      tpu.vector_store %arg19[%swap3A_56], %broadcast_in_dim3A_9 {strides = array<i32>} : memref<4096xf32, #tpu.memory_space<vmem>>, vector<16xf32>,
      %swap3A_58 = arith.index_cast %mul3A_54 : i32 to index
      %swap3A_59 = tpu.vector_load %arg20[%swap3A_58] {strides = array<i32>} : memref<4096xf32, #tpu.memory_space<vmem>>, vector<16xf32>,
      tpu.vector_store %arg20[%swap3A_58], %broadcast_in_dim3A_9 {strides = array<i32>} : memref<4096xf32, #tpu.memory_space<vmem>>, vector<16xf32>,
      %scan3A_60 = arith.constant 0 : i32
      scf.yield %scan3A_60 : i32
    }
    %scan3A_15 = arith.constant 256 : i32
    %scan3A_16 = arith.constant 0 : i32
    %scan3A_17 = arith.constant 0 : i32
    %scan3A_18 = arith.constant 625 : i32
    %scan3A_19 = arith.addi %scan3A_17, %scan3A_18 : i32
    %scan3A_20 = arith.constant 1 : i32
    %scan3A_21 = scf.for %scan3A_51 = %scan3A_17 to %scan3A_19 step %scan3A_20 iter_args(%scan3A_52 = %scan3A_16) -> (i32)  : i32 {
      %mul3A_53 = arith.constant 16 : i32
      %mul3A_54 = arith.muli %scan3A_51, %mul3A_53 : i32
      %swap3A = arith.index_cast %mul3A_54 : i32 to index
      %swap3A_55 = tpu.vector_load %arg21[%swap3A] {strides = array<i32>} : memref<10000xf32, #tpu.memory_space<vmem>>, vector<16xf32>,
      tpu.vector_store %arg21[%swap3A], %broadcast_in_dim3A_9 {strides = array<i32>} : memref<10000xf32, #tpu.memory_space<vmem>>, vector<16xf32>,
      %scan3A_56 = arith.constant 0 : i32
      scf.yield %scan3A_56 : i32
    }
    %scan3A_22 = arith.constant 625 : i32
    "tpu.region"() ({
      %run_scoped3A = tpu.sem_alloc : memref<!tpu.dma_semaphore, #tpu.memory_space<semaphore_mem>>
      tpu.enqueue_dma source(%arg4 : memref<10000xf32, #tpu.memory_space<hbm>>) target(%arg12 : memref<10000xf32, #tpu.memory_space<vmem>>) target_semaphore(%run_scoped3A : memref<!tpu.dma_semaphore, #tpu.memory_space<semaphore_mem>>)
      tpu.wait_dma2 semaphore(%run_scoped3A : memref<!tpu.dma_semaphore, #tpu.memory_space<semaphore_mem>>) src(%arg4 : memref<10000xf32, #tpu.memory_space<hbm>>) dst(%arg12 : memref<10000xf32, #tpu.memory_space<vmem>>)
      tpu.yield
    }) : () -> ()
    "tpu.region"() ({
      %run_scoped3A = tpu.sem_alloc : memref<!tpu.dma_semaphore, #tpu.memory_space<semaphore_mem>>
      tpu.enqueue_dma source(%arg5 : memref<10000xf32, #tpu.memory_space<hbm>>) target(%arg13 : memref<10000xf32, #tpu.memory_space<vmem>>) target_semaphore(%run_scoped3A : memref<!tpu.dma_semaphore, #tpu.memory_space<semaphore_mem>>)
      tpu.wait_dma2 semaphore(%run_scoped3A : memref<!tpu.dma_semaphore, #tpu.memory_space<semaphore_mem>>) src(%arg5 : memref<10000xf32, #tpu.memory_space<hbm>>) dst(%arg13 : memref<10000xf32, #tpu.memory_space<vmem>>)
      tpu.yield
    }) : () -> ()
    "tpu.region"() ({
      %run_scoped3A = tpu.sem_alloc : memref<!tpu.dma_semaphore, #tpu.memory_space<semaphore_mem>>
      tpu.enqueue_dma source(%arg6 : memref<10000xf32, #tpu.memory_space<hbm>>) target(%arg14 : memref<10000xf32, #tpu.memory_space<vmem>>) target_semaphore(%run_scoped3A : memref<!tpu.dma_semaphore, #tpu.memory_space<semaphore_mem>>)
      tpu.wait_dma2 semaphore(%run_scoped3A : memref<!tpu.dma_semaphore, #tpu.memory_space<semaphore_mem>>) src(%arg6 : memref<10000xf32, #tpu.memory_space<hbm>>) dst(%arg14 : memref<10000xf32, #tpu.memory_space<vmem>>)
      tpu.yield
    }) : () -> ()
    "tpu.region"() ({
      %run_scoped3A = tpu.sem_alloc : memref<!tpu.dma_semaphore, #tpu.memory_space<semaphore_mem>>
      %dma_start3A = arith.constant 0 : i32
      %dma_start3A_51 = tpu.memref_slice %arg15[%dma_start3A] : memref<5008xi32, #tpu.memory_space<vmem>> -> memref<4992xi32, #tpu.memory_space<vmem>>
      %dma_start3A_52 = tpu.memref_slice %arg2[%multiple_of3A] : memref<160000xi32, #tpu.memory_space<hbm>> -> memref<4992xi32, #tpu.memory_space<hbm>>
      %dma_start3A_53 = arith.constant 0 : i32
      %dma_start3A_54 = tpu.memref_slice %arg15[%dma_start3A_53] : memref<5008xi32, #tpu.memory_space<vmem>> -> memref<4992xi32, #tpu.memory_space<vmem>>
      %dma_start3A_55 = tpu.memref_slice %arg2[%multiple_of3A] : memref<160000xi32, #tpu.memory_space<hbm>> -> memref<4992xi32, #tpu.memory_space<hbm>>
      tpu.enqueue_dma source(%dma_start3A_55 : memref<4992xi32, #tpu.memory_space<hbm>>) target(%dma_start3A_54 : memref<4992xi32, #tpu.memory_space<vmem>>) target_semaphore(%run_scoped3A : memref<!tpu.dma_semaphore, #tpu.memory_space<semaphore_mem>>)
      %dma_wait3A = arith.constant 0 : i32
      %dma_wait3A_56 = tpu.memref_slice %arg15[%dma_wait3A] : memref<5008xi32, #tpu.memory_space<vmem>> -> memref<4992xi32, #tpu.memory_space<vmem>>
      %dma_wait3A_57 = tpu.memref_slice %arg2[%multiple_of3A] : memref<160000xi32, #tpu.memory_space<hbm>> -> memref<4992xi32, #tpu.memory_space<hbm>>
      %dma_wait3A_58 = arith.constant 0 : i32
      %dma_wait3A_59 = tpu.memref_slice %arg15[%dma_wait3A_58] : memref<5008xi32, #tpu.memory_space<vmem>> -> memref<4992xi32, #tpu.memory_space<vmem>>
      %dma_wait3A_60 = tpu.memref_slice %arg2[%multiple_of3A] : memref<160000xi32, #tpu.memory_space<hbm>> -> memref<4992xi32, #tpu.memory_space<hbm>>
      tpu.wait_dma2 semaphore(%run_scoped3A : memref<!tpu.dma_semaphore, #tpu.memory_space<semaphore_mem>>) src(%dma_wait3A_60 : memref<4992xi32, #tpu.memory_space<hbm>>) dst(%dma_wait3A_59 : memref<4992xi32, #tpu.memory_space<vmem>>)
      tpu.yield
    }) : () -> ()
    "tpu.region"() ({
      %run_scoped3A = tpu.sem_alloc : memref<!tpu.dma_semaphore, #tpu.memory_space<semaphore_mem>>
      %dma_start3A = arith.constant 0 : i32
      %dma_start3A_51 = tpu.memref_slice %arg16[%dma_start3A] : memref<5008xi32, #tpu.memory_space<vmem>> -> memref<4992xi32, #tpu.memory_space<vmem>>
      %dma_start3A_52 = tpu.memref_slice %arg3[%multiple_of3A] : memref<160000xi32, #tpu.memory_space<hbm>> -> memref<4992xi32, #tpu.memory_space<hbm>>
      %dma_start3A_53 = arith.constant 0 : i32
      %dma_start3A_54 = tpu.memref_slice %arg16[%dma_start3A_53] : memref<5008xi32, #tpu.memory_space<vmem>> -> memref<4992xi32, #tpu.memory_space<vmem>>
      %dma_start3A_55 = tpu.memref_slice %arg3[%multiple_of3A] : memref<160000xi32, #tpu.memory_space<hbm>> -> memref<4992xi32, #tpu.memory_space<hbm>>
      tpu.enqueue_dma source(%dma_start3A_55 : memref<4992xi32, #tpu.memory_space<hbm>>) target(%dma_start3A_54 : memref<4992xi32, #tpu.memory_space<vmem>>) target_semaphore(%run_scoped3A : memref<!tpu.dma_semaphore, #tpu.memory_space<semaphore_mem>>)
      %dma_wait3A = arith.constant 0 : i32
      %dma_wait3A_56 = tpu.memref_slice %arg16[%dma_wait3A] : memref<5008xi32, #tpu.memory_space<vmem>> -> memref<4992xi32, #tpu.memory_space<vmem>>
      %dma_wait3A_57 = tpu.memref_slice %arg3[%multiple_of3A] : memref<160000xi32, #tpu.memory_space<hbm>> -> memref<4992xi32, #tpu.memory_space<hbm>>
      %dma_wait3A_58 = arith.constant 0 : i32
      %dma_wait3A_59 = tpu.memref_slice %arg16[%dma_wait3A_58] : memref<5008xi32, #tpu.memory_space<vmem>> -> memref<4992xi32, #tpu.memory_space<vmem>>
      %dma_wait3A_60 = tpu.memref_slice %arg3[%multiple_of3A] : memref<160000xi32, #tpu.memory_space<hbm>> -> memref<4992xi32, #tpu.memory_space<hbm>>
      tpu.wait_dma2 semaphore(%run_scoped3A : memref<!tpu.dma_semaphore, #tpu.memory_space<semaphore_mem>>) src(%dma_wait3A_60 : memref<4992xi32, #tpu.memory_space<hbm>>) dst(%dma_wait3A_59 : memref<4992xi32, #tpu.memory_space<vmem>>)
      tpu.yield
    }) : () -> ()
    %lt3A_23 = arith.constant 16 : i32
    %lt3A_24 = arith.cmpi slt, %add3A, %lt3A_23 : i32
    %convert_element_type3A = arith.extui %lt3A_24 : i1 to i32
    %cond3A = arith.constant 0 : i32
    %cond3A_25 = arith.cmpi ne, %convert_element_type3A, %cond3A : i32
    scf.if %cond3A_25 {
      %add3A_51 = arith.constant 4992 : i32
      %add3A_52 = arith.addi %multiple_of3A, %add3A_51 : i32
      "tpu.region"() ({
        %run_scoped3A = tpu.sem_alloc : memref<!tpu.dma_semaphore, #tpu.memory_space<semaphore_mem>>
        %dma_start3A = arith.constant 4992 : i32
        %dma_start3A_55 = tpu.memref_slice %arg15[%dma_start3A] : memref<5008xi32, #tpu.memory_space<vmem>> -> memref<16xi32, #tpu.memory_space<vmem>>
        %dma_start3A_56 = tpu.memref_slice %arg2[%add3A_52] : memref<160000xi32, #tpu.memory_space<hbm>> -> memref<16xi32, #tpu.memory_space<hbm>>
        %dma_start3A_57 = arith.constant 4992 : i32
        %dma_start3A_58 = tpu.memref_slice %arg15[%dma_start3A_57] : memref<5008xi32, #tpu.memory_space<vmem>> -> memref<16xi32, #tpu.memory_space<vmem>>
        %dma_start3A_59 = tpu.memref_slice %arg2[%add3A_52] : memref<160000xi32, #tpu.memory_space<hbm>> -> memref<16xi32, #tpu.memory_space<hbm>>
        tpu.enqueue_dma source(%dma_start3A_59 : memref<16xi32, #tpu.memory_space<hbm>>) target(%dma_start3A_58 : memref<16xi32, #tpu.memory_space<vmem>>) target_semaphore(%run_scoped3A : memref<!tpu.dma_semaphore, #tpu.memory_space<semaphore_mem>>)
        %dma_wait3A = arith.constant 4992 : i32
        %dma_wait3A_60 = tpu.memref_slice %arg15[%dma_wait3A] : memref<5008xi32, #tpu.memory_space<vmem>> -> memref<16xi32, #tpu.memory_space<vmem>>
        %dma_wait3A_61 = tpu.memref_slice %arg2[%add3A_52] : memref<160000xi32, #tpu.memory_space<hbm>> -> memref<16xi32, #tpu.memory_space<hbm>>
        %dma_wait3A_62 = arith.constant 4992 : i32
        %dma_wait3A_63 = tpu.memref_slice %arg15[%dma_wait3A_62] : memref<5008xi32, #tpu.memory_space<vmem>> -> memref<16xi32, #tpu.memory_space<vmem>>
        %dma_wait3A_64 = tpu.memref_slice %arg2[%add3A_52] : memref<160000xi32, #tpu.memory_space<hbm>> -> memref<16xi32, #tpu.memory_space<hbm>>
        tpu.wait_dma2 semaphore(%run_scoped3A : memref<!tpu.dma_semaphore, #tpu.memory_space<semaphore_mem>>) src(%dma_wait3A_64 : memref<16xi32, #tpu.memory_space<hbm>>) dst(%dma_wait3A_63 : memref<16xi32, #tpu.memory_space<vmem>>)
        tpu.yield
      }) : () -> ()
      %add3A_53 = arith.constant 4992 : i32
      %add3A_54 = arith.addi %multiple_of3A, %add3A_53 : i32
      "tpu.region"() ({
        %run_scoped3A = tpu.sem_alloc : memref<!tpu.dma_semaphore, #tpu.memory_space<semaphore_mem>>
        %dma_start3A = arith.constant 4992 : i32
        %dma_start3A_55 = tpu.memref_slice %arg16[%dma_start3A] : memref<5008xi32, #tpu.memory_space<vmem>> -> memref<16xi32, #tpu.memory_space<vmem>>
        %dma_start3A_56 = tpu.memref_slice %arg3[%add3A_54] : memref<160000xi32, #tpu.memory_space<hbm>> -> memref<16xi32, #tpu.memory_space<hbm>>
        %dma_start3A_57 = arith.constant 4992 : i32
        %dma_start3A_58 = tpu.memref_slice %arg16[%dma_start3A_57] : memref<5008xi32, #tpu.memory_space<vmem>> -> memref<16xi32, #tpu.memory_space<vmem>>
        %dma_start3A_59 = tpu.memref_slice %arg3[%add3A_54] : memref<160000xi32, #tpu.memory_space<hbm>> -> memref<16xi32, #tpu.memory_space<hbm>>
        tpu.enqueue_dma source(%dma_start3A_59 : memref<16xi32, #tpu.memory_space<hbm>>) target(%dma_start3A_58 : memref<16xi32, #tpu.memory_space<vmem>>) target_semaphore(%run_scoped3A : memref<!tpu.dma_semaphore, #tpu.memory_space<semaphore_mem>>)
        %dma_wait3A = arith.constant 4992 : i32
        %dma_wait3A_60 = tpu.memref_slice %arg16[%dma_wait3A] : memref<5008xi32, #tpu.memory_space<vmem>> -> memref<16xi32, #tpu.memory_space<vmem>>
        %dma_wait3A_61 = tpu.memref_slice %arg3[%add3A_54] : memref<160000xi32, #tpu.memory_space<hbm>> -> memref<16xi32, #tpu.memory_space<hbm>>
        %dma_wait3A_62 = arith.constant 4992 : i32
        %dma_wait3A_63 = tpu.memref_slice %arg16[%dma_wait3A_62] : memref<5008xi32, #tpu.memory_space<vmem>> -> memref<16xi32, #tpu.memory_space<vmem>>
        %dma_wait3A_64 = tpu.memref_slice %arg3[%add3A_54] : memref<160000xi32, #tpu.memory_space<hbm>> -> memref<16xi32, #tpu.memory_space<hbm>>
        tpu.wait_dma2 semaphore(%run_scoped3A : memref<!tpu.dma_semaphore, #tpu.memory_space<semaphore_mem>>) src(%dma_wait3A_64 : memref<16xi32, #tpu.memory_space<hbm>>) dst(%dma_wait3A_63 : memref<16xi32, #tpu.memory_space<vmem>>)
        tpu.yield
      }) : () -> ()
    } else {
    }
    %broadcast_in_dim3A_26 = arith.constant 1.000000e+00 : f32
    %broadcast_in_dim3A_27 = vector.broadcast %broadcast_in_dim3A_26 : f32 to vector<16xf32>
    %scan3A_28 = arith.constant 0 : i32
    %scan3A_29 = arith.constant 0 : i32
    %scan3A_30 = arith.constant 312 : i32
    %scan3A_31 = arith.addi %scan3A_29, %scan3A_30 : i32
    %scan3A_32 = arith.constant 1 : i32
    %scan3A_33 = scf.for %scan3A_51 = %scan3A_29 to %scan3A_31 step %scan3A_32 iter_args(%scan3A_52 = %scan3A_28) -> (i32)  : i32 {
      %mul3A_53 = arith.constant 16 : i32
      %mul3A_54 = arith.muli %scan3A_51, %mul3A_53 : i32
      %get3A = arith.index_cast %mul3A_54 : i32 to index
      %get3A_55 = tpu.vector_load %arg15[%get3A] {strides = array<i32>} : memref<5008xi32, #tpu.memory_space<vmem>>, vector<16xi32>,
      %get3A_56 = arith.index_cast %mul3A_54 : i32 to index
      %get3A_57 = tpu.vector_load %arg16[%get3A_56] {strides = array<i32>} : memref<5008xi32, #tpu.memory_space<vmem>>, vector<16xi32>,
      %gather3A = tpu.vector_load_idx %arg12[%get3A_55] : memref<10000xf32, #tpu.memory_space<vmem>>[vector<16xi32>], vector<16xf32>,
      %gather3A_58 = tpu.vector_load_idx %arg12[%get3A_57] : memref<10000xf32, #tpu.memory_space<vmem>>[vector<16xi32>], vector<16xf32>,
      %sub3A_59 = arith.subf %gather3A, %gather3A_58 : vector<16xf32>
      %gather3A_60 = tpu.vector_load_idx %arg13[%get3A_55] : memref<10000xf32, #tpu.memory_space<vmem>>[vector<16xi32>], vector<16xf32>,
      %gather3A_61 = tpu.vector_load_idx %arg13[%get3A_57] : memref<10000xf32, #tpu.memory_space<vmem>>[vector<16xi32>], vector<16xf32>,
      %sub3A_62 = arith.subf %gather3A_60, %gather3A_61 : vector<16xf32>
      %gather3A_63 = tpu.vector_load_idx %arg14[%get3A_55] : memref<10000xf32, #tpu.memory_space<vmem>>[vector<16xi32>], vector<16xf32>,
      %gather3A_64 = tpu.vector_load_idx %arg14[%get3A_57] : memref<10000xf32, #tpu.memory_space<vmem>>[vector<16xi32>], vector<16xf32>,
      %sub3A_65 = arith.subf %gather3A_63, %gather3A_64 : vector<16xf32>
      %mul3A_66 = arith.mulf %sub3A_59, %sub3A_59 : vector<16xf32>
      %mul3A_67 = arith.mulf %sub3A_62, %sub3A_62 : vector<16xf32>
      %add3A_68 = arith.addf %mul3A_66, %mul3A_67 : vector<16xf32>
      %mul3A_69 = arith.mulf %sub3A_65, %sub3A_65 : vector<16xf32>
      %add3A_70 = arith.addf %add3A_68, %mul3A_69 : vector<16xf32>
      %bitcast3A = vector.bitcast %add3A_70 : vector<16xf32> to vector<16xi32>
      %shift_right_arithmetic3A = arith.constant 1 : i32
      %shift_right_arithmetic3A_71 = vector.broadcast %shift_right_arithmetic3A : i32 to vector<16xi32>
      %shift_right_arithmetic3A_72 = arith.shrsi %bitcast3A, %shift_right_arithmetic3A_71 : vector<16xi32>
      %add3A_73 = arith.constant 532487669 : i32
      %add3A_74 = vector.broadcast %add3A_73 : i32 to vector<16xi32>
      %add3A_75 = arith.addi %shift_right_arithmetic3A_72, %add3A_74 : vector<16xi32>
      %bitcast3A_76 = vector.bitcast %add3A_75 : vector<16xi32> to vector<16xf32>
      %div3A = arith.divf %add3A_70, %bitcast3A_76 : vector<16xf32>
      %add3A_77 = arith.addf %bitcast3A_76, %div3A : vector<16xf32>
      %mul3A_78 = arith.constant 5.000000e-01 : f32
      %mul3A_79 = vector.broadcast %mul3A_78 : f32 to vector<16xf32>
      %mul3A_80 = arith.mulf %mul3A_79, %add3A_77 : vector<16xf32>
      %div3A_81 = arith.divf %add3A_70, %mul3A_80 : vector<16xf32>
      %add3A_82 = arith.addf %mul3A_80, %div3A_81 : vector<16xf32>
      %mul3A_83 = arith.constant 5.000000e-01 : f32
      %mul3A_84 = vector.broadcast %mul3A_83 : f32 to vector<16xf32>
      %mul3A_85 = arith.mulf %mul3A_84, %add3A_82 : vector<16xf32>
      %div3A_86 = arith.divf %add3A_70, %mul3A_85 : vector<16xf32>
      %add3A_87 = arith.addf %mul3A_85, %div3A_86 : vector<16xf32>
      %mul3A_88 = arith.constant 5.000000e-01 : f32
      %mul3A_89 = vector.broadcast %mul3A_88 : f32 to vector<16xf32>
      %mul3A_90 = arith.mulf %mul3A_89, %add3A_87 : vector<16xf32>
      %swap3A = arith.index_cast %mul3A_54 : i32 to index
      %swap3A_91 = tpu.vector_load %arg17[%swap3A] {strides = array<i32>} : memref<5008xf32, #tpu.memory_space<vmem>>, vector<16xf32>,
      tpu.vector_store %arg17[%swap3A], %mul3A_90 {strides = array<i32>} : memref<5008xf32, #tpu.memory_space<vmem>>, vector<16xf32>,
      %mul3A_92 = arith.constant 1.280000e+02 : f32
      %mul3A_93 = vector.broadcast %mul3A_92 : f32 to vector<16xf32>
      %mul3A_94 = arith.mulf %mul3A_90, %mul3A_93 : vector<16xf32>
      %convert_element_type3A_95 = arith.fptosi %mul3A_94 : vector<16xf32> to vector<16xi32>
      %jit3A = arith.constant 0 : i32
      %jit3A_96 = arith.constant 4095 : i32
      %max3A = vector.broadcast %jit3A : i32 to vector<16xi32>
      %max3A_97 = arith.maxsi %max3A, %convert_element_type3A_95 : vector<16xi32>
      %min3A = vector.broadcast %jit3A_96 : i32 to vector<16xi32>
      %min3A_98 = arith.minsi %min3A, %max3A_97 : vector<16xi32>
      tpu.vector_store_idx %arg18[%min3A_98], %broadcast_in_dim3A_27 {add = true} : memref<4096xf32, #tpu.memory_space<vmem>>[vector<16xi32>], vector<16xf32>,
      tpu.vector_store_idx %arg19[%min3A_98], %mul3A_90 {add = true} : memref<4096xf32, #tpu.memory_space<vmem>>[vector<16xi32>], vector<16xf32>,
      tpu.vector_store_idx %arg20[%min3A_98], %add3A_70 {add = true} : memref<4096xf32, #tpu.memory_space<vmem>>[vector<16xi32>], vector<16xf32>,
      tpu.vector_store_idx %arg21[%get3A_55], %broadcast_in_dim3A_27 {add = true} : memref<10000xf32, #tpu.memory_space<vmem>>[vector<16xi32>], vector<16xf32>,
      %scan3A_99 = arith.constant 0 : i32
      scf.yield %scan3A_99 : i32
    }
    %scan3A_34 = arith.constant 312 : i32
    %lt3A_35 = arith.constant 16 : i32
    %lt3A_36 = arith.cmpi slt, %add3A, %lt3A_35 : i32
    %convert_element_type3A_37 = arith.extui %lt3A_36 : i1 to i32
    %cond3A_38 = arith.constant 0 : i32
    %cond3A_39 = arith.cmpi ne, %convert_element_type3A_37, %cond3A_38 : i32
    scf.if %cond3A_39 {
      %get3A = arith.constant 4992 : index
      %get3A_51 = tpu.vector_load %arg15[%get3A] {strides = array<i32>} : memref<5008xi32, #tpu.memory_space<vmem>>, vector<16xi32>,
      %get3A_52 = arith.constant 4992 : index
      %get3A_53 = tpu.vector_load %arg16[%get3A_52] {strides = array<i32>} : memref<5008xi32, #tpu.memory_space<vmem>>, vector<16xi32>,
      %gather3A = tpu.vector_load_idx %arg12[%get3A_51] : memref<10000xf32, #tpu.memory_space<vmem>>[vector<16xi32>], vector<16xf32>,
      %gather3A_54 = tpu.vector_load_idx %arg12[%get3A_53] : memref<10000xf32, #tpu.memory_space<vmem>>[vector<16xi32>], vector<16xf32>,
      %sub3A_55 = arith.subf %gather3A, %gather3A_54 : vector<16xf32>
      %gather3A_56 = tpu.vector_load_idx %arg13[%get3A_51] : memref<10000xf32, #tpu.memory_space<vmem>>[vector<16xi32>], vector<16xf32>,
      %gather3A_57 = tpu.vector_load_idx %arg13[%get3A_53] : memref<10000xf32, #tpu.memory_space<vmem>>[vector<16xi32>], vector<16xf32>,
      %sub3A_58 = arith.subf %gather3A_56, %gather3A_57 : vector<16xf32>
      %gather3A_59 = tpu.vector_load_idx %arg14[%get3A_51] : memref<10000xf32, #tpu.memory_space<vmem>>[vector<16xi32>], vector<16xf32>,
      %gather3A_60 = tpu.vector_load_idx %arg14[%get3A_53] : memref<10000xf32, #tpu.memory_space<vmem>>[vector<16xi32>], vector<16xf32>,
      %sub3A_61 = arith.subf %gather3A_59, %gather3A_60 : vector<16xf32>
      %mul3A_62 = arith.mulf %sub3A_55, %sub3A_55 : vector<16xf32>
      %mul3A_63 = arith.mulf %sub3A_58, %sub3A_58 : vector<16xf32>
      %add3A_64 = arith.addf %mul3A_62, %mul3A_63 : vector<16xf32>
      %mul3A_65 = arith.mulf %sub3A_61, %sub3A_61 : vector<16xf32>
      %add3A_66 = arith.addf %add3A_64, %mul3A_65 : vector<16xf32>
      %bitcast3A = vector.bitcast %add3A_66 : vector<16xf32> to vector<16xi32>
      %shift_right_arithmetic3A = arith.constant 1 : i32
      %shift_right_arithmetic3A_67 = vector.broadcast %shift_right_arithmetic3A : i32 to vector<16xi32>
      %shift_right_arithmetic3A_68 = arith.shrsi %bitcast3A, %shift_right_arithmetic3A_67 : vector<16xi32>
      %add3A_69 = arith.constant 532487669 : i32
      %add3A_70 = vector.broadcast %add3A_69 : i32 to vector<16xi32>
      %add3A_71 = arith.addi %shift_right_arithmetic3A_68, %add3A_70 : vector<16xi32>
      %bitcast3A_72 = vector.bitcast %add3A_71 : vector<16xi32> to vector<16xf32>
      %div3A = arith.divf %add3A_66, %bitcast3A_72 : vector<16xf32>
      %add3A_73 = arith.addf %bitcast3A_72, %div3A : vector<16xf32>
      %mul3A_74 = arith.constant 5.000000e-01 : f32
      %mul3A_75 = vector.broadcast %mul3A_74 : f32 to vector<16xf32>
      %mul3A_76 = arith.mulf %mul3A_75, %add3A_73 : vector<16xf32>
      %div3A_77 = arith.divf %add3A_66, %mul3A_76 : vector<16xf32>
      %add3A_78 = arith.addf %mul3A_76, %div3A_77 : vector<16xf32>
      %mul3A_79 = arith.constant 5.000000e-01 : f32
      %mul3A_80 = vector.broadcast %mul3A_79 : f32 to vector<16xf32>
      %mul3A_81 = arith.mulf %mul3A_80, %add3A_78 : vector<16xf32>
      %div3A_82 = arith.divf %add3A_66, %mul3A_81 : vector<16xf32>
      %add3A_83 = arith.addf %mul3A_81, %div3A_82 : vector<16xf32>
      %mul3A_84 = arith.constant 5.000000e-01 : f32
      %mul3A_85 = vector.broadcast %mul3A_84 : f32 to vector<16xf32>
      %mul3A_86 = arith.mulf %mul3A_85, %add3A_83 : vector<16xf32>
      %swap3A = arith.constant 4992 : index
      %swap3A_87 = tpu.vector_load %arg17[%swap3A] {strides = array<i32>} : memref<5008xf32, #tpu.memory_space<vmem>>, vector<16xf32>,
      tpu.vector_store %arg17[%swap3A], %mul3A_86 {strides = array<i32>} : memref<5008xf32, #tpu.memory_space<vmem>>, vector<16xf32>,
      %mul3A_88 = arith.constant 1.280000e+02 : f32
      %mul3A_89 = vector.broadcast %mul3A_88 : f32 to vector<16xf32>
      %mul3A_90 = arith.mulf %mul3A_86, %mul3A_89 : vector<16xf32>
      %convert_element_type3A_91 = arith.fptosi %mul3A_90 : vector<16xf32> to vector<16xi32>
      %jit3A = arith.constant 0 : i32
      %jit3A_92 = arith.constant 4095 : i32
      %max3A = vector.broadcast %jit3A : i32 to vector<16xi32>
      %max3A_93 = arith.maxsi %max3A, %convert_element_type3A_91 : vector<16xi32>
      %min3A = vector.broadcast %jit3A_92 : i32 to vector<16xi32>
      %min3A_94 = arith.minsi %min3A, %max3A_93 : vector<16xi32>
      tpu.vector_store_idx %arg18[%min3A_94], %broadcast_in_dim3A_27 {add = true} : memref<4096xf32, #tpu.memory_space<vmem>>[vector<16xi32>], vector<16xf32>,
      tpu.vector_store_idx %arg19[%min3A_94], %mul3A_86 {add = true} : memref<4096xf32, #tpu.memory_space<vmem>>[vector<16xi32>], vector<16xf32>,
      tpu.vector_store_idx %arg20[%min3A_94], %add3A_66 {add = true} : memref<4096xf32, #tpu.memory_space<vmem>>[vector<16xi32>], vector<16xf32>,
      tpu.vector_store_idx %arg21[%get3A_51], %broadcast_in_dim3A_27 {add = true} : memref<10000xf32, #tpu.memory_space<vmem>>[vector<16xi32>], vector<16xf32>,
    } else {
    }
    "tpu.region"() ({
      %run_scoped3A = tpu.sem_alloc : memref<!tpu.dma_semaphore, #tpu.memory_space<semaphore_mem>>
      %dma_start3A = arith.constant 0 : i32
      %dma_start3A_51 = tpu.memref_slice %arg17[%dma_start3A] : memref<5008xf32, #tpu.memory_space<vmem>> -> memref<4992xf32, #tpu.memory_space<vmem>>
      %dma_start3A_52 = tpu.memref_slice %arg7[%multiple_of3A] : memref<160000xf32, #tpu.memory_space<hbm>> -> memref<4992xf32, #tpu.memory_space<hbm>>
      %dma_start3A_53 = tpu.memref_slice %arg7[%multiple_of3A] : memref<160000xf32, #tpu.memory_space<hbm>> -> memref<4992xf32, #tpu.memory_space<hbm>>
      %dma_start3A_54 = arith.constant 0 : i32
      %dma_start3A_55 = tpu.memref_slice %arg17[%dma_start3A_54] : memref<5008xf32, #tpu.memory_space<vmem>> -> memref<4992xf32, #tpu.memory_space<vmem>>
      tpu.enqueue_dma source(%dma_start3A_55 : memref<4992xf32, #tpu.memory_space<vmem>>) target(%dma_start3A_53 : memref<4992xf32, #tpu.memory_space<hbm>>) target_semaphore(%run_scoped3A : memref<!tpu.dma_semaphore, #tpu.memory_space<semaphore_mem>>)
      %dma_wait3A = arith.constant 0 : i32
      %dma_wait3A_56 = tpu.memref_slice %arg17[%dma_wait3A] : memref<5008xf32, #tpu.memory_space<vmem>> -> memref<4992xf32, #tpu.memory_space<vmem>>
      %dma_wait3A_57 = tpu.memref_slice %arg7[%multiple_of3A] : memref<160000xf32, #tpu.memory_space<hbm>> -> memref<4992xf32, #tpu.memory_space<hbm>>
      %dma_wait3A_58 = tpu.memref_slice %arg7[%multiple_of3A] : memref<160000xf32, #tpu.memory_space<hbm>> -> memref<4992xf32, #tpu.memory_space<hbm>>
      %dma_wait3A_59 = arith.constant 0 : i32
      %dma_wait3A_60 = tpu.memref_slice %arg17[%dma_wait3A_59] : memref<5008xf32, #tpu.memory_space<vmem>> -> memref<4992xf32, #tpu.memory_space<vmem>>
      tpu.wait_dma2 semaphore(%run_scoped3A : memref<!tpu.dma_semaphore, #tpu.memory_space<semaphore_mem>>) src(%dma_wait3A_60 : memref<4992xf32, #tpu.memory_space<vmem>>) dst(%dma_wait3A_58 : memref<4992xf32, #tpu.memory_space<hbm>>)
      tpu.yield
    }) : () -> ()
    %lt3A_40 = arith.constant 16 : i32
    %lt3A_41 = arith.cmpi slt, %add3A, %lt3A_40 : i32
    %convert_element_type3A_42 = arith.extui %lt3A_41 : i1 to i32
    %cond3A_43 = arith.constant 0 : i32
    %cond3A_44 = arith.cmpi ne, %convert_element_type3A_42, %cond3A_43 : i32
    scf.if %cond3A_44 {
      %add3A_51 = arith.constant 4992 : i32
      %add3A_52 = arith.addi %multiple_of3A, %add3A_51 : i32
      "tpu.region"() ({
        %run_scoped3A = tpu.sem_alloc : memref<!tpu.dma_semaphore, #tpu.memory_space<semaphore_mem>>
        %dma_start3A = arith.constant 4992 : i32
        %dma_start3A_53 = tpu.memref_slice %arg17[%dma_start3A] : memref<5008xf32, #tpu.memory_space<vmem>> -> memref<16xf32, #tpu.memory_space<vmem>>
        %dma_start3A_54 = tpu.memref_slice %arg7[%add3A_52] : memref<160000xf32, #tpu.memory_space<hbm>> -> memref<16xf32, #tpu.memory_space<hbm>>
        %dma_start3A_55 = tpu.memref_slice %arg7[%add3A_52] : memref<160000xf32, #tpu.memory_space<hbm>> -> memref<16xf32, #tpu.memory_space<hbm>>
        %dma_start3A_56 = arith.constant 4992 : i32
        %dma_start3A_57 = tpu.memref_slice %arg17[%dma_start3A_56] : memref<5008xf32, #tpu.memory_space<vmem>> -> memref<16xf32, #tpu.memory_space<vmem>>
        tpu.enqueue_dma source(%dma_start3A_57 : memref<16xf32, #tpu.memory_space<vmem>>) target(%dma_start3A_55 : memref<16xf32, #tpu.memory_space<hbm>>) target_semaphore(%run_scoped3A : memref<!tpu.dma_semaphore, #tpu.memory_space<semaphore_mem>>)
        %dma_wait3A = arith.constant 4992 : i32
        %dma_wait3A_58 = tpu.memref_slice %arg17[%dma_wait3A] : memref<5008xf32, #tpu.memory_space<vmem>> -> memref<16xf32, #tpu.memory_space<vmem>>
        %dma_wait3A_59 = tpu.memref_slice %arg7[%add3A_52] : memref<160000xf32, #tpu.memory_space<hbm>> -> memref<16xf32, #tpu.memory_space<hbm>>
        %dma_wait3A_60 = tpu.memref_slice %arg7[%add3A_52] : memref<160000xf32, #tpu.memory_space<hbm>> -> memref<16xf32, #tpu.memory_space<hbm>>
        %dma_wait3A_61 = arith.constant 4992 : i32
        %dma_wait3A_62 = tpu.memref_slice %arg17[%dma_wait3A_61] : memref<5008xf32, #tpu.memory_space<vmem>> -> memref<16xf32, #tpu.memory_space<vmem>>
        tpu.wait_dma2 semaphore(%run_scoped3A : memref<!tpu.dma_semaphore, #tpu.memory_space<semaphore_mem>>) src(%dma_wait3A_62 : memref<16xf32, #tpu.memory_space<vmem>>) dst(%dma_wait3A_60 : memref<16xf32, #tpu.memory_space<hbm>>)
        tpu.yield
      }) : () -> ()
    } else {
    }
    %mul3A_45 = arith.constant 4096 : i32
    %mul3A_46 = arith.muli %add3A, %mul3A_45 : i32
    %multiple_of3A_47 = tpu.assume_multiple %mul3A_46, 8 : i32
    %mul3A_48 = arith.constant 10000 : i32
    %mul3A_49 = arith.muli %add3A, %mul3A_48 : i32
    %multiple_of3A_50 = tpu.assume_multiple %mul3A_49, 8 : i32
    "tpu.region"() ({
      %run_scoped3A = tpu.sem_alloc : memref<!tpu.dma_semaphore, #tpu.memory_space<semaphore_mem>>
      %dma_start3A = tpu.memref_slice %arg8[%multiple_of3A_47] : memref<131072xf32, #tpu.memory_space<hbm>> -> memref<4096xf32, #tpu.memory_space<hbm>>
      %dma_start3A_51 = tpu.memref_slice %arg8[%multiple_of3A_47] : memref<131072xf32, #tpu.memory_space<hbm>> -> memref<4096xf32, #tpu.memory_space<hbm>>
      tpu.enqueue_dma source(%arg18 : memref<4096xf32, #tpu.memory_space<vmem>>) target(%dma_start3A_51 : memref<4096xf32, #tpu.memory_space<hbm>>) target_semaphore(%run_scoped3A : memref<!tpu.dma_semaphore, #tpu.memory_space<semaphore_mem>>)
      %dma_wait3A = tpu.memref_slice %arg8[%multiple_of3A_47] : memref<131072xf32, #tpu.memory_space<hbm>> -> memref<4096xf32, #tpu.memory_space<hbm>>
      %dma_wait3A_52 = tpu.memref_slice %arg8[%multiple_of3A_47] : memref<131072xf32, #tpu.memory_space<hbm>> -> memref<4096xf32, #tpu.memory_space<hbm>>
      tpu.wait_dma2 semaphore(%run_scoped3A : memref<!tpu.dma_semaphore, #tpu.memory_space<semaphore_mem>>) src(%arg18 : memref<4096xf32, #tpu.memory_space<vmem>>) dst(%dma_wait3A_52 : memref<4096xf32, #tpu.memory_space<hbm>>)
      tpu.yield
    }) : () -> ()
    "tpu.region"() ({
      %run_scoped3A = tpu.sem_alloc : memref<!tpu.dma_semaphore, #tpu.memory_space<semaphore_mem>>
      %dma_start3A = tpu.memref_slice %arg9[%multiple_of3A_47] : memref<131072xf32, #tpu.memory_space<hbm>> -> memref<4096xf32, #tpu.memory_space<hbm>>
      %dma_start3A_51 = tpu.memref_slice %arg9[%multiple_of3A_47] : memref<131072xf32, #tpu.memory_space<hbm>> -> memref<4096xf32, #tpu.memory_space<hbm>>
      tpu.enqueue_dma source(%arg19 : memref<4096xf32, #tpu.memory_space<vmem>>) target(%dma_start3A_51 : memref<4096xf32, #tpu.memory_space<hbm>>) target_semaphore(%run_scoped3A : memref<!tpu.dma_semaphore, #tpu.memory_space<semaphore_mem>>)
      %dma_wait3A = tpu.memref_slice %arg9[%multiple_of3A_47] : memref<131072xf32, #tpu.memory_space<hbm>> -> memref<4096xf32, #tpu.memory_space<hbm>>
      %dma_wait3A_52 = tpu.memref_slice %arg9[%multiple_of3A_47] : memref<131072xf32, #tpu.memory_space<hbm>> -> memref<4096xf32, #tpu.memory_space<hbm>>
      tpu.wait_dma2 semaphore(%run_scoped3A : memref<!tpu.dma_semaphore, #tpu.memory_space<semaphore_mem>>) src(%arg19 : memref<4096xf32, #tpu.memory_space<vmem>>) dst(%dma_wait3A_52 : memref<4096xf32, #tpu.memory_space<hbm>>)
      tpu.yield
    }) : () -> ()
    "tpu.region"() ({
      %run_scoped3A = tpu.sem_alloc : memref<!tpu.dma_semaphore, #tpu.memory_space<semaphore_mem>>
      %dma_start3A = tpu.memref_slice %arg10[%multiple_of3A_47] : memref<131072xf32, #tpu.memory_space<hbm>> -> memref<4096xf32, #tpu.memory_space<hbm>>
      %dma_start3A_51 = tpu.memref_slice %arg10[%multiple_of3A_47] : memref<131072xf32, #tpu.memory_space<hbm>> -> memref<4096xf32, #tpu.memory_space<hbm>>
      tpu.enqueue_dma source(%arg20 : memref<4096xf32, #tpu.memory_space<vmem>>) target(%dma_start3A_51 : memref<4096xf32, #tpu.memory_space<hbm>>) target_semaphore(%run_scoped3A : memref<!tpu.dma_semaphore, #tpu.memory_space<semaphore_mem>>)
      %dma_wait3A = tpu.memref_slice %arg10[%multiple_of3A_47] : memref<131072xf32, #tpu.memory_space<hbm>> -> memref<4096xf32, #tpu.memory_space<hbm>>
      %dma_wait3A_52 = tpu.memref_slice %arg10[%multiple_of3A_47] : memref<131072xf32, #tpu.memory_space<hbm>> -> memref<4096xf32, #tpu.memory_space<hbm>>
      tpu.wait_dma2 semaphore(%run_scoped3A : memref<!tpu.dma_semaphore, #tpu.memory_space<semaphore_mem>>) src(%arg20 : memref<4096xf32, #tpu.memory_space<vmem>>) dst(%dma_wait3A_52 : memref<4096xf32, #tpu.memory_space<hbm>>)
      tpu.yield
    }) : () -> ()
    "tpu.region"() ({
      %run_scoped3A = tpu.sem_alloc : memref<!tpu.dma_semaphore, #tpu.memory_space<semaphore_mem>>
      %dma_start3A = tpu.memref_slice %arg11[%multiple_of3A_50] : memref<320000xf32, #tpu.memory_space<hbm>> -> memref<10000xf32, #tpu.memory_space<hbm>>
      %dma_start3A_51 = tpu.memref_slice %arg11[%multiple_of3A_50] : memref<320000xf32, #tpu.memory_space<hbm>> -> memref<10000xf32, #tpu.memory_space<hbm>>
      tpu.enqueue_dma source(%arg21 : memref<10000xf32, #tpu.memory_space<vmem>>) target(%dma_start3A_51 : memref<10000xf32, #tpu.memory_space<hbm>>) target_semaphore(%run_scoped3A : memref<!tpu.dma_semaphore, #tpu.memory_space<semaphore_mem>>)
      %dma_wait3A = tpu.memref_slice %arg11[%multiple_of3A_50] : memref<320000xf32, #tpu.memory_space<hbm>> -> memref<10000xf32, #tpu.memory_space<hbm>>
      %dma_wait3A_52 = tpu.memref_slice %arg11[%multiple_of3A_50] : memref<320000xf32, #tpu.memory_space<hbm>> -> memref<10000xf32, #tpu.memory_space<hbm>>
      tpu.wait_dma2 semaphore(%run_scoped3A : memref<!tpu.dma_semaphore, #tpu.memory_space<semaphore_mem>>) src(%arg21 : memref<10000xf32, #tpu.memory_space<vmem>>) dst(%dma_wait3A_52 : memref<10000xf32, #tpu.memory_space<hbm>>)
      tpu.yield
    }) : () -> ()
    return
  }
}

#map = affine_map<(d0, d1) -> (0)>
#map1 = affine_map<(d0, d1) -> (0, 0)>
module attributes {stable_mosaic.version = 14 : i64} {
  func.func @_e_body(%arg0: i32, %arg1: i32, %arg2: memref<160000xi32, #tpu.memory_space<hbm>>, %arg3: memref<160000xi32, #tpu.memory_space<hbm>>, %arg4: memref<160000xf32, #tpu.memory_space<hbm>>, %arg5: memref<4096xf32, #tpu.memory_space<hbm>>, %arg6: memref<4096xf32, #tpu.memory_space<hbm>>, %arg7: memref<10000xf32, #tpu.memory_space<hbm>>, %arg8: memref<20000x128xf32, #tpu.memory_space<hbm>>, %arg9: memref<20000x128xf32, #tpu.memory_space<hbm>>, %arg10: memref<10000xf32, #tpu.memory_space<vmem>>, %arg11: memref<4096xf32, #tpu.memory_space<vmem>>, %arg12: memref<4096xf32, #tpu.memory_space<vmem>>, %arg13: memref<2000xi32, #tpu.memory_space<vmem>>, %arg14: memref<2000xi32, #tpu.memory_space<vmem>>, %arg15: memref<2000xf32, #tpu.memory_space<vmem>>, %arg16: memref<2000xf32, #tpu.memory_space<vmem>>, %arg17: memref<80xi32, #tpu.memory_space<vmem>>, %arg18: memref<80xi32, #tpu.memory_space<vmem>>, %arg19: memref<80x128xf32, #tpu.memory_space<vmem>>, %arg20: memref<10000x128xf32, #tpu.memory_space<vmem_shared>>, %arg21: memref<!tpu.dma_semaphore, #tpu.memory_space<semaphore_mem>>) attributes {dimension_semantics = [#tpu.dimension_semantics<core_parallel>, #tpu.dimension_semantics<subcore_parallel>], iteration_bounds = array<i64: 2, 16>, scalar_prefetch = 0 : i64, scratch_operands = 12 : i64, tpu.core_type = #tpu.core_type<sc_vector_subcore>, window_params = [{transform_indices = #map}, {transform_indices = #map}, {transform_indices = #map}, {transform_indices = #map}, {transform_indices = #map}, {transform_indices = #map}, {transform_indices = #map1}, {transform_indices = #map1}]} {
    %mul3A = arith.constant 10000 : i32
    %mul3A_0 = arith.muli %arg1, %mul3A : i32
    %multiple_of3A = tpu.assume_multiple %mul3A_0, 16 : i32
    "tpu.region"() ({
      %run_scoped3A = tpu.sem_alloc : memref<!tpu.dma_semaphore, #tpu.memory_space<semaphore_mem>>
      tpu.enqueue_dma source(%arg7 : memref<10000xf32, #tpu.memory_space<hbm>>) target(%arg10 : memref<10000xf32, #tpu.memory_space<vmem>>) target_semaphore(%run_scoped3A : memref<!tpu.dma_semaphore, #tpu.memory_space<semaphore_mem>>)
      tpu.wait_dma2 semaphore(%run_scoped3A : memref<!tpu.dma_semaphore, #tpu.memory_space<semaphore_mem>>) src(%arg7 : memref<10000xf32, #tpu.memory_space<hbm>>) dst(%arg10 : memref<10000xf32, #tpu.memory_space<vmem>>)
      tpu.yield
    }) : () -> ()
    "tpu.region"() ({
      %run_scoped3A = tpu.sem_alloc : memref<!tpu.dma_semaphore, #tpu.memory_space<semaphore_mem>>
      tpu.enqueue_dma source(%arg5 : memref<4096xf32, #tpu.memory_space<hbm>>) target(%arg11 : memref<4096xf32, #tpu.memory_space<vmem>>) target_semaphore(%run_scoped3A : memref<!tpu.dma_semaphore, #tpu.memory_space<semaphore_mem>>)
      tpu.wait_dma2 semaphore(%run_scoped3A : memref<!tpu.dma_semaphore, #tpu.memory_space<semaphore_mem>>) src(%arg5 : memref<4096xf32, #tpu.memory_space<hbm>>) dst(%arg11 : memref<4096xf32, #tpu.memory_space<vmem>>)
      tpu.yield
    }) : () -> ()
    "tpu.region"() ({
      %run_scoped3A = tpu.sem_alloc : memref<!tpu.dma_semaphore, #tpu.memory_space<semaphore_mem>>
      tpu.enqueue_dma source(%arg6 : memref<4096xf32, #tpu.memory_space<hbm>>) target(%arg12 : memref<4096xf32, #tpu.memory_space<vmem>>) target_semaphore(%run_scoped3A : memref<!tpu.dma_semaphore, #tpu.memory_space<semaphore_mem>>)
      tpu.wait_dma2 semaphore(%run_scoped3A : memref<!tpu.dma_semaphore, #tpu.memory_space<semaphore_mem>>) src(%arg6 : memref<4096xf32, #tpu.memory_space<hbm>>) dst(%arg12 : memref<4096xf32, #tpu.memory_space<vmem>>)
      tpu.yield
    }) : () -> ()
    %broadcast_in_dim3A = arith.constant 0.000000e+00 : f32
    %broadcast_in_dim3A_1 = vector.broadcast %broadcast_in_dim3A : f32 to vector<16xf32>
    %scan3A = arith.constant 0 : i32
    %scan3A_2 = arith.constant 0 : i32
    %scan3A_3 = arith.constant 80 : i32
    %scan3A_4 = arith.addi %scan3A_2, %scan3A_3 : i32
    %scan3A_5 = arith.constant 1 : i32
    %scan3A_6 = scf.for %scan3A_25 = %scan3A_2 to %scan3A_4 step %scan3A_5 iter_args(%scan3A_26 = %scan3A) -> (i32)  : i32 {
      %swap3A = arith.index_cast %scan3A_25 : i32 to index
      %swap3A_27 = arith.constant 0 : index
      %swap3A_28 = tpu.vector_load %arg19[%swap3A, %swap3A_27] {strides = array<i32>} : memref<80x128xf32, #tpu.memory_space<vmem>>, vector<16xf32>,
      tpu.vector_store %arg19[%swap3A, %swap3A_27], %broadcast_in_dim3A_1 {strides = array<i32>} : memref<80x128xf32, #tpu.memory_space<vmem>>, vector<16xf32>,
      %swap3A_29 = arith.index_cast %scan3A_25 : i32 to index
      %swap3A_30 = arith.constant 16 : index
      %swap3A_31 = tpu.vector_load %arg19[%swap3A_29, %swap3A_30] {strides = array<i32>} : memref<80x128xf32, #tpu.memory_space<vmem>>, vector<16xf32>,
      tpu.vector_store %arg19[%swap3A_29, %swap3A_30], %broadcast_in_dim3A_1 {strides = array<i32>} : memref<80x128xf32, #tpu.memory_space<vmem>>, vector<16xf32>,
      %swap3A_32 = arith.index_cast %scan3A_25 : i32 to index
      %swap3A_33 = arith.constant 32 : index
      %swap3A_34 = tpu.vector_load %arg19[%swap3A_32, %swap3A_33] {strides = array<i32>} : memref<80x128xf32, #tpu.memory_space<vmem>>, vector<16xf32>,
      tpu.vector_store %arg19[%swap3A_32, %swap3A_33], %broadcast_in_dim3A_1 {strides = array<i32>} : memref<80x128xf32, #tpu.memory_space<vmem>>, vector<16xf32>,
      %swap3A_35 = arith.index_cast %scan3A_25 : i32 to index
      %swap3A_36 = arith.constant 48 : index
      %swap3A_37 = tpu.vector_load %arg19[%swap3A_35, %swap3A_36] {strides = array<i32>} : memref<80x128xf32, #tpu.memory_space<vmem>>, vector<16xf32>,
      tpu.vector_store %arg19[%swap3A_35, %swap3A_36], %broadcast_in_dim3A_1 {strides = array<i32>} : memref<80x128xf32, #tpu.memory_space<vmem>>, vector<16xf32>,
      %swap3A_38 = arith.index_cast %scan3A_25 : i32 to index
      %swap3A_39 = arith.constant 64 : index
      %swap3A_40 = tpu.vector_load %arg19[%swap3A_38, %swap3A_39] {strides = array<i32>} : memref<80x128xf32, #tpu.memory_space<vmem>>, vector<16xf32>,
      tpu.vector_store %arg19[%swap3A_38, %swap3A_39], %broadcast_in_dim3A_1 {strides = array<i32>} : memref<80x128xf32, #tpu.memory_space<vmem>>, vector<16xf32>,
      %swap3A_41 = arith.index_cast %scan3A_25 : i32 to index
      %swap3A_42 = arith.constant 80 : index
      %swap3A_43 = tpu.vector_load %arg19[%swap3A_41, %swap3A_42] {strides = array<i32>} : memref<80x128xf32, #tpu.memory_space<vmem>>, vector<16xf32>,
      tpu.vector_store %arg19[%swap3A_41, %swap3A_42], %broadcast_in_dim3A_1 {strides = array<i32>} : memref<80x128xf32, #tpu.memory_space<vmem>>, vector<16xf32>,
      %swap3A_44 = arith.index_cast %scan3A_25 : i32 to index
      %swap3A_45 = arith.constant 96 : index
      %swap3A_46 = tpu.vector_load %arg19[%swap3A_44, %swap3A_45] {strides = array<i32>} : memref<80x128xf32, #tpu.memory_space<vmem>>, vector<16xf32>,
      tpu.vector_store %arg19[%swap3A_44, %swap3A_45], %broadcast_in_dim3A_1 {strides = array<i32>} : memref<80x128xf32, #tpu.memory_space<vmem>>, vector<16xf32>,
      %swap3A_47 = arith.index_cast %scan3A_25 : i32 to index
      %swap3A_48 = arith.constant 112 : index
      %swap3A_49 = tpu.vector_load %arg19[%swap3A_47, %swap3A_48] {strides = array<i32>} : memref<80x128xf32, #tpu.memory_space<vmem>>, vector<16xf32>,
      tpu.vector_store %arg19[%swap3A_47, %swap3A_48], %broadcast_in_dim3A_1 {strides = array<i32>} : memref<80x128xf32, #tpu.memory_space<vmem>>, vector<16xf32>,
      %scan3A_50 = arith.constant 0 : i32
      scf.yield %scan3A_50 : i32
    }
    %scan3A_7 = arith.constant 80 : i32
    %lt3A = arith.constant 10 : i32
    %lt3A_8 = arith.cmpi slt, %arg1, %lt3A : i32
    %convert_element_type3A = arith.extui %lt3A_8 : i1 to i32
    %cond3A = arith.constant 0 : i32
    %cond3A_9 = arith.cmpi ne, %convert_element_type3A, %cond3A : i32
    scf.if %cond3A_9 {
      %mul3A_25 = arith.constant 1000 : i32
      %mul3A_26 = arith.muli %arg1, %mul3A_25 : i32
      %multiple_of3A_27 = tpu.assume_multiple %mul3A_26, 8 : i32
      %add3A = arith.constant 0 : i32
      %add3A_28 = arith.addi %multiple_of3A_27, %add3A : i32
      "tpu.region"() ({
        %run_scoped3A = tpu.sem_alloc : memref<!tpu.dma_semaphore, #tpu.memory_space<semaphore_mem>>
        %dma_start3A = arith.constant 0 : i32
        %dma_start3A_53 = tpu.memref_slice %arg20[%add3A_28, %dma_start3A] : memref<10000x128xf32, #tpu.memory_space<vmem_shared>> -> memref<80x128xf32, #tpu.memory_space<vmem_shared>>
        %dma_start3A_54 = arith.constant 0 : i32
        %dma_start3A_55 = tpu.memref_slice %arg20[%add3A_28, %dma_start3A_54] : memref<10000x128xf32, #tpu.memory_space<vmem_shared>> -> memref<80x128xf32, #tpu.memory_space<vmem_shared>>
        tpu.enqueue_dma source(%arg19 : memref<80x128xf32, #tpu.memory_space<vmem>>) target(%dma_start3A_55 : memref<80x128xf32, #tpu.memory_space<vmem_shared>>) target_semaphore(%run_scoped3A : memref<!tpu.dma_semaphore, #tpu.memory_space<semaphore_mem>>)
        %dma_wait3A = arith.constant 0 : i32
        %dma_wait3A_56 = tpu.memref_slice %arg20[%add3A_28, %dma_wait3A] : memref<10000x128xf32, #tpu.memory_space<vmem_shared>> -> memref<80x128xf32, #tpu.memory_space<vmem_shared>>
        %dma_wait3A_57 = arith.constant 0 : i32
        %dma_wait3A_58 = tpu.memref_slice %arg20[%add3A_28, %dma_wait3A_57] : memref<10000x128xf32, #tpu.memory_space<vmem_shared>> -> memref<80x128xf32, #tpu.memory_space<vmem_shared>>
        tpu.wait_dma2 semaphore(%run_scoped3A : memref<!tpu.dma_semaphore, #tpu.memory_space<semaphore_mem>>) src(%arg19 : memref<80x128xf32, #tpu.memory_space<vmem>>) dst(%dma_wait3A_58 : memref<80x128xf32, #tpu.memory_space<vmem_shared>>)
        tpu.yield
      }) : () -> ()
      %add3A_29 = arith.constant 80 : i32
      %add3A_30 = arith.addi %multiple_of3A_27, %add3A_29 : i32
      "tpu.region"() ({
        %run_scoped3A = tpu.sem_alloc : memref<!tpu.dma_semaphore, #tpu.memory_space<semaphore_mem>>
        %dma_start3A = arith.constant 0 : i32
        %dma_start3A_53 = tpu.memref_slice %arg20[%add3A_30, %dma_start3A] : memref<10000x128xf32, #tpu.memory_space<vmem_shared>> -> memref<80x128xf32, #tpu.memory_space<vmem_shared>>
        %dma_start3A_54 = arith.constant 0 : i32
        %dma_start3A_55 = tpu.memref_slice %arg20[%add3A_30, %dma_start3A_54] : memref<10000x128xf32, #tpu.memory_space<vmem_shared>> -> memref<80x128xf32, #tpu.memory_space<vmem_shared>>
        tpu.enqueue_dma source(%arg19 : memref<80x128xf32, #tpu.memory_space<vmem>>) target(%dma_start3A_55 : memref<80x128xf32, #tpu.memory_space<vmem_shared>>) target_semaphore(%run_scoped3A : memref<!tpu.dma_semaphore, #tpu.memory_space<semaphore_mem>>)
        %dma_wait3A = arith.constant 0 : i32
        %dma_wait3A_56 = tpu.memref_slice %arg20[%add3A_30, %dma_wait3A] : memref<10000x128xf32, #tpu.memory_space<vmem_shared>> -> memref<80x128xf32, #tpu.memory_space<vmem_shared>>
        %dma_wait3A_57 = arith.constant 0 : i32
        %dma_wait3A_58 = tpu.memref_slice %arg20[%add3A_30, %dma_wait3A_57] : memref<10000x128xf32, #tpu.memory_space<vmem_shared>> -> memref<80x128xf32, #tpu.memory_space<vmem_shared>>
        tpu.wait_dma2 semaphore(%run_scoped3A : memref<!tpu.dma_semaphore, #tpu.memory_space<semaphore_mem>>) src(%arg19 : memref<80x128xf32, #tpu.memory_space<vmem>>) dst(%dma_wait3A_58 : memref<80x128xf32, #tpu.memory_space<vmem_shared>>)
        tpu.yield
      }) : () -> ()
      %add3A_31 = arith.constant 160 : i32
      %add3A_32 = arith.addi %multiple_of3A_27, %add3A_31 : i32
      "tpu.region"() ({
        %run_scoped3A = tpu.sem_alloc : memref<!tpu.dma_semaphore, #tpu.memory_space<semaphore_mem>>
        %dma_start3A = arith.constant 0 : i32
        %dma_start3A_53 = tpu.memref_slice %arg20[%add3A_32, %dma_start3A] : memref<10000x128xf32, #tpu.memory_space<vmem_shared>> -> memref<80x128xf32, #tpu.memory_space<vmem_shared>>
        %dma_start3A_54 = arith.constant 0 : i32
        %dma_start3A_55 = tpu.memref_slice %arg20[%add3A_32, %dma_start3A_54] : memref<10000x128xf32, #tpu.memory_space<vmem_shared>> -> memref<80x128xf32, #tpu.memory_space<vmem_shared>>
        tpu.enqueue_dma source(%arg19 : memref<80x128xf32, #tpu.memory_space<vmem>>) target(%dma_start3A_55 : memref<80x128xf32, #tpu.memory_space<vmem_shared>>) target_semaphore(%run_scoped3A : memref<!tpu.dma_semaphore, #tpu.memory_space<semaphore_mem>>)
        %dma_wait3A = arith.constant 0 : i32
        %dma_wait3A_56 = tpu.memref_slice %arg20[%add3A_32, %dma_wait3A] : memref<10000x128xf32, #tpu.memory_space<vmem_shared>> -> memref<80x128xf32, #tpu.memory_space<vmem_shared>>
        %dma_wait3A_57 = arith.constant 0 : i32
        %dma_wait3A_58 = tpu.memref_slice %arg20[%add3A_32, %dma_wait3A_57] : memref<10000x128xf32, #tpu.memory_space<vmem_shared>> -> memref<80x128xf32, #tpu.memory_space<vmem_shared>>
        tpu.wait_dma2 semaphore(%run_scoped3A : memref<!tpu.dma_semaphore, #tpu.memory_space<semaphore_mem>>) src(%arg19 : memref<80x128xf32, #tpu.memory_space<vmem>>) dst(%dma_wait3A_58 : memref<80x128xf32, #tpu.memory_space<vmem_shared>>)
        tpu.yield
      }) : () -> ()
      %add3A_33 = arith.constant 240 : i32
      %add3A_34 = arith.addi %multiple_of3A_27, %add3A_33 : i32
      "tpu.region"() ({
        %run_scoped3A = tpu.sem_alloc : memref<!tpu.dma_semaphore, #tpu.memory_space<semaphore_mem>>
        %dma_start3A = arith.constant 0 : i32
        %dma_start3A_53 = tpu.memref_slice %arg20[%add3A_34, %dma_start3A] : memref<10000x128xf32, #tpu.memory_space<vmem_shared>> -> memref<80x128xf32, #tpu.memory_space<vmem_shared>>
        %dma_start3A_54 = arith.constant 0 : i32
        %dma_start3A_55 = tpu.memref_slice %arg20[%add3A_34, %dma_start3A_54] : memref<10000x128xf32, #tpu.memory_space<vmem_shared>> -> memref<80x128xf32, #tpu.memory_space<vmem_shared>>
        tpu.enqueue_dma source(%arg19 : memref<80x128xf32, #tpu.memory_space<vmem>>) target(%dma_start3A_55 : memref<80x128xf32, #tpu.memory_space<vmem_shared>>) target_semaphore(%run_scoped3A : memref<!tpu.dma_semaphore, #tpu.memory_space<semaphore_mem>>)
        %dma_wait3A = arith.constant 0 : i32
        %dma_wait3A_56 = tpu.memref_slice %arg20[%add3A_34, %dma_wait3A] : memref<10000x128xf32, #tpu.memory_space<vmem_shared>> -> memref<80x128xf32, #tpu.memory_space<vmem_shared>>
        %dma_wait3A_57 = arith.constant 0 : i32
        %dma_wait3A_58 = tpu.memref_slice %arg20[%add3A_34, %dma_wait3A_57] : memref<10000x128xf32, #tpu.memory_space<vmem_shared>> -> memref<80x128xf32, #tpu.memory_space<vmem_shared>>
        tpu.wait_dma2 semaphore(%run_scoped3A : memref<!tpu.dma_semaphore, #tpu.memory_space<semaphore_mem>>) src(%arg19 : memref<80x128xf32, #tpu.memory_space<vmem>>) dst(%dma_wait3A_58 : memref<80x128xf32, #tpu.memory_space<vmem_shared>>)
        tpu.yield
      }) : () -> ()
      %add3A_35 = arith.constant 320 : i32
      %add3A_36 = arith.addi %multiple_of3A_27, %add3A_35 : i32
      "tpu.region"() ({
        %run_scoped3A = tpu.sem_alloc : memref<!tpu.dma_semaphore, #tpu.memory_space<semaphore_mem>>
        %dma_start3A = arith.constant 0 : i32
        %dma_start3A_53 = tpu.memref_slice %arg20[%add3A_36, %dma_start3A] : memref<10000x128xf32, #tpu.memory_space<vmem_shared>> -> memref<80x128xf32, #tpu.memory_space<vmem_shared>>
        %dma_start3A_54 = arith.constant 0 : i32
        %dma_start3A_55 = tpu.memref_slice %arg20[%add3A_36, %dma_start3A_54] : memref<10000x128xf32, #tpu.memory_space<vmem_shared>> -> memref<80x128xf32, #tpu.memory_space<vmem_shared>>
        tpu.enqueue_dma source(%arg19 : memref<80x128xf32, #tpu.memory_space<vmem>>) target(%dma_start3A_55 : memref<80x128xf32, #tpu.memory_space<vmem_shared>>) target_semaphore(%run_scoped3A : memref<!tpu.dma_semaphore, #tpu.memory_space<semaphore_mem>>)
        %dma_wait3A = arith.constant 0 : i32
        %dma_wait3A_56 = tpu.memref_slice %arg20[%add3A_36, %dma_wait3A] : memref<10000x128xf32, #tpu.memory_space<vmem_shared>> -> memref<80x128xf32, #tpu.memory_space<vmem_shared>>
        %dma_wait3A_57 = arith.constant 0 : i32
        %dma_wait3A_58 = tpu.memref_slice %arg20[%add3A_36, %dma_wait3A_57] : memref<10000x128xf32, #tpu.memory_space<vmem_shared>> -> memref<80x128xf32, #tpu.memory_space<vmem_shared>>
        tpu.wait_dma2 semaphore(%run_scoped3A : memref<!tpu.dma_semaphore, #tpu.memory_space<semaphore_mem>>) src(%arg19 : memref<80x128xf32, #tpu.memory_space<vmem>>) dst(%dma_wait3A_58 : memref<80x128xf32, #tpu.memory_space<vmem_shared>>)
        tpu.yield
      }) : () -> ()
      %add3A_37 = arith.constant 400 : i32
      %add3A_38 = arith.addi %multiple_of3A_27, %add3A_37 : i32
      "tpu.region"() ({
        %run_scoped3A = tpu.sem_alloc : memref<!tpu.dma_semaphore, #tpu.memory_space<semaphore_mem>>
        %dma_start3A = arith.constant 0 : i32
        %dma_start3A_53 = tpu.memref_slice %arg20[%add3A_38, %dma_start3A] : memref<10000x128xf32, #tpu.memory_space<vmem_shared>> -> memref<80x128xf32, #tpu.memory_space<vmem_shared>>
        %dma_start3A_54 = arith.constant 0 : i32
        %dma_start3A_55 = tpu.memref_slice %arg20[%add3A_38, %dma_start3A_54] : memref<10000x128xf32, #tpu.memory_space<vmem_shared>> -> memref<80x128xf32, #tpu.memory_space<vmem_shared>>
        tpu.enqueue_dma source(%arg19 : memref<80x128xf32, #tpu.memory_space<vmem>>) target(%dma_start3A_55 : memref<80x128xf32, #tpu.memory_space<vmem_shared>>) target_semaphore(%run_scoped3A : memref<!tpu.dma_semaphore, #tpu.memory_space<semaphore_mem>>)
        %dma_wait3A = arith.constant 0 : i32
        %dma_wait3A_56 = tpu.memref_slice %arg20[%add3A_38, %dma_wait3A] : memref<10000x128xf32, #tpu.memory_space<vmem_shared>> -> memref<80x128xf32, #tpu.memory_space<vmem_shared>>
        %dma_wait3A_57 = arith.constant 0 : i32
        %dma_wait3A_58 = tpu.memref_slice %arg20[%add3A_38, %dma_wait3A_57] : memref<10000x128xf32, #tpu.memory_space<vmem_shared>> -> memref<80x128xf32, #tpu.memory_space<vmem_shared>>
        tpu.wait_dma2 semaphore(%run_scoped3A : memref<!tpu.dma_semaphore, #tpu.memory_space<semaphore_mem>>) src(%arg19 : memref<80x128xf32, #tpu.memory_space<vmem>>) dst(%dma_wait3A_58 : memref<80x128xf32, #tpu.memory_space<vmem_shared>>)
        tpu.yield
      }) : () -> ()
      %add3A_39 = arith.constant 480 : i32
      %add3A_40 = arith.addi %multiple_of3A_27, %add3A_39 : i32
      "tpu.region"() ({
        %run_scoped3A = tpu.sem_alloc : memref<!tpu.dma_semaphore, #tpu.memory_space<semaphore_mem>>
        %dma_start3A = arith.constant 0 : i32
        %dma_start3A_53 = tpu.memref_slice %arg20[%add3A_40, %dma_start3A] : memref<10000x128xf32, #tpu.memory_space<vmem_shared>> -> memref<80x128xf32, #tpu.memory_space<vmem_shared>>
        %dma_start3A_54 = arith.constant 0 : i32
        %dma_start3A_55 = tpu.memref_slice %arg20[%add3A_40, %dma_start3A_54] : memref<10000x128xf32, #tpu.memory_space<vmem_shared>> -> memref<80x128xf32, #tpu.memory_space<vmem_shared>>
        tpu.enqueue_dma source(%arg19 : memref<80x128xf32, #tpu.memory_space<vmem>>) target(%dma_start3A_55 : memref<80x128xf32, #tpu.memory_space<vmem_shared>>) target_semaphore(%run_scoped3A : memref<!tpu.dma_semaphore, #tpu.memory_space<semaphore_mem>>)
        %dma_wait3A = arith.constant 0 : i32
        %dma_wait3A_56 = tpu.memref_slice %arg20[%add3A_40, %dma_wait3A] : memref<10000x128xf32, #tpu.memory_space<vmem_shared>> -> memref<80x128xf32, #tpu.memory_space<vmem_shared>>
        %dma_wait3A_57 = arith.constant 0 : i32
        %dma_wait3A_58 = tpu.memref_slice %arg20[%add3A_40, %dma_wait3A_57] : memref<10000x128xf32, #tpu.memory_space<vmem_shared>> -> memref<80x128xf32, #tpu.memory_space<vmem_shared>>
        tpu.wait_dma2 semaphore(%run_scoped3A : memref<!tpu.dma_semaphore, #tpu.memory_space<semaphore_mem>>) src(%arg19 : memref<80x128xf32, #tpu.memory_space<vmem>>) dst(%dma_wait3A_58 : memref<80x128xf32, #tpu.memory_space<vmem_shared>>)
        tpu.yield
      }) : () -> ()
      %add3A_41 = arith.constant 560 : i32
      %add3A_42 = arith.addi %multiple_of3A_27, %add3A_41 : i32
      "tpu.region"() ({
        %run_scoped3A = tpu.sem_alloc : memref<!tpu.dma_semaphore, #tpu.memory_space<semaphore_mem>>
        %dma_start3A = arith.constant 0 : i32
        %dma_start3A_53 = tpu.memref_slice %arg20[%add3A_42, %dma_start3A] : memref<10000x128xf32, #tpu.memory_space<vmem_shared>> -> memref<80x128xf32, #tpu.memory_space<vmem_shared>>
        %dma_start3A_54 = arith.constant 0 : i32
        %dma_start3A_55 = tpu.memref_slice %arg20[%add3A_42, %dma_start3A_54] : memref<10000x128xf32, #tpu.memory_space<vmem_shared>> -> memref<80x128xf32, #tpu.memory_space<vmem_shared>>
        tpu.enqueue_dma source(%arg19 : memref<80x128xf32, #tpu.memory_space<vmem>>) target(%dma_start3A_55 : memref<80x128xf32, #tpu.memory_space<vmem_shared>>) target_semaphore(%run_scoped3A : memref<!tpu.dma_semaphore, #tpu.memory_space<semaphore_mem>>)
        %dma_wait3A = arith.constant 0 : i32
        %dma_wait3A_56 = tpu.memref_slice %arg20[%add3A_42, %dma_wait3A] : memref<10000x128xf32, #tpu.memory_space<vmem_shared>> -> memref<80x128xf32, #tpu.memory_space<vmem_shared>>
        %dma_wait3A_57 = arith.constant 0 : i32
        %dma_wait3A_58 = tpu.memref_slice %arg20[%add3A_42, %dma_wait3A_57] : memref<10000x128xf32, #tpu.memory_space<vmem_shared>> -> memref<80x128xf32, #tpu.memory_space<vmem_shared>>
        tpu.wait_dma2 semaphore(%run_scoped3A : memref<!tpu.dma_semaphore, #tpu.memory_space<semaphore_mem>>) src(%arg19 : memref<80x128xf32, #tpu.memory_space<vmem>>) dst(%dma_wait3A_58 : memref<80x128xf32, #tpu.memory_space<vmem_shared>>)
        tpu.yield
      }) : () -> ()
      %add3A_43 = arith.constant 640 : i32
      %add3A_44 = arith.addi %multiple_of3A_27, %add3A_43 : i32
      "tpu.region"() ({
        %run_scoped3A = tpu.sem_alloc : memref<!tpu.dma_semaphore, #tpu.memory_space<semaphore_mem>>
        %dma_start3A = arith.constant 0 : i32
        %dma_start3A_53 = tpu.memref_slice %arg20[%add3A_44, %dma_start3A] : memref<10000x128xf32, #tpu.memory_space<vmem_shared>> -> memref<80x128xf32, #tpu.memory_space<vmem_shared>>
        %dma_start3A_54 = arith.constant 0 : i32
        %dma_start3A_55 = tpu.memref_slice %arg20[%add3A_44, %dma_start3A_54] : memref<10000x128xf32, #tpu.memory_space<vmem_shared>> -> memref<80x128xf32, #tpu.memory_space<vmem_shared>>
        tpu.enqueue_dma source(%arg19 : memref<80x128xf32, #tpu.memory_space<vmem>>) target(%dma_start3A_55 : memref<80x128xf32, #tpu.memory_space<vmem_shared>>) target_semaphore(%run_scoped3A : memref<!tpu.dma_semaphore, #tpu.memory_space<semaphore_mem>>)
        %dma_wait3A = arith.constant 0 : i32
        %dma_wait3A_56 = tpu.memref_slice %arg20[%add3A_44, %dma_wait3A] : memref<10000x128xf32, #tpu.memory_space<vmem_shared>> -> memref<80x128xf32, #tpu.memory_space<vmem_shared>>
        %dma_wait3A_57 = arith.constant 0 : i32
        %dma_wait3A_58 = tpu.memref_slice %arg20[%add3A_44, %dma_wait3A_57] : memref<10000x128xf32, #tpu.memory_space<vmem_shared>> -> memref<80x128xf32, #tpu.memory_space<vmem_shared>>
        tpu.wait_dma2 semaphore(%run_scoped3A : memref<!tpu.dma_semaphore, #tpu.memory_space<semaphore_mem>>) src(%arg19 : memref<80x128xf32, #tpu.memory_space<vmem>>) dst(%dma_wait3A_58 : memref<80x128xf32, #tpu.memory_space<vmem_shared>>)
        tpu.yield
      }) : () -> ()
      %add3A_45 = arith.constant 720 : i32
      %add3A_46 = arith.addi %multiple_of3A_27, %add3A_45 : i32
      "tpu.region"() ({
        %run_scoped3A = tpu.sem_alloc : memref<!tpu.dma_semaphore, #tpu.memory_space<semaphore_mem>>
        %dma_start3A = arith.constant 0 : i32
        %dma_start3A_53 = tpu.memref_slice %arg20[%add3A_46, %dma_start3A] : memref<10000x128xf32, #tpu.memory_space<vmem_shared>> -> memref<80x128xf32, #tpu.memory_space<vmem_shared>>
        %dma_start3A_54 = arith.constant 0 : i32
        %dma_start3A_55 = tpu.memref_slice %arg20[%add3A_46, %dma_start3A_54] : memref<10000x128xf32, #tpu.memory_space<vmem_shared>> -> memref<80x128xf32, #tpu.memory_space<vmem_shared>>
        tpu.enqueue_dma source(%arg19 : memref<80x128xf32, #tpu.memory_space<vmem>>) target(%dma_start3A_55 : memref<80x128xf32, #tpu.memory_space<vmem_shared>>) target_semaphore(%run_scoped3A : memref<!tpu.dma_semaphore, #tpu.memory_space<semaphore_mem>>)
        %dma_wait3A = arith.constant 0 : i32
        %dma_wait3A_56 = tpu.memref_slice %arg20[%add3A_46, %dma_wait3A] : memref<10000x128xf32, #tpu.memory_space<vmem_shared>> -> memref<80x128xf32, #tpu.memory_space<vmem_shared>>
        %dma_wait3A_57 = arith.constant 0 : i32
        %dma_wait3A_58 = tpu.memref_slice %arg20[%add3A_46, %dma_wait3A_57] : memref<10000x128xf32, #tpu.memory_space<vmem_shared>> -> memref<80x128xf32, #tpu.memory_space<vmem_shared>>
        tpu.wait_dma2 semaphore(%run_scoped3A : memref<!tpu.dma_semaphore, #tpu.memory_space<semaphore_mem>>) src(%arg19 : memref<80x128xf32, #tpu.memory_space<vmem>>) dst(%dma_wait3A_58 : memref<80x128xf32, #tpu.memory_space<vmem_shared>>)
        tpu.yield
      }) : () -> ()
      %add3A_47 = arith.constant 800 : i32
      %add3A_48 = arith.addi %multiple_of3A_27, %add3A_47 : i32
      "tpu.region"() ({
        %run_scoped3A = tpu.sem_alloc : memref<!tpu.dma_semaphore, #tpu.memory_space<semaphore_mem>>
        %dma_start3A = arith.constant 0 : i32
        %dma_start3A_53 = tpu.memref_slice %arg20[%add3A_48, %dma_start3A] : memref<10000x128xf32, #tpu.memory_space<vmem_shared>> -> memref<80x128xf32, #tpu.memory_space<vmem_shared>>
        %dma_start3A_54 = arith.constant 0 : i32
        %dma_start3A_55 = tpu.memref_slice %arg20[%add3A_48, %dma_start3A_54] : memref<10000x128xf32, #tpu.memory_space<vmem_shared>> -> memref<80x128xf32, #tpu.memory_space<vmem_shared>>
        tpu.enqueue_dma source(%arg19 : memref<80x128xf32, #tpu.memory_space<vmem>>) target(%dma_start3A_55 : memref<80x128xf32, #tpu.memory_space<vmem_shared>>) target_semaphore(%run_scoped3A : memref<!tpu.dma_semaphore, #tpu.memory_space<semaphore_mem>>)
        %dma_wait3A = arith.constant 0 : i32
        %dma_wait3A_56 = tpu.memref_slice %arg20[%add3A_48, %dma_wait3A] : memref<10000x128xf32, #tpu.memory_space<vmem_shared>> -> memref<80x128xf32, #tpu.memory_space<vmem_shared>>
        %dma_wait3A_57 = arith.constant 0 : i32
        %dma_wait3A_58 = tpu.memref_slice %arg20[%add3A_48, %dma_wait3A_57] : memref<10000x128xf32, #tpu.memory_space<vmem_shared>> -> memref<80x128xf32, #tpu.memory_space<vmem_shared>>
        tpu.wait_dma2 semaphore(%run_scoped3A : memref<!tpu.dma_semaphore, #tpu.memory_space<semaphore_mem>>) src(%arg19 : memref<80x128xf32, #tpu.memory_space<vmem>>) dst(%dma_wait3A_58 : memref<80x128xf32, #tpu.memory_space<vmem_shared>>)
        tpu.yield
      }) : () -> ()
      %add3A_49 = arith.constant 880 : i32
      %add3A_50 = arith.addi %multiple_of3A_27, %add3A_49 : i32
      "tpu.region"() ({
        %run_scoped3A = tpu.sem_alloc : memref<!tpu.dma_semaphore, #tpu.memory_space<semaphore_mem>>
        %dma_start3A = arith.constant 0 : i32
        %dma_start3A_53 = tpu.memref_slice %arg20[%add3A_50, %dma_start3A] : memref<10000x128xf32, #tpu.memory_space<vmem_shared>> -> memref<80x128xf32, #tpu.memory_space<vmem_shared>>
        %dma_start3A_54 = arith.constant 0 : i32
        %dma_start3A_55 = tpu.memref_slice %arg20[%add3A_50, %dma_start3A_54] : memref<10000x128xf32, #tpu.memory_space<vmem_shared>> -> memref<80x128xf32, #tpu.memory_space<vmem_shared>>
        tpu.enqueue_dma source(%arg19 : memref<80x128xf32, #tpu.memory_space<vmem>>) target(%dma_start3A_55 : memref<80x128xf32, #tpu.memory_space<vmem_shared>>) target_semaphore(%run_scoped3A : memref<!tpu.dma_semaphore, #tpu.memory_space<semaphore_mem>>)
        %dma_wait3A = arith.constant 0 : i32
        %dma_wait3A_56 = tpu.memref_slice %arg20[%add3A_50, %dma_wait3A] : memref<10000x128xf32, #tpu.memory_space<vmem_shared>> -> memref<80x128xf32, #tpu.memory_space<vmem_shared>>
        %dma_wait3A_57 = arith.constant 0 : i32
        %dma_wait3A_58 = tpu.memref_slice %arg20[%add3A_50, %dma_wait3A_57] : memref<10000x128xf32, #tpu.memory_space<vmem_shared>> -> memref<80x128xf32, #tpu.memory_space<vmem_shared>>
        tpu.wait_dma2 semaphore(%run_scoped3A : memref<!tpu.dma_semaphore, #tpu.memory_space<semaphore_mem>>) src(%arg19 : memref<80x128xf32, #tpu.memory_space<vmem>>) dst(%dma_wait3A_58 : memref<80x128xf32, #tpu.memory_space<vmem_shared>>)
        tpu.yield
      }) : () -> ()
      %add3A_51 = arith.constant 960 : i32
      %add3A_52 = arith.addi %multiple_of3A_27, %add3A_51 : i32
      "tpu.region"() ({
        %run_scoped3A = tpu.sem_alloc : memref<!tpu.dma_semaphore, #tpu.memory_space<semaphore_mem>>
        %dma_start3A = arith.constant 0 : i32
        %dma_start3A_53 = arith.constant 0 : i32
        %dma_start3A_54 = tpu.memref_slice %arg19[%dma_start3A, %dma_start3A_53] : memref<80x128xf32, #tpu.memory_space<vmem>> -> memref<40x128xf32, #tpu.memory_space<vmem>>
        %dma_start3A_55 = arith.constant 0 : i32
        %dma_start3A_56 = tpu.memref_slice %arg20[%add3A_52, %dma_start3A_55] : memref<10000x128xf32, #tpu.memory_space<vmem_shared>> -> memref<40x128xf32, #tpu.memory_space<vmem_shared>>
        %dma_start3A_57 = arith.constant 0 : i32
        %dma_start3A_58 = tpu.memref_slice %arg20[%add3A_52, %dma_start3A_57] : memref<10000x128xf32, #tpu.memory_space<vmem_shared>> -> memref<40x128xf32, #tpu.memory_space<vmem_shared>>
        %dma_start3A_59 = arith.constant 0 : i32
        %dma_start3A_60 = arith.constant 0 : i32
        %dma_start3A_61 = tpu.memref_slice %arg19[%dma_start3A_59, %dma_start3A_60] : memref<80x128xf32, #tpu.memory_space<vmem>> -> memref<40x128xf32, #tpu.memory_space<vmem>>
        tpu.enqueue_dma source(%dma_start3A_61 : memref<40x128xf32, #tpu.memory_space<vmem>>) target(%dma_start3A_58 : memref<40x128xf32, #tpu.memory_space<vmem_shared>>) target_semaphore(%run_scoped3A : memref<!tpu.dma_semaphore, #tpu.memory_space<semaphore_mem>>)
        %dma_wait3A = arith.constant 0 : i32
        %dma_wait3A_62 = arith.constant 0 : i32
        %dma_wait3A_63 = tpu.memref_slice %arg19[%dma_wait3A, %dma_wait3A_62] : memref<80x128xf32, #tpu.memory_space<vmem>> -> memref<40x128xf32, #tpu.memory_space<vmem>>
        %dma_wait3A_64 = arith.constant 0 : i32
        %dma_wait3A_65 = tpu.memref_slice %arg20[%add3A_52, %dma_wait3A_64] : memref<10000x128xf32, #tpu.memory_space<vmem_shared>> -> memref<40x128xf32, #tpu.memory_space<vmem_shared>>
        %dma_wait3A_66 = arith.constant 0 : i32
        %dma_wait3A_67 = tpu.memref_slice %arg20[%add3A_52, %dma_wait3A_66] : memref<10000x128xf32, #tpu.memory_space<vmem_shared>> -> memref<40x128xf32, #tpu.memory_space<vmem_shared>>
        %dma_wait3A_68 = arith.constant 0 : i32
        %dma_wait3A_69 = arith.constant 0 : i32
        %dma_wait3A_70 = tpu.memref_slice %arg19[%dma_wait3A_68, %dma_wait3A_69] : memref<80x128xf32, #tpu.memory_space<vmem>> -> memref<40x128xf32, #tpu.memory_space<vmem>>
        tpu.wait_dma2 semaphore(%run_scoped3A : memref<!tpu.dma_semaphore, #tpu.memory_space<semaphore_mem>>) src(%dma_wait3A_70 : memref<40x128xf32, #tpu.memory_space<vmem>>) dst(%dma_wait3A_67 : memref<40x128xf32, #tpu.memory_space<vmem_shared>>)
        tpu.yield
      }) : () -> ()
    } else {
    }
    %barrier3A = arith.constant 0 : index
    tpu.barrier barrier_id(%barrier3A)
    %mul3A_10 = arith.constant 10000 : i32
    %mul3A_11 = arith.muli %arg0, %mul3A_10 : i32
    %scan3A_12 = arith.constant 0 : i32
    %scan3A_13 = arith.constant 0 : i32
    %scan3A_14 = arith.constant 5 : i32
    %scan3A_15 = arith.addi %scan3A_13, %scan3A_14 : i32
    %scan3A_16 = arith.constant 1 : i32
    %scan3A_17 = scf.for %scan3A_25 = %scan3A_13 to %scan3A_15 step %scan3A_16 iter_args(%scan3A_26 = %scan3A_12) -> (i32)  : i32 {
      %mul3A_27 = arith.constant 2000 : i32
      %mul3A_28 = arith.muli %scan3A_25, %mul3A_27 : i32
      %add3A = arith.addi %multiple_of3A, %mul3A_28 : i32
      %multiple_of3A_29 = tpu.assume_multiple %add3A, 16 : i32
      "tpu.region"() ({
        %run_scoped3A = tpu.sem_alloc : memref<!tpu.dma_semaphore, #tpu.memory_space<semaphore_mem>>
        %dma_start3A = tpu.memref_slice %arg2[%multiple_of3A_29] : memref<160000xi32, #tpu.memory_space<hbm>> -> memref<2000xi32, #tpu.memory_space<hbm>>
        %dma_start3A_52 = tpu.memref_slice %arg2[%multiple_of3A_29] : memref<160000xi32, #tpu.memory_space<hbm>> -> memref<2000xi32, #tpu.memory_space<hbm>>
        tpu.enqueue_dma source(%dma_start3A_52 : memref<2000xi32, #tpu.memory_space<hbm>>) target(%arg13 : memref<2000xi32, #tpu.memory_space<vmem>>) target_semaphore(%run_scoped3A : memref<!tpu.dma_semaphore, #tpu.memory_space<semaphore_mem>>)
        %dma_wait3A = tpu.memref_slice %arg2[%multiple_of3A_29] : memref<160000xi32, #tpu.memory_space<hbm>> -> memref<2000xi32, #tpu.memory_space<hbm>>
        %dma_wait3A_53 = tpu.memref_slice %arg2[%multiple_of3A_29] : memref<160000xi32, #tpu.memory_space<hbm>> -> memref<2000xi32, #tpu.memory_space<hbm>>
        tpu.wait_dma2 semaphore(%run_scoped3A : memref<!tpu.dma_semaphore, #tpu.memory_space<semaphore_mem>>) src(%dma_wait3A_53 : memref<2000xi32, #tpu.memory_space<hbm>>) dst(%arg13 : memref<2000xi32, #tpu.memory_space<vmem>>)
        tpu.yield
      }) : () -> ()
      "tpu.region"() ({
        %run_scoped3A = tpu.sem_alloc : memref<!tpu.dma_semaphore, #tpu.memory_space<semaphore_mem>>
        %dma_start3A = tpu.memref_slice %arg3[%multiple_of3A_29] : memref<160000xi32, #tpu.memory_space<hbm>> -> memref<2000xi32, #tpu.memory_space<hbm>>
        %dma_start3A_52 = tpu.memref_slice %arg3[%multiple_of3A_29] : memref<160000xi32, #tpu.memory_space<hbm>> -> memref<2000xi32, #tpu.memory_space<hbm>>
        tpu.enqueue_dma source(%dma_start3A_52 : memref<2000xi32, #tpu.memory_space<hbm>>) target(%arg14 : memref<2000xi32, #tpu.memory_space<vmem>>) target_semaphore(%run_scoped3A : memref<!tpu.dma_semaphore, #tpu.memory_space<semaphore_mem>>)
        %dma_wait3A = tpu.memref_slice %arg3[%multiple_of3A_29] : memref<160000xi32, #tpu.memory_space<hbm>> -> memref<2000xi32, #tpu.memory_space<hbm>>
        %dma_wait3A_53 = tpu.memref_slice %arg3[%multiple_of3A_29] : memref<160000xi32, #tpu.memory_space<hbm>> -> memref<2000xi32, #tpu.memory_space<hbm>>
        tpu.wait_dma2 semaphore(%run_scoped3A : memref<!tpu.dma_semaphore, #tpu.memory_space<semaphore_mem>>) src(%dma_wait3A_53 : memref<2000xi32, #tpu.memory_space<hbm>>) dst(%arg14 : memref<2000xi32, #tpu.memory_space<vmem>>)
        tpu.yield
      }) : () -> ()
      "tpu.region"() ({
        %run_scoped3A = tpu.sem_alloc : memref<!tpu.dma_semaphore, #tpu.memory_space<semaphore_mem>>
        %dma_start3A = tpu.memref_slice %arg4[%multiple_of3A_29] : memref<160000xf32, #tpu.memory_space<hbm>> -> memref<2000xf32, #tpu.memory_space<hbm>>
        %dma_start3A_52 = tpu.memref_slice %arg4[%multiple_of3A_29] : memref<160000xf32, #tpu.memory_space<hbm>> -> memref<2000xf32, #tpu.memory_space<hbm>>
        tpu.enqueue_dma source(%dma_start3A_52 : memref<2000xf32, #tpu.memory_space<hbm>>) target(%arg15 : memref<2000xf32, #tpu.memory_space<vmem>>) target_semaphore(%run_scoped3A : memref<!tpu.dma_semaphore, #tpu.memory_space<semaphore_mem>>)
        %dma_wait3A = tpu.memref_slice %arg4[%multiple_of3A_29] : memref<160000xf32, #tpu.memory_space<hbm>> -> memref<2000xf32, #tpu.memory_space<hbm>>
        %dma_wait3A_53 = tpu.memref_slice %arg4[%multiple_of3A_29] : memref<160000xf32, #tpu.memory_space<hbm>> -> memref<2000xf32, #tpu.memory_space<hbm>>
        tpu.wait_dma2 semaphore(%run_scoped3A : memref<!tpu.dma_semaphore, #tpu.memory_space<semaphore_mem>>) src(%dma_wait3A_53 : memref<2000xf32, #tpu.memory_space<hbm>>) dst(%arg15 : memref<2000xf32, #tpu.memory_space<vmem>>)
        tpu.yield
      }) : () -> ()
      %scan3A_30 = arith.constant 0 : i32
      %scan3A_31 = arith.constant 0 : i32
      %scan3A_32 = arith.constant 125 : i32
      %scan3A_33 = arith.addi %scan3A_31, %scan3A_32 : i32
      %scan3A_34 = arith.constant 1 : i32
      %scan3A_35 = scf.for %scan3A_52 = %scan3A_31 to %scan3A_33 step %scan3A_34 iter_args(%scan3A_53 = %scan3A_30) -> (i32)  : i32 {
        %mul3A_54 = arith.constant 16 : i32
        %mul3A_55 = arith.muli %scan3A_52, %mul3A_54 : i32
        %get3A = arith.index_cast %mul3A_55 : i32 to index
        %get3A_56 = tpu.vector_load %arg13[%get3A] {strides = array<i32>} : memref<2000xi32, #tpu.memory_space<vmem>>, vector<16xi32>,
        %get3A_57 = arith.index_cast %mul3A_55 : i32 to index
        %get3A_58 = tpu.vector_load %arg14[%get3A_57] {strides = array<i32>} : memref<2000xi32, #tpu.memory_space<vmem>>, vector<16xi32>,
        %get3A_59 = arith.index_cast %mul3A_55 : i32 to index
        %get3A_60 = tpu.vector_load %arg15[%get3A_59] {strides = array<i32>} : memref<2000xf32, #tpu.memory_space<vmem>>, vector<16xf32>,
        %mul3A_61 = arith.constant 1.280000e+02 : f32
        %mul3A_62 = vector.broadcast %mul3A_61 : f32 to vector<16xf32>
        %mul3A_63 = arith.mulf %get3A_60, %mul3A_62 : vector<16xf32>
        %convert_element_type3A_64 = arith.fptosi %mul3A_63 : vector<16xf32> to vector<16xi32>
        %jit3A = arith.constant 0 : i32
        %jit3A_65 = arith.constant 4095 : i32
        %max3A = vector.broadcast %jit3A : i32 to vector<16xi32>
        %max3A_66 = arith.maxsi %max3A, %convert_element_type3A_64 : vector<16xi32>
        %min3A = vector.broadcast %jit3A_65 : i32 to vector<16xi32>
        %min3A_67 = arith.minsi %min3A, %max3A_66 : vector<16xi32>
        %gather3A = tpu.vector_load_idx %arg11[%min3A_67] : memref<4096xf32, #tpu.memory_space<vmem>>[vector<16xi32>], vector<16xf32>,
        %ge3A = arith.cmpf oge, %get3A_60, %gather3A : vector<16xf32>
        %sub3A = arith.constant 1 : i32
        %sub3A_68 = vector.broadcast %sub3A : i32 to vector<16xi32>
        %sub3A_69 = arith.subi %min3A_67, %sub3A_68 : vector<16xi32>
        %select_n3A = arith.select %ge3A, %min3A_67, %sub3A_69 : vector<16xi1>, vector<16xi32>
        %jit3A_70 = arith.constant 0 : i32
        %jit3A_71 = arith.constant 4095 : i32
        %max3A_72 = vector.broadcast %jit3A_70 : i32 to vector<16xi32>
        %max3A_73 = arith.maxsi %max3A_72, %select_n3A : vector<16xi32>
        %min3A_74 = vector.broadcast %jit3A_71 : i32 to vector<16xi32>
        %min3A_75 = arith.minsi %min3A_74, %max3A_73 : vector<16xi32>
        %add3A_76 = arith.constant 1 : i32
        %add3A_77 = vector.broadcast %add3A_76 : i32 to vector<16xi32>
        %add3A_78 = arith.addi %min3A_67, %add3A_77 : vector<16xi32>
        %select_n3A_79 = arith.select %ge3A, %add3A_78, %min3A_67 : vector<16xi1>, vector<16xi32>
        %jit3A_80 = arith.constant 0 : i32
        %jit3A_81 = arith.constant 4095 : i32
        %max3A_82 = vector.broadcast %jit3A_80 : i32 to vector<16xi32>
        %max3A_83 = arith.maxsi %max3A_82, %select_n3A_79 : vector<16xi32>
        %min3A_84 = vector.broadcast %jit3A_81 : i32 to vector<16xi32>
        %min3A_85 = arith.minsi %min3A_84, %max3A_83 : vector<16xi32>
        %gather3A_86 = tpu.vector_load_idx %arg11[%min3A_75] : memref<4096xf32, #tpu.memory_space<vmem>>[vector<16xi32>], vector<16xf32>,
        %gather3A_87 = tpu.vector_load_idx %arg11[%min3A_85] : memref<4096xf32, #tpu.memory_space<vmem>>[vector<16xi32>], vector<16xf32>,
        %gather3A_88 = tpu.vector_load_idx %arg12[%min3A_75] : memref<4096xf32, #tpu.memory_space<vmem>>[vector<16xi32>], vector<16xf32>,
        %gather3A_89 = tpu.vector_load_idx %arg12[%min3A_85] : memref<4096xf32, #tpu.memory_space<vmem>>[vector<16xi32>], vector<16xf32>,
        %sub3A_90 = arith.subf %get3A_60, %gather3A_86 : vector<16xf32>
        %sub3A_91 = arith.subf %gather3A_87, %gather3A_86 : vector<16xf32>
        %max3A_92 = arith.constant 9.99999996E-13 : f32
        %max3A_93 = vector.broadcast %max3A_92 : f32 to vector<16xf32>
        %max3A_94 = arith.maximumf %sub3A_91, %max3A_93 : vector<16xf32>
        %div3A = arith.divf %sub3A_90, %max3A_94 : vector<16xf32>
        %sub3A_95 = arith.subf %gather3A_89, %gather3A_88 : vector<16xf32>
        %mul3A_96 = arith.mulf %div3A, %sub3A_95 : vector<16xf32>
        %add3A_97 = arith.addf %gather3A_88, %mul3A_96 : vector<16xf32>
        %gather3A_98 = tpu.vector_load_idx %arg10[%get3A_56] : memref<10000xf32, #tpu.memory_space<vmem>>[vector<16xi32>], vector<16xf32>,
        %gather3A_99 = tpu.vector_load_idx %arg10[%get3A_58] : memref<10000xf32, #tpu.memory_space<vmem>>[vector<16xi32>], vector<16xf32>,
        %mul3A_100 = arith.mulf %gather3A_98, %gather3A_99 : vector<16xf32>
        %mul3A_101 = arith.mulf %mul3A_100, %add3A_97 : vector<16xf32>
        %swap3A = arith.index_cast %mul3A_55 : i32 to index
        %swap3A_102 = tpu.vector_load %arg16[%swap3A] {strides = array<i32>} : memref<2000xf32, #tpu.memory_space<vmem>>, vector<16xf32>,
        tpu.vector_store %arg16[%swap3A], %mul3A_101 {strides = array<i32>} : memref<2000xf32, #tpu.memory_space<vmem>>, vector<16xf32>,
        %scan3A_103 = arith.constant 0 : i32
        scf.yield %scan3A_103 : i32
      }
      %scan3A_36 = arith.constant 125 : i32
      %scan3A_37 = arith.constant 0 : i32
      %scan3A_38 = arith.constant 0 : i32
      %scan3A_39 = arith.constant 25 : i32
      %scan3A_40 = arith.addi %scan3A_38, %scan3A_39 : i32
      %scan3A_41 = arith.constant 1 : i32
      %scan3A_42 = scf.for %scan3A_52 = %scan3A_38 to %scan3A_40 step %scan3A_41 iter_args(%scan3A_53 = %scan3A_37) -> (i32)  : i32 {
        %mul3A_54 = arith.constant 80 : i32
        %mul3A_55 = arith.muli %scan3A_52, %mul3A_54 : i32
        %multiple_of3A_56 = tpu.assume_multiple %mul3A_55, 16 : i32
        %scan3A_57 = arith.constant 0 : i32
        %scan3A_58 = arith.constant 0 : i32
        %scan3A_59 = arith.constant 5 : i32
        %scan3A_60 = arith.addi %scan3A_58, %scan3A_59 : i32
        %scan3A_61 = arith.constant 1 : i32
        %scan3A_62 = scf.for %scan3A_76 = %scan3A_58 to %scan3A_60 step %scan3A_61 iter_args(%scan3A_77 = %scan3A_57) -> (i32)  : i32 {
          %mul3A_78 = arith.constant 16 : i32
          %mul3A_79 = arith.muli %scan3A_76, %mul3A_78 : i32
          %mul3A_80 = arith.constant 16 : i32
          %mul3A_81 = arith.muli %scan3A_76, %mul3A_80 : i32
          %add3A_82 = arith.addi %multiple_of3A_56, %mul3A_81 : i32
          %get3A = arith.index_cast %add3A_82 : i32 to index
          %get3A_83 = tpu.vector_load %arg14[%get3A] {strides = array<i32>} : memref<2000xi32, #tpu.memory_space<vmem>>, vector<16xi32>,
          %add3A_84 = vector.broadcast %mul3A_11 : i32 to vector<16xi32>
          %add3A_85 = arith.addi %get3A_83, %add3A_84 : vector<16xi32>
          %swap3A = arith.index_cast %mul3A_79 : i32 to index
          %swap3A_86 = tpu.vector_load %arg17[%swap3A] {strides = array<i32>} : memref<80xi32, #tpu.memory_space<vmem>>, vector<16xi32>,
          tpu.vector_store %arg17[%swap3A], %add3A_85 {strides = array<i32>} : memref<80xi32, #tpu.memory_space<vmem>>, vector<16xi32>,
          %get3A_87 = arith.index_cast %add3A_82 : i32 to index
          %get3A_88 = tpu.vector_load %arg13[%get3A_87] {strides = array<i32>} : memref<2000xi32, #tpu.memory_space<vmem>>, vector<16xi32>,
          %swap3A_89 = arith.index_cast %mul3A_79 : i32 to index
          %swap3A_90 = tpu.vector_load %arg18[%swap3A_89] {strides = array<i32>} : memref<80xi32, #tpu.memory_space<vmem>>, vector<16xi32>,
          tpu.vector_store %arg18[%swap3A_89], %get3A_88 {strides = array<i32>} : memref<80xi32, #tpu.memory_space<vmem>>, vector<16xi32>,
          %scan3A_91 = arith.constant 0 : i32
          scf.yield %scan3A_91 : i32
        }
        %scan3A_63 = arith.constant 5 : i32
        %dma_start3A = arith.constant 0 : i32
        %dma_start3A_64 = arith.constant 0 : i32
        %dma_start3A_65 = tpu.memref_slice %arg8[%dma_start3A, %dma_start3A_64] : memref<20000x128xf32, #tpu.memory_space<hbm>> -> memref<20000x128xf32, #tpu.memory_space<hbm>>
        tpu.enqueue_indirect_dma source(%dma_start3A_65 : memref<20000x128xf32, #tpu.memory_space<hbm>>) target(%arg19 : memref<80x128xf32, #tpu.memory_space<vmem>>) offsets(%arg17 : memref<80xi32, #tpu.memory_space<vmem>>) semaphore(%arg21 : memref<!tpu.dma_semaphore, #tpu.memory_space<semaphore_mem>>)
        %dma_wait3A = arith.constant 0 : i32
        %dma_wait3A_66 = arith.constant 0 : i32
        %dma_wait3A_67 = tpu.memref_slice %arg8[%dma_wait3A, %dma_wait3A_66] : memref<20000x128xf32, #tpu.memory_space<hbm>> -> memref<20000x128xf32, #tpu.memory_space<hbm>>
        tpu.wait_indirect_dma semaphore(%arg21 : memref<!tpu.dma_semaphore, #tpu.memory_space<semaphore_mem>>) src(%dma_wait3A_67 : memref<20000x128xf32, #tpu.memory_space<hbm>>) dst(%arg19 : memref<80x128xf32, #tpu.memory_space<vmem>>)
        %scan3A_68 = arith.constant 0 : i32
        %scan3A_69 = arith.constant 0 : i32
        %scan3A_70 = arith.constant 80 : i32
        %scan3A_71 = arith.addi %scan3A_69, %scan3A_70 : i32
        %scan3A_72 = arith.constant 1 : i32
        %scan3A_73 = scf.for %scan3A_76 = %scan3A_69 to %scan3A_71 step %scan3A_72 iter_args(%scan3A_77 = %scan3A_68) -> (i32)  : i32 {
          %broadcast_in_dim3A_78 = arith.constant 0 : i32
          %broadcast_in_dim3A_79 = vector.broadcast %broadcast_in_dim3A_78 : i32 to vector<16xi32>
          %add3A_80 = arith.addi %multiple_of3A_56, %scan3A_76 : i32
          %add3A_81 = vector.broadcast %add3A_80 : i32 to vector<16xi32>
          %add3A_82 = arith.addi %broadcast_in_dim3A_79, %add3A_81 : vector<16xi32>
          %gather3A = tpu.vector_load_idx %arg16[%add3A_82] : memref<2000xf32, #tpu.memory_space<vmem>>[vector<16xi32>], vector<16xf32>,
          %get3A = arith.index_cast %scan3A_76 : i32 to index
          %get3A_83 = arith.constant 0 : index
          %get3A_84 = tpu.vector_load %arg19[%get3A, %get3A_83] {strides = array<i32>} : memref<80x128xf32, #tpu.memory_space<vmem>>, vector<16xf32>,
          %mul3A_85 = arith.mulf %get3A_84, %gather3A : vector<16xf32>
          %swap3A = arith.index_cast %scan3A_76 : i32 to index
          %swap3A_86 = arith.constant 0 : index
          %swap3A_87 = tpu.vector_load %arg19[%swap3A, %swap3A_86] {strides = array<i32>} : memref<80x128xf32, #tpu.memory_space<vmem>>, vector<16xf32>,
          tpu.vector_store %arg19[%swap3A, %swap3A_86], %mul3A_85 {strides = array<i32>} : memref<80x128xf32, #tpu.memory_space<vmem>>, vector<16xf32>,
          %get3A_88 = arith.index_cast %scan3A_76 : i32 to index
          %get3A_89 = arith.constant 16 : index
          %get3A_90 = tpu.vector_load %arg19[%get3A_88, %get3A_89] {strides = array<i32>} : memref<80x128xf32, #tpu.memory_space<vmem>>, vector<16xf32>,
          %mul3A_91 = arith.mulf %get3A_90, %gather3A : vector<16xf32>
          %swap3A_92 = arith.index_cast %scan3A_76 : i32 to index
          %swap3A_93 = arith.constant 16 : index
          %swap3A_94 = tpu.vector_load %arg19[%swap3A_92, %swap3A_93] {strides = array<i32>} : memref<80x128xf32, #tpu.memory_space<vmem>>, vector<16xf32>,
          tpu.vector_store %arg19[%swap3A_92, %swap3A_93], %mul3A_91 {strides = array<i32>} : memref<80x128xf32, #tpu.memory_space<vmem>>, vector<16xf32>,
          %get3A_95 = arith.index_cast %scan3A_76 : i32 to index
          %get3A_96 = arith.constant 32 : index
          %get3A_97 = tpu.vector_load %arg19[%get3A_95, %get3A_96] {strides = array<i32>} : memref<80x128xf32, #tpu.memory_space<vmem>>, vector<16xf32>,
          %mul3A_98 = arith.mulf %get3A_97, %gather3A : vector<16xf32>
          %swap3A_99 = arith.index_cast %scan3A_76 : i32 to index
          %swap3A_100 = arith.constant 32 : index
          %swap3A_101 = tpu.vector_load %arg19[%swap3A_99, %swap3A_100] {strides = array<i32>} : memref<80x128xf32, #tpu.memory_space<vmem>>, vector<16xf32>,
          tpu.vector_store %arg19[%swap3A_99, %swap3A_100], %mul3A_98 {strides = array<i32>} : memref<80x128xf32, #tpu.memory_space<vmem>>, vector<16xf32>,
          %get3A_102 = arith.index_cast %scan3A_76 : i32 to index
          %get3A_103 = arith.constant 48 : index
          %get3A_104 = tpu.vector_load %arg19[%get3A_102, %get3A_103] {strides = array<i32>} : memref<80x128xf32, #tpu.memory_space<vmem>>, vector<16xf32>,
          %mul3A_105 = arith.mulf %get3A_104, %gather3A : vector<16xf32>
          %swap3A_106 = arith.index_cast %scan3A_76 : i32 to index
          %swap3A_107 = arith.constant 48 : index
          %swap3A_108 = tpu.vector_load %arg19[%swap3A_106, %swap3A_107] {strides = array<i32>} : memref<80x128xf32, #tpu.memory_space<vmem>>, vector<16xf32>,
          tpu.vector_store %arg19[%swap3A_106, %swap3A_107], %mul3A_105 {strides = array<i32>} : memref<80x128xf32, #tpu.memory_space<vmem>>, vector<16xf32>,
          %get3A_109 = arith.index_cast %scan3A_76 : i32 to index
          %get3A_110 = arith.constant 64 : index
          %get3A_111 = tpu.vector_load %arg19[%get3A_109, %get3A_110] {strides = array<i32>} : memref<80x128xf32, #tpu.memory_space<vmem>>, vector<16xf32>,
          %mul3A_112 = arith.mulf %get3A_111, %gather3A : vector<16xf32>
          %swap3A_113 = arith.index_cast %scan3A_76 : i32 to index
          %swap3A_114 = arith.constant 64 : index
          %swap3A_115 = tpu.vector_load %arg19[%swap3A_113, %swap3A_114] {strides = array<i32>} : memref<80x128xf32, #tpu.memory_space<vmem>>, vector<16xf32>,
          tpu.vector_store %arg19[%swap3A_113, %swap3A_114], %mul3A_112 {strides = array<i32>} : memref<80x128xf32, #tpu.memory_space<vmem>>, vector<16xf32>,
          %get3A_116 = arith.index_cast %scan3A_76 : i32 to index
          %get3A_117 = arith.constant 80 : index
          %get3A_118 = tpu.vector_load %arg19[%get3A_116, %get3A_117] {strides = array<i32>} : memref<80x128xf32, #tpu.memory_space<vmem>>, vector<16xf32>,
          %mul3A_119 = arith.mulf %get3A_118, %gather3A : vector<16xf32>
          %swap3A_120 = arith.index_cast %scan3A_76 : i32 to index
          %swap3A_121 = arith.constant 80 : index
          %swap3A_122 = tpu.vector_load %arg19[%swap3A_120, %swap3A_121] {strides = array<i32>} : memref<80x128xf32, #tpu.memory_space<vmem>>, vector<16xf32>,
          tpu.vector_store %arg19[%swap3A_120, %swap3A_121], %mul3A_119 {strides = array<i32>} : memref<80x128xf32, #tpu.memory_space<vmem>>, vector<16xf32>,
          %get3A_123 = arith.index_cast %scan3A_76 : i32 to index
          %get3A_124 = arith.constant 96 : index
          %get3A_125 = tpu.vector_load %arg19[%get3A_123, %get3A_124] {strides = array<i32>} : memref<80x128xf32, #tpu.memory_space<vmem>>, vector<16xf32>,
          %mul3A_126 = arith.mulf %get3A_125, %gather3A : vector<16xf32>
          %swap3A_127 = arith.index_cast %scan3A_76 : i32 to index
          %swap3A_128 = arith.constant 96 : index
          %swap3A_129 = tpu.vector_load %arg19[%swap3A_127, %swap3A_128] {strides = array<i32>} : memref<80x128xf32, #tpu.memory_space<vmem>>, vector<16xf32>,
          tpu.vector_store %arg19[%swap3A_127, %swap3A_128], %mul3A_126 {strides = array<i32>} : memref<80x128xf32, #tpu.memory_space<vmem>>, vector<16xf32>,
          %get3A_130 = arith.index_cast %scan3A_76 : i32 to index
          %get3A_131 = arith.constant 112 : index
          %get3A_132 = tpu.vector_load %arg19[%get3A_130, %get3A_131] {strides = array<i32>} : memref<80x128xf32, #tpu.memory_space<vmem>>, vector<16xf32>,
          %mul3A_133 = arith.mulf %get3A_132, %gather3A : vector<16xf32>
          %swap3A_134 = arith.index_cast %scan3A_76 : i32 to index
          %swap3A_135 = arith.constant 112 : index
          %swap3A_136 = tpu.vector_load %arg19[%swap3A_134, %swap3A_135] {strides = array<i32>} : memref<80x128xf32, #tpu.memory_space<vmem>>, vector<16xf32>,
          tpu.vector_store %arg19[%swap3A_134, %swap3A_135], %mul3A_133 {strides = array<i32>} : memref<80x128xf32, #tpu.memory_space<vmem>>, vector<16xf32>,
          %scan3A_137 = arith.constant 0 : i32
          scf.yield %scan3A_137 : i32
        }
        %scan3A_74 = arith.constant 80 : i32
        "tpu.region"() ({
          %run_scoped3A = tpu.sem_alloc : memref<!tpu.dma_semaphore, #tpu.memory_space<semaphore_mem>>
          %dma_start3A_76 = arith.constant 0 : i32
          %dma_start3A_77 = arith.constant 0 : i32
          %dma_start3A_78 = tpu.memref_slice %arg20[%dma_start3A_76, %dma_start3A_77] : memref<10000x128xf32, #tpu.memory_space<vmem_shared>> -> memref<10000x128xf32, #tpu.memory_space<vmem_shared>>
          tpu.enqueue_indirect_dma source(%arg19 : memref<80x128xf32, #tpu.memory_space<vmem>>) target(%dma_start3A_78 : memref<10000x128xf32, #tpu.memory_space<vmem_shared>>) offsets(%arg18 : memref<80xi32, #tpu.memory_space<vmem>>) semaphore(%run_scoped3A : memref<!tpu.dma_semaphore, #tpu.memory_space<semaphore_mem>>) {add = true}
          %dma_wait3A_79 = arith.constant 0 : i32
          %dma_wait3A_80 = arith.constant 0 : i32
          %dma_wait3A_81 = tpu.memref_slice %arg20[%dma_wait3A_79, %dma_wait3A_80] : memref<10000x128xf32, #tpu.memory_space<vmem_shared>> -> memref<10000x128xf32, #tpu.memory_space<vmem_shared>>
          tpu.wait_indirect_dma semaphore(%run_scoped3A : memref<!tpu.dma_semaphore, #tpu.memory_space<semaphore_mem>>) src(%arg19 : memref<80x128xf32, #tpu.memory_space<vmem>>) dst(%dma_wait3A_81 : memref<10000x128xf32, #tpu.memory_space<vmem_shared>>)
          tpu.yield
        }) : () -> ()
        %scan3A_75 = arith.constant 0 : i32
        scf.yield %scan3A_75 : i32
      }
      %scan3A_43 = arith.constant 25 : i32
      %scan3A_44 = arith.constant 0 : i32
      %scan3A_45 = arith.constant 0 : i32
      %scan3A_46 = arith.constant 25 : i32
      %scan3A_47 = arith.addi %scan3A_45, %scan3A_46 : i32
      %scan3A_48 = arith.constant 1 : i32
      %scan3A_49 = scf.for %scan3A_52 = %scan3A_45 to %scan3A_47 step %scan3A_48 iter_args(%scan3A_53 = %scan3A_44) -> (i32)  : i32 {
        %mul3A_54 = arith.constant 80 : i32
        %mul3A_55 = arith.muli %scan3A_52, %mul3A_54 : i32
        %multiple_of3A_56 = tpu.assume_multiple %mul3A_55, 16 : i32
        %scan3A_57 = arith.constant 0 : i32
        %scan3A_58 = arith.constant 0 : i32
        %scan3A_59 = arith.constant 5 : i32
        %scan3A_60 = arith.addi %scan3A_58, %scan3A_59 : i32
        %scan3A_61 = arith.constant 1 : i32
        %scan3A_62 = scf.for %scan3A_76 = %scan3A_58 to %scan3A_60 step %scan3A_61 iter_args(%scan3A_77 = %scan3A_57) -> (i32)  : i32 {
          %mul3A_78 = arith.constant 16 : i32
          %mul3A_79 = arith.muli %scan3A_76, %mul3A_78 : i32
          %mul3A_80 = arith.constant 16 : i32
          %mul3A_81 = arith.muli %scan3A_76, %mul3A_80 : i32
          %add3A_82 = arith.addi %multiple_of3A_56, %mul3A_81 : i32
          %get3A = arith.index_cast %add3A_82 : i32 to index
          %get3A_83 = tpu.vector_load %arg13[%get3A] {strides = array<i32>} : memref<2000xi32, #tpu.memory_space<vmem>>, vector<16xi32>,
          %add3A_84 = vector.broadcast %mul3A_11 : i32 to vector<16xi32>
          %add3A_85 = arith.addi %get3A_83, %add3A_84 : vector<16xi32>
          %swap3A = arith.index_cast %mul3A_79 : i32 to index
          %swap3A_86 = tpu.vector_load %arg17[%swap3A] {strides = array<i32>} : memref<80xi32, #tpu.memory_space<vmem>>, vector<16xi32>,
          tpu.vector_store %arg17[%swap3A], %add3A_85 {strides = array<i32>} : memref<80xi32, #tpu.memory_space<vmem>>, vector<16xi32>,
          %get3A_87 = arith.index_cast %add3A_82 : i32 to index
          %get3A_88 = tpu.vector_load %arg14[%get3A_87] {strides = array<i32>} : memref<2000xi32, #tpu.memory_space<vmem>>, vector<16xi32>,
          %swap3A_89 = arith.index_cast %mul3A_79 : i32 to index
          %swap3A_90 = tpu.vector_load %arg18[%swap3A_89] {strides = array<i32>} : memref<80xi32, #tpu.memory_space<vmem>>, vector<16xi32>,
          tpu.vector_store %arg18[%swap3A_89], %get3A_88 {strides = array<i32>} : memref<80xi32, #tpu.memory_space<vmem>>, vector<16xi32>,
          %scan3A_91 = arith.constant 0 : i32
          scf.yield %scan3A_91 : i32
        }
        %scan3A_63 = arith.constant 5 : i32
        %dma_start3A = arith.constant 0 : i32
        %dma_start3A_64 = arith.constant 0 : i32
        %dma_start3A_65 = tpu.memref_slice %arg8[%dma_start3A, %dma_start3A_64] : memref<20000x128xf32, #tpu.memory_space<hbm>> -> memref<20000x128xf32, #tpu.memory_space<hbm>>
        tpu.enqueue_indirect_dma source(%dma_start3A_65 : memref<20000x128xf32, #tpu.memory_space<hbm>>) target(%arg19 : memref<80x128xf32, #tpu.memory_space<vmem>>) offsets(%arg17 : memref<80xi32, #tpu.memory_space<vmem>>) semaphore(%arg21 : memref<!tpu.dma_semaphore, #tpu.memory_space<semaphore_mem>>)
        %dma_wait3A = arith.constant 0 : i32
        %dma_wait3A_66 = arith.constant 0 : i32
        %dma_wait3A_67 = tpu.memref_slice %arg8[%dma_wait3A, %dma_wait3A_66] : memref<20000x128xf32, #tpu.memory_space<hbm>> -> memref<20000x128xf32, #tpu.memory_space<hbm>>
        tpu.wait_indirect_dma semaphore(%arg21 : memref<!tpu.dma_semaphore, #tpu.memory_space<semaphore_mem>>) src(%dma_wait3A_67 : memref<20000x128xf32, #tpu.memory_space<hbm>>) dst(%arg19 : memref<80x128xf32, #tpu.memory_space<vmem>>)
        %scan3A_68 = arith.constant 0 : i32
        %scan3A_69 = arith.constant 0 : i32
        %scan3A_70 = arith.constant 80 : i32
        %scan3A_71 = arith.addi %scan3A_69, %scan3A_70 : i32
        %scan3A_72 = arith.constant 1 : i32
        %scan3A_73 = scf.for %scan3A_76 = %scan3A_69 to %scan3A_71 step %scan3A_72 iter_args(%scan3A_77 = %scan3A_68) -> (i32)  : i32 {
          %broadcast_in_dim3A_78 = arith.constant 0 : i32
          %broadcast_in_dim3A_79 = vector.broadcast %broadcast_in_dim3A_78 : i32 to vector<16xi32>
          %add3A_80 = arith.addi %multiple_of3A_56, %scan3A_76 : i32
          %add3A_81 = vector.broadcast %add3A_80 : i32 to vector<16xi32>
          %add3A_82 = arith.addi %broadcast_in_dim3A_79, %add3A_81 : vector<16xi32>
          %gather3A = tpu.vector_load_idx %arg16[%add3A_82] : memref<2000xf32, #tpu.memory_space<vmem>>[vector<16xi32>], vector<16xf32>,
          %get3A = arith.index_cast %scan3A_76 : i32 to index
          %get3A_83 = arith.constant 0 : index
          %get3A_84 = tpu.vector_load %arg19[%get3A, %get3A_83] {strides = array<i32>} : memref<80x128xf32, #tpu.memory_space<vmem>>, vector<16xf32>,
          %mul3A_85 = arith.mulf %get3A_84, %gather3A : vector<16xf32>
          %swap3A = arith.index_cast %scan3A_76 : i32 to index
          %swap3A_86 = arith.constant 0 : index
          %swap3A_87 = tpu.vector_load %arg19[%swap3A, %swap3A_86] {strides = array<i32>} : memref<80x128xf32, #tpu.memory_space<vmem>>, vector<16xf32>,
          tpu.vector_store %arg19[%swap3A, %swap3A_86], %mul3A_85 {strides = array<i32>} : memref<80x128xf32, #tpu.memory_space<vmem>>, vector<16xf32>,
          %get3A_88 = arith.index_cast %scan3A_76 : i32 to index
          %get3A_89 = arith.constant 16 : index
          %get3A_90 = tpu.vector_load %arg19[%get3A_88, %get3A_89] {strides = array<i32>} : memref<80x128xf32, #tpu.memory_space<vmem>>, vector<16xf32>,
          %mul3A_91 = arith.mulf %get3A_90, %gather3A : vector<16xf32>
          %swap3A_92 = arith.index_cast %scan3A_76 : i32 to index
          %swap3A_93 = arith.constant 16 : index
          %swap3A_94 = tpu.vector_load %arg19[%swap3A_92, %swap3A_93] {strides = array<i32>} : memref<80x128xf32, #tpu.memory_space<vmem>>, vector<16xf32>,
          tpu.vector_store %arg19[%swap3A_92, %swap3A_93], %mul3A_91 {strides = array<i32>} : memref<80x128xf32, #tpu.memory_space<vmem>>, vector<16xf32>,
          %get3A_95 = arith.index_cast %scan3A_76 : i32 to index
          %get3A_96 = arith.constant 32 : index
          %get3A_97 = tpu.vector_load %arg19[%get3A_95, %get3A_96] {strides = array<i32>} : memref<80x128xf32, #tpu.memory_space<vmem>>, vector<16xf32>,
          %mul3A_98 = arith.mulf %get3A_97, %gather3A : vector<16xf32>
          %swap3A_99 = arith.index_cast %scan3A_76 : i32 to index
          %swap3A_100 = arith.constant 32 : index
          %swap3A_101 = tpu.vector_load %arg19[%swap3A_99, %swap3A_100] {strides = array<i32>} : memref<80x128xf32, #tpu.memory_space<vmem>>, vector<16xf32>,
          tpu.vector_store %arg19[%swap3A_99, %swap3A_100], %mul3A_98 {strides = array<i32>} : memref<80x128xf32, #tpu.memory_space<vmem>>, vector<16xf32>,
          %get3A_102 = arith.index_cast %scan3A_76 : i32 to index
          %get3A_103 = arith.constant 48 : index
          %get3A_104 = tpu.vector_load %arg19[%get3A_102, %get3A_103] {strides = array<i32>} : memref<80x128xf32, #tpu.memory_space<vmem>>, vector<16xf32>,
          %mul3A_105 = arith.mulf %get3A_104, %gather3A : vector<16xf32>
          %swap3A_106 = arith.index_cast %scan3A_76 : i32 to index
          %swap3A_107 = arith.constant 48 : index
          %swap3A_108 = tpu.vector_load %arg19[%swap3A_106, %swap3A_107] {strides = array<i32>} : memref<80x128xf32, #tpu.memory_space<vmem>>, vector<16xf32>,
          tpu.vector_store %arg19[%swap3A_106, %swap3A_107], %mul3A_105 {strides = array<i32>} : memref<80x128xf32, #tpu.memory_space<vmem>>, vector<16xf32>,
          %get3A_109 = arith.index_cast %scan3A_76 : i32 to index
          %get3A_110 = arith.constant 64 : index
          %get3A_111 = tpu.vector_load %arg19[%get3A_109, %get3A_110] {strides = array<i32>} : memref<80x128xf32, #tpu.memory_space<vmem>>, vector<16xf32>,
          %mul3A_112 = arith.mulf %get3A_111, %gather3A : vector<16xf32>
          %swap3A_113 = arith.index_cast %scan3A_76 : i32 to index
          %swap3A_114 = arith.constant 64 : index
          %swap3A_115 = tpu.vector_load %arg19[%swap3A_113, %swap3A_114] {strides = array<i32>} : memref<80x128xf32, #tpu.memory_space<vmem>>, vector<16xf32>,
          tpu.vector_store %arg19[%swap3A_113, %swap3A_114], %mul3A_112 {strides = array<i32>} : memref<80x128xf32, #tpu.memory_space<vmem>>, vector<16xf32>,
          %get3A_116 = arith.index_cast %scan3A_76 : i32 to index
          %get3A_117 = arith.constant 80 : index
          %get3A_118 = tpu.vector_load %arg19[%get3A_116, %get3A_117] {strides = array<i32>} : memref<80x128xf32, #tpu.memory_space<vmem>>, vector<16xf32>,
          %mul3A_119 = arith.mulf %get3A_118, %gather3A : vector<16xf32>
          %swap3A_120 = arith.index_cast %scan3A_76 : i32 to index
          %swap3A_121 = arith.constant 80 : index
          %swap3A_122 = tpu.vector_load %arg19[%swap3A_120, %swap3A_121] {strides = array<i32>} : memref<80x128xf32, #tpu.memory_space<vmem>>, vector<16xf32>,
          tpu.vector_store %arg19[%swap3A_120, %swap3A_121], %mul3A_119 {strides = array<i32>} : memref<80x128xf32, #tpu.memory_space<vmem>>, vector<16xf32>,
          %get3A_123 = arith.index_cast %scan3A_76 : i32 to index
          %get3A_124 = arith.constant 96 : index
          %get3A_125 = tpu.vector_load %arg19[%get3A_123, %get3A_124] {strides = array<i32>} : memref<80x128xf32, #tpu.memory_space<vmem>>, vector<16xf32>,
          %mul3A_126 = arith.mulf %get3A_125, %gather3A : vector<16xf32>
          %swap3A_127 = arith.index_cast %scan3A_76 : i32 to index
          %swap3A_128 = arith.constant 96 : index
          %swap3A_129 = tpu.vector_load %arg19[%swap3A_127, %swap3A_128] {strides = array<i32>} : memref<80x128xf32, #tpu.memory_space<vmem>>, vector<16xf32>,
          tpu.vector_store %arg19[%swap3A_127, %swap3A_128], %mul3A_126 {strides = array<i32>} : memref<80x128xf32, #tpu.memory_space<vmem>>, vector<16xf32>,
          %get3A_130 = arith.index_cast %scan3A_76 : i32 to index
          %get3A_131 = arith.constant 112 : index
          %get3A_132 = tpu.vector_load %arg19[%get3A_130, %get3A_131] {strides = array<i32>} : memref<80x128xf32, #tpu.memory_space<vmem>>, vector<16xf32>,
          %mul3A_133 = arith.mulf %get3A_132, %gather3A : vector<16xf32>
          %swap3A_134 = arith.index_cast %scan3A_76 : i32 to index
          %swap3A_135 = arith.constant 112 : index
          %swap3A_136 = tpu.vector_load %arg19[%swap3A_134, %swap3A_135] {strides = array<i32>} : memref<80x128xf32, #tpu.memory_space<vmem>>, vector<16xf32>,
          tpu.vector_store %arg19[%swap3A_134, %swap3A_135], %mul3A_133 {strides = array<i32>} : memref<80x128xf32, #tpu.memory_space<vmem>>, vector<16xf32>,
          %scan3A_137 = arith.constant 0 : i32
          scf.yield %scan3A_137 : i32
        }
        %scan3A_74 = arith.constant 80 : i32
        "tpu.region"() ({
          %run_scoped3A = tpu.sem_alloc : memref<!tpu.dma_semaphore, #tpu.memory_space<semaphore_mem>>
          %dma_start3A_76 = arith.constant 0 : i32
          %dma_start3A_77 = arith.constant 0 : i32
          %dma_start3A_78 = tpu.memref_slice %arg20[%dma_start3A_76, %dma_start3A_77] : memref<10000x128xf32, #tpu.memory_space<vmem_shared>> -> memref<10000x128xf32, #tpu.memory_space<vmem_shared>>
          tpu.enqueue_indirect_dma source(%arg19 : memref<80x128xf32, #tpu.memory_space<vmem>>) target(%dma_start3A_78 : memref<10000x128xf32, #tpu.memory_space<vmem_shared>>) offsets(%arg18 : memref<80xi32, #tpu.memory_space<vmem>>) semaphore(%run_scoped3A : memref<!tpu.dma_semaphore, #tpu.memory_space<semaphore_mem>>) {add = true}
          %dma_wait3A_79 = arith.constant 0 : i32
          %dma_wait3A_80 = arith.constant 0 : i32
          %dma_wait3A_81 = tpu.memref_slice %arg20[%dma_wait3A_79, %dma_wait3A_80] : memref<10000x128xf32, #tpu.memory_space<vmem_shared>> -> memref<10000x128xf32, #tpu.memory_space<vmem_shared>>
          tpu.wait_indirect_dma semaphore(%run_scoped3A : memref<!tpu.dma_semaphore, #tpu.memory_space<semaphore_mem>>) src(%arg19 : memref<80x128xf32, #tpu.memory_space<vmem>>) dst(%dma_wait3A_81 : memref<10000x128xf32, #tpu.memory_space<vmem_shared>>)
          tpu.yield
        }) : () -> ()
        %scan3A_75 = arith.constant 0 : i32
        scf.yield %scan3A_75 : i32
      }
      %scan3A_50 = arith.constant 25 : i32
      %scan3A_51 = arith.constant 0 : i32
      scf.yield %scan3A_51 : i32
    }
    %scan3A_18 = arith.constant 5 : i32
    %barrier3A_19 = arith.constant 0 : index
    tpu.barrier barrier_id(%barrier3A_19)
    %lt3A_20 = arith.constant 10 : i32
    %lt3A_21 = arith.cmpi slt, %arg1, %lt3A_20 : i32
    %convert_element_type3A_22 = arith.extui %lt3A_21 : i1 to i32
    %cond3A_23 = arith.constant 0 : i32
    %cond3A_24 = arith.cmpi ne, %convert_element_type3A_22, %cond3A_23 : i32
    scf.if %cond3A_24 {
      %mul3A_25 = arith.constant 10000 : i32
      %mul3A_26 = arith.muli %arg0, %mul3A_25 : i32
      %mul3A_27 = arith.constant 1000 : i32
      %mul3A_28 = arith.muli %arg1, %mul3A_27 : i32
      %add3A = arith.addi %mul3A_26, %mul3A_28 : i32
      %multiple_of3A_29 = tpu.assume_multiple %add3A, 8 : i32
      %mul3A_30 = arith.constant 1000 : i32
      %mul3A_31 = arith.muli %arg1, %mul3A_30 : i32
      "tpu.region"() ({
        %run_scoped3A = tpu.sem_alloc : memref<!tpu.dma_semaphore, #tpu.memory_space<semaphore_mem>>
        %dma_start3A = arith.constant 0 : i32
        %dma_start3A_32 = tpu.memref_slice %arg9[%multiple_of3A_29, %dma_start3A] : memref<20000x128xf32, #tpu.memory_space<hbm>> -> memref<1000x128xf32, #tpu.memory_space<hbm>>
        %dma_start3A_33 = arith.constant 0 : i32
        %dma_start3A_34 = tpu.memref_slice %arg20[%mul3A_31, %dma_start3A_33] : memref<10000x128xf32, #tpu.memory_space<vmem_shared>> -> memref<1000x128xf32, #tpu.memory_space<vmem_shared>>
        tpu.enqueue_dma source(%dma_start3A_34 : memref<1000x128xf32, #tpu.memory_space<vmem_shared>>) target(%dma_start3A_32 : memref<1000x128xf32, #tpu.memory_space<hbm>>) target_semaphore(%run_scoped3A : memref<!tpu.dma_semaphore, #tpu.memory_space<semaphore_mem>>)
        %dma_wait3A = arith.constant 0 : i32
        %dma_wait3A_35 = tpu.memref_slice %arg9[%multiple_of3A_29, %dma_wait3A] : memref<20000x128xf32, #tpu.memory_space<hbm>> -> memref<1000x128xf32, #tpu.memory_space<hbm>>
        %dma_wait3A_36 = arith.constant 0 : i32
        %dma_wait3A_37 = tpu.memref_slice %arg20[%mul3A_31, %dma_wait3A_36] : memref<10000x128xf32, #tpu.memory_space<vmem_shared>> -> memref<1000x128xf32, #tpu.memory_space<vmem_shared>>
        tpu.wait_dma2 semaphore(%run_scoped3A : memref<!tpu.dma_semaphore, #tpu.memory_space<semaphore_mem>>) src(%dma_wait3A_37 : memref<1000x128xf32, #tpu.memory_space<vmem_shared>>) dst(%dma_wait3A_35 : memref<1000x128xf32, #tpu.memory_space<hbm>>)
        tpu.yield
      }) : () -> ()
    } else {
    }
    return
  }
}

module attributes {stable_mosaic.version = 14 : i64} {
  func.func @_a_body(%arg0: i32, %arg1: memref<400x256xf32, #tpu.memory_space<vmem>>, %arg2: memref<256x256xf32, #tpu.memory_space<vmem>>, %arg3: memref<1x256xf32, #tpu.memory_space<vmem>>, %arg4: memref<2x400x128xf32, #tpu.memory_space<vmem>>) attributes {dimension_semantics = [#tpu.dimension_semantics<arbitrary>], iteration_bounds = array<i64: 25>, scalar_prefetch = 0 : i64, scratch_operands = 0 : i64, tpu.core_type = #tpu.core_type<tc>, window_params = [{transform_indices = @transform_0, window_bounds = array<i64: 400, 256>}, {pipeline_mode = #tpu.pipeline_mode<synchronous>, transform_indices = @transform_1, window_bounds = array<i64: 256, 256>}, {pipeline_mode = #tpu.pipeline_mode<synchronous>, transform_indices = @transform_2, window_bounds = array<i64: 1, 256>}, {transform_indices = @transform_3, window_bounds = array<i64: 2, 400, 128>}]} {
    %get3A = arith.constant 0 : index
    %get3A_0 = arith.constant 0 : index
    %get3A_1 = vector.load %arg1[%get3A, %get3A_0] : memref<400x256xf32, #tpu.memory_space<vmem>>, vector<400x256xf32>
    %get3A_2 = arith.constant 0 : index
    %get3A_3 = arith.constant 0 : index
    %get3A_4 = vector.load %arg2[%get3A_2, %get3A_3] : memref<256x256xf32, #tpu.memory_space<vmem>>, vector<256x256xf32>
    %dot_general3A = arith.constant dense<0.000000e+00> : vector<400x256xf32>
    %dot_general3A_5 = tpu.matmul %get3A_1, %get3A_4, %dot_general3A {dimension_numbers = #tpu.dot_dimension_numbers<[1], [0], [0], [1], [0, 0, 1, 1], [], []>, precision = #tpu.contract_precision<fp32>, transpose_lhs_hint = false} : vector<400x256xf32>, vector<256x256xf32>, vector<400x256xf32> -> vector<400x256xf32>
    %get3A_6 = arith.constant 0 : index
    %get3A_7 = arith.constant 0 : index
    %get3A_8 = vector.load %arg3[%get3A_6, %get3A_7] : memref<1x256xf32, #tpu.memory_space<vmem>>, vector<1x256xf32>
    %add3A = vector.broadcast %get3A_8 : vector<1x256xf32> to vector<400x256xf32>
    %add3A_9 = arith.addf %dot_general3A_5, %add3A : vector<400x256xf32>
    %slice3A = vector.extract_strided_slice %add3A_9 {offsets = [0, 0], sizes = [400, 128], strides = [1, 1]} : vector<400x256xf32> to vector<400x128xf32>
    %swap3A = arith.constant 0 : index
    %swap3A_10 = arith.constant 0 : index
    %swap3A_11 = arith.constant 0 : index
    %swap3A_12 = vector.load %arg4[%swap3A, %swap3A_10, %swap3A_11] : memref<2x400x128xf32, #tpu.memory_space<vmem>>, vector<1x400x128xf32>
    %swap3A_13 = vector.shape_cast %swap3A_12 : vector<1x400x128xf32> to vector<400x128xf32>
    %swap3A_14 = vector.shape_cast %slice3A : vector<400x128xf32> to vector<1x400x128xf32>
    tpu.vector_store %arg4[%swap3A, %swap3A_10, %swap3A_11], %swap3A_14 {strides = array<i32>} : memref<2x400x128xf32, #tpu.memory_space<vmem>>, vector<1x400x128xf32>,
    %slice3A_15 = vector.extract_strided_slice %add3A_9 {offsets = [0, 128], sizes = [400, 128], strides = [1, 1]} : vector<400x256xf32> to vector<400x128xf32>
    %swap3A_16 = arith.constant 1 : index
    %swap3A_17 = arith.constant 0 : index
    %swap3A_18 = arith.constant 0 : index
    %swap3A_19 = vector.load %arg4[%swap3A_16, %swap3A_17, %swap3A_18] : memref<2x400x128xf32, #tpu.memory_space<vmem>>, vector<1x400x128xf32>
    %swap3A_20 = vector.shape_cast %swap3A_19 : vector<1x400x128xf32> to vector<400x128xf32>
    %swap3A_21 = vector.shape_cast %slice3A_15 : vector<400x128xf32> to vector<1x400x128xf32>
    tpu.vector_store %arg4[%swap3A_16, %swap3A_17, %swap3A_18], %swap3A_21 {strides = array<i32>} : memref<2x400x128xf32, #tpu.memory_space<vmem>>, vector<1x400x128xf32>,
    return
  }
  func.func @transform_0(%arg0: i32) -> (i32, i32) {
    %c0_i32 = arith.constant 0 : i32
    %c0_i32_0 = arith.constant 0 : i32
    return %arg0, %c0_i32 : i32, i32
  }
  func.func @transform_1(%arg0: i32) -> (i32, i32) {
    %c0_i32 = arith.constant 0 : i32
    %c0_i32_0 = arith.constant 0 : i32
    %c0_i32_1 = arith.constant 0 : i32
    return %c0_i32, %c0_i32_0 : i32, i32
  }
  func.func @transform_2(%arg0: i32) -> (i32, i32) {
    %c0_i32 = arith.constant 0 : i32
    %c0_i32_0 = arith.constant 0 : i32
    %c0_i32_1 = arith.constant 0 : i32
    return %c0_i32, %c0_i32_0 : i32, i32
  }
  func.func @transform_3(%arg0: i32) -> (i32, i32, i32) {
    %c0_i32 = arith.constant 0 : i32
    %c0_i32_0 = arith.constant 0 : i32
    %c0_i32_1 = arith.constant 0 : i32
    return %c0_i32, %arg0, %c0_i32_0 : i32, i32, i32
  }
}

module attributes {stable_mosaic.version = 14 : i64} {
  func.func @_d_body(%arg0: memref<4096x32xf32, #tpu.memory_space<vmem>>, %arg1: memref<4096x32xf32, #tpu.memory_space<vmem>>, %arg2: memref<4096x32xf32, #tpu.memory_space<vmem>>, %arg3: memref<10000x32xf32, #tpu.memory_space<vmem>>, %arg4: memref<1x256xf32, #tpu.memory_space<vmem>>, %arg5: memref<1x256xf32, #tpu.memory_space<vmem>>, %arg6: memref<1x256xf32, #tpu.memory_space<vmem>>, %arg7: memref<1x256xf32, #tpu.memory_space<vmem>>, %arg8: memref<256x512xf32, #tpu.memory_space<vmem>>, %arg9: memref<1x512xf32, #tpu.memory_space<vmem>>, %arg10: memref<1x512xf32, #tpu.memory_space<vmem>>, %arg11: memref<1x512xf32, #tpu.memory_space<vmem>>, %arg12: memref<512x256xf32, #tpu.memory_space<vmem>>, %arg13: memref<1x256xf32, #tpu.memory_space<vmem>>, %arg14: memref<1x256xf32, #tpu.memory_space<vmem>>, %arg15: memref<1x256xf32, #tpu.memory_space<vmem>>, %arg16: memref<256x1xf32, #tpu.memory_space<vmem>>, %arg17: memref<1x1xf32, #tpu.memory_space<vmem>>, %arg18: memref<4096x1xf32, #tpu.memory_space<vmem>>, %arg19: memref<4096x1xf32, #tpu.memory_space<vmem>>, %arg20: memref<10000x1xf32, #tpu.memory_space<vmem>>) attributes {dimension_semantics = [], scalar_prefetch = 0 : i64, scratch_operands = 0 : i64, tpu.core_type = #tpu.core_type<tc>} {
    %get3A = arith.constant 0 : index
    %get3A_0 = arith.constant 0 : index
    %get3A_1 = vector.load %arg0[%get3A, %get3A_0] : memref<4096x32xf32, #tpu.memory_space<vmem>>, vector<4096x32xf32>
    %reduce_sum3A = arith.constant dense<0.000000e+00> : vector<4096xf32>
    %reduce_sum3A_2 = vector.multi_reduction <add>, %get3A_1, %reduce_sum3A [1] : vector<4096x32xf32> to vector<4096xf32>
    %broadcast_in_dim3A = vector.shape_cast %reduce_sum3A_2 : vector<4096xf32> to vector<4096x1xf32>
    %get3A_3 = arith.constant 0 : index
    %get3A_4 = arith.constant 0 : index
    %get3A_5 = vector.load %arg1[%get3A_3, %get3A_4] : memref<4096x32xf32, #tpu.memory_space<vmem>>, vector<4096x32xf32>
    %reduce_sum3A_6 = arith.constant dense<0.000000e+00> : vector<4096xf32>
    %reduce_sum3A_7 = vector.multi_reduction <add>, %get3A_5, %reduce_sum3A_6 [1] : vector<4096x32xf32> to vector<4096xf32>
    %broadcast_in_dim3A_8 = vector.shape_cast %reduce_sum3A_7 : vector<4096xf32> to vector<4096x1xf32>
    %get3A_9 = arith.constant 0 : index
    %get3A_10 = arith.constant 0 : index
    %get3A_11 = vector.load %arg2[%get3A_9, %get3A_10] : memref<4096x32xf32, #tpu.memory_space<vmem>>, vector<4096x32xf32>
    %reduce_sum3A_12 = arith.constant dense<0.000000e+00> : vector<4096xf32>
    %reduce_sum3A_13 = vector.multi_reduction <add>, %get3A_11, %reduce_sum3A_12 [1] : vector<4096x32xf32> to vector<4096xf32>
    %broadcast_in_dim3A_14 = vector.shape_cast %reduce_sum3A_13 : vector<4096xf32> to vector<4096x1xf32>
    %iota3A = tpu.iota {dimensions = array<i32: 0>} : vector<4096x1xi32>
    %convert_element_type3A = arith.sitofp %iota3A : vector<4096x1xi32> to vector<4096x1xf32>
    %add3A = arith.constant 5.000000e-01 : f32
    %add3A_15 = vector.broadcast %add3A : f32 to vector<4096x1xf32>
    %add3A_16 = arith.addf %convert_element_type3A, %add3A_15 : vector<4096x1xf32>
    %div3A = arith.constant 1.280000e+02 : f32
    %div3A_17 = vector.broadcast %div3A : f32 to vector<4096x1xf32>
    %div3A_18 = arith.divf %add3A_16, %div3A_17 : vector<4096x1xf32>
    %gt3A = arith.constant 0.000000e+00 : f32
    %gt3A_19 = vector.broadcast %gt3A : f32 to vector<4096x1xf32>
    %gt3A_20 = arith.cmpf ogt, %broadcast_in_dim3A, %gt3A_19 : vector<4096x1xf32>
    %max3A = arith.constant 1.000000e+00 : f32
    %max3A_21 = vector.broadcast %max3A : f32 to vector<4096x1xf32>
    %max3A_22 = arith.maximumf %broadcast_in_dim3A, %max3A_21 : vector<4096x1xf32>
    %div3A_23 = arith.divf %broadcast_in_dim3A_8, %max3A_22 : vector<4096x1xf32>
    %select_n3A = arith.select %gt3A_20, %div3A_23, %div3A_18 : vector<4096x1xi1>, vector<4096x1xf32>
    %div3A_24 = arith.constant 1.600000e+05 : f32
    %div3A_25 = vector.broadcast %div3A_24 : f32 to vector<4096x1xf32>
    %div3A_26 = arith.divf %broadcast_in_dim3A, %div3A_25 : vector<4096x1xf32>
    %reduce_sum3A_27 = vector.shape_cast %broadcast_in_dim3A_8 : vector<4096x1xf32> to vector<1x4096x1xf32>
    %reduce_sum3A_28 = arith.constant dense<0.000000e+00> : vector<1xf32>
    %reduce_sum3A_29 = vector.multi_reduction <add>, %reduce_sum3A_27, %reduce_sum3A_28 [1, 2] : vector<1x4096x1xf32> to vector<1xf32>
    %reduce_sum3A_30 = vector.shape_cast %reduce_sum3A_29 : vector<1xf32> to vector<1x1x1xf32>
    %reduce_sum3A_31 = vector.extract %reduce_sum3A_30[0, 0, 0] : f32 from vector<1x1x1xf32>
    %div3A_32 = arith.constant 1.600000e+05 : f32
    %div3A_33 = arith.divf %reduce_sum3A_31, %div3A_32 : f32
    %reduce_sum3A_34 = vector.shape_cast %broadcast_in_dim3A_14 : vector<4096x1xf32> to vector<1x4096x1xf32>
    %reduce_sum3A_35 = arith.constant dense<0.000000e+00> : vector<1xf32>
    %reduce_sum3A_36 = vector.multi_reduction <add>, %reduce_sum3A_34, %reduce_sum3A_35 [1, 2] : vector<1x4096x1xf32> to vector<1xf32>
    %reduce_sum3A_37 = vector.shape_cast %reduce_sum3A_36 : vector<1xf32> to vector<1x1x1xf32>
    %reduce_sum3A_38 = vector.extract %reduce_sum3A_37[0, 0, 0] : f32 from vector<1x1x1xf32>
    %div3A_39 = arith.constant 1.600000e+05 : f32
    %div3A_40 = arith.divf %reduce_sum3A_38, %div3A_39 : f32
    %mul3A = arith.mulf %div3A_33, %div3A_33 : f32
    %sub3A = arith.subf %div3A_40, %mul3A : f32
    %get3A_41 = arith.constant 0 : index
    %get3A_42 = arith.constant 0 : index
    %get3A_43 = vector.load %arg4[%get3A_41, %get3A_42] : memref<1x256xf32, #tpu.memory_space<vmem>>, vector<1x256xf32>
    %mul3A_44 = vector.broadcast %select_n3A : vector<4096x1xf32> to vector<4096x256xf32>
    %mul3A_45 = vector.broadcast %get3A_43 : vector<1x256xf32> to vector<4096x256xf32>
    %mul3A_46 = arith.mulf %mul3A_44, %mul3A_45 : vector<4096x256xf32>
    %get3A_47 = arith.constant 0 : index
    %get3A_48 = arith.constant 0 : index
    %get3A_49 = vector.load %arg5[%get3A_47, %get3A_48] : memref<1x256xf32, #tpu.memory_space<vmem>>, vector<1x256xf32>
    %add3A_50 = vector.broadcast %get3A_49 : vector<1x256xf32> to vector<4096x256xf32>
    %add3A_51 = arith.addf %mul3A_46, %add3A_50 : vector<4096x256xf32>
    %mul3A_52 = vector.broadcast %div3A_33 : f32 to vector<1x256xf32>
    %mul3A_53 = arith.mulf %mul3A_52, %get3A_43 : vector<1x256xf32>
    %get3A_54 = arith.constant 0 : index
    %get3A_55 = arith.constant 0 : index
    %get3A_56 = vector.load %arg5[%get3A_54, %get3A_55] : memref<1x256xf32, #tpu.memory_space<vmem>>, vector<1x256xf32>
    %add3A_57 = arith.addf %mul3A_53, %get3A_56 : vector<1x256xf32>
    %mul3A_58 = vector.broadcast %sub3A : f32 to vector<1x256xf32>
    %mul3A_59 = arith.mulf %mul3A_58, %get3A_43 : vector<1x256xf32>
    %mul3A_60 = arith.mulf %mul3A_59, %get3A_43 : vector<1x256xf32>
    %sub3A_61 = vector.broadcast %add3A_57 : vector<1x256xf32> to vector<4096x256xf32>
    %sub3A_62 = arith.subf %add3A_51, %sub3A_61 : vector<4096x256xf32>
    %add3A_63 = arith.constant 9.99999974E-6 : f32
    %add3A_64 = vector.broadcast %add3A_63 : f32 to vector<1x256xf32>
    %add3A_65 = arith.addf %mul3A_60, %add3A_64 : vector<1x256xf32>
    %rsqrt3A = math.rsqrt %add3A_65 : vector<1x256xf32>
    %mul3A_66 = vector.broadcast %rsqrt3A : vector<1x256xf32> to vector<4096x256xf32>
    %mul3A_67 = arith.mulf %sub3A_62, %mul3A_66 : vector<4096x256xf32>
    %get3A_68 = arith.constant 0 : index
    %get3A_69 = arith.constant 0 : index
    %get3A_70 = vector.load %arg6[%get3A_68, %get3A_69] : memref<1x256xf32, #tpu.memory_space<vmem>>, vector<1x256xf32>
    %mul3A_71 = vector.broadcast %get3A_70 : vector<1x256xf32> to vector<4096x256xf32>
    %mul3A_72 = arith.mulf %mul3A_67, %mul3A_71 : vector<4096x256xf32>
    %get3A_73 = arith.constant 0 : index
    %get3A_74 = arith.constant 0 : index
    %get3A_75 = vector.load %arg7[%get3A_73, %get3A_74] : memref<1x256xf32, #tpu.memory_space<vmem>>, vector<1x256xf32>
    %add3A_76 = vector.broadcast %get3A_75 : vector<1x256xf32> to vector<4096x256xf32>
    %add3A_77 = arith.addf %mul3A_72, %add3A_76 : vector<4096x256xf32>
    %ge3A = arith.constant 0.000000e+00 : f32
    %ge3A_78 = vector.broadcast %ge3A : f32 to vector<4096x256xf32>
    %ge3A_79 = arith.cmpf oge, %add3A_77, %ge3A_78 : vector<4096x256xf32>
    %mul3A_80 = arith.constant 2.000000e-01 : f32
    %mul3A_81 = vector.broadcast %mul3A_80 : f32 to vector<4096x256xf32>
    %mul3A_82 = arith.mulf %mul3A_81, %add3A_77 : vector<4096x256xf32>
    %select_n3A_83 = arith.select %ge3A_79, %add3A_77, %mul3A_82 : vector<4096x256xi1>, vector<4096x256xf32>
    %get3A_84 = arith.constant 0 : index
    %get3A_85 = arith.constant 0 : index
    %get3A_86 = vector.load %arg8[%get3A_84, %get3A_85] : memref<256x512xf32, #tpu.memory_space<vmem>>, vector<256x512xf32>
    %dot_general3A = arith.constant dense<0.000000e+00> : vector<4096x512xf32>
    %dot_general3A_87 = tpu.matmul %select_n3A_83, %get3A_86, %dot_general3A {dimension_numbers = #tpu.dot_dimension_numbers<[1], [0], [0], [1], [0, 0, 1, 1], [], []>, precision = #tpu.contract_precision<fp32>, transpose_lhs_hint = false} : vector<4096x256xf32>, vector<256x512xf32>, vector<4096x512xf32> -> vector<4096x512xf32>
    %get3A_88 = arith.constant 0 : index
    %get3A_89 = arith.constant 0 : index
    %get3A_90 = vector.load %arg9[%get3A_88, %get3A_89] : memref<1x512xf32, #tpu.memory_space<vmem>>, vector<1x512xf32>
    %add3A_91 = vector.broadcast %get3A_90 : vector<1x512xf32> to vector<4096x512xf32>
    %add3A_92 = arith.addf %dot_general3A_87, %add3A_91 : vector<4096x512xf32>
    %mul3A_93 = vector.broadcast %div3A_26 : vector<4096x1xf32> to vector<4096x512xf32>
    %mul3A_94 = arith.mulf %mul3A_93, %add3A_92 : vector<4096x512xf32>
    %reduce_sum3A_95 = arith.constant dense<0.000000e+00> : vector<512xf32>
    %reduce_sum3A_96 = vector.multi_reduction <add>, %mul3A_94, %reduce_sum3A_95 [0] : vector<4096x512xf32> to vector<512xf32>
    %broadcast_in_dim3A_97 = vector.shape_cast %reduce_sum3A_96 : vector<512xf32> to vector<1x512xf32>
    %sub3A_98 = vector.broadcast %broadcast_in_dim3A_97 : vector<1x512xf32> to vector<4096x512xf32>
    %sub3A_99 = arith.subf %add3A_92, %sub3A_98 : vector<4096x512xf32>
    %mul3A_100 = vector.broadcast %div3A_26 : vector<4096x1xf32> to vector<4096x512xf32>
    %mul3A_101 = arith.mulf %mul3A_100, %sub3A_99 : vector<4096x512xf32>
    %mul3A_102 = arith.mulf %mul3A_101, %sub3A_99 : vector<4096x512xf32>
    %reduce_sum3A_103 = arith.constant dense<0.000000e+00> : vector<512xf32>
    %reduce_sum3A_104 = vector.multi_reduction <add>, %mul3A_102, %reduce_sum3A_103 [0] : vector<4096x512xf32> to vector<512xf32>
    %broadcast_in_dim3A_105 = vector.shape_cast %reduce_sum3A_104 : vector<512xf32> to vector<1x512xf32>
    %add3A_106 = arith.constant 9.99999974E-6 : f32
    %add3A_107 = vector.broadcast %add3A_106 : f32 to vector<1x512xf32>
    %add3A_108 = arith.addf %broadcast_in_dim3A_105, %add3A_107 : vector<1x512xf32>
    %rsqrt3A_109 = math.rsqrt %add3A_108 : vector<1x512xf32>
    %mul3A_110 = vector.broadcast %rsqrt3A_109 : vector<1x512xf32> to vector<4096x512xf32>
    %mul3A_111 = arith.mulf %sub3A_99, %mul3A_110 : vector<4096x512xf32>
    %get3A_112 = arith.constant 0 : index
    %get3A_113 = arith.constant 0 : index
    %get3A_114 = vector.load %arg10[%get3A_112, %get3A_113] : memref<1x512xf32, #tpu.memory_space<vmem>>, vector<1x512xf32>
    %mul3A_115 = vector.broadcast %get3A_114 : vector<1x512xf32> to vector<4096x512xf32>
    %mul3A_116 = arith.mulf %mul3A_111, %mul3A_115 : vector<4096x512xf32>
    %get3A_117 = arith.constant 0 : index
    %get3A_118 = arith.constant 0 : index
    %get3A_119 = vector.load %arg11[%get3A_117, %get3A_118] : memref<1x512xf32, #tpu.memory_space<vmem>>, vector<1x512xf32>
    %add3A_120 = vector.broadcast %get3A_119 : vector<1x512xf32> to vector<4096x512xf32>
    %add3A_121 = arith.addf %mul3A_116, %add3A_120 : vector<4096x512xf32>
    %ge3A_122 = arith.constant 0.000000e+00 : f32
    %ge3A_123 = vector.broadcast %ge3A_122 : f32 to vector<4096x512xf32>
    %ge3A_124 = arith.cmpf oge, %add3A_121, %ge3A_123 : vector<4096x512xf32>
    %mul3A_125 = arith.constant 2.000000e-01 : f32
    %mul3A_126 = vector.broadcast %mul3A_125 : f32 to vector<4096x512xf32>
    %mul3A_127 = arith.mulf %mul3A_126, %add3A_121 : vector<4096x512xf32>
    %select_n3A_128 = arith.select %ge3A_124, %add3A_121, %mul3A_127 : vector<4096x512xi1>, vector<4096x512xf32>
    %get3A_129 = arith.constant 0 : index
    %get3A_130 = arith.constant 0 : index
    %get3A_131 = vector.load %arg12[%get3A_129, %get3A_130] : memref<512x256xf32, #tpu.memory_space<vmem>>, vector<512x256xf32>
    %dot_general3A_132 = arith.constant dense<0.000000e+00> : vector<4096x256xf32>
    %dot_general3A_133 = tpu.matmul %select_n3A_128, %get3A_131, %dot_general3A_132 {dimension_numbers = #tpu.dot_dimension_numbers<[1], [0], [0], [1], [0, 0, 1, 1], [], []>, precision = #tpu.contract_precision<fp32>, transpose_lhs_hint = false} : vector<4096x512xf32>, vector<512x256xf32>, vector<4096x256xf32> -> vector<4096x256xf32>
    %get3A_134 = arith.constant 0 : index
    %get3A_135 = arith.constant 0 : index
    %get3A_136 = vector.load %arg13[%get3A_134, %get3A_135] : memref<1x256xf32, #tpu.memory_space<vmem>>, vector<1x256xf32>
    %add3A_137 = vector.broadcast %get3A_136 : vector<1x256xf32> to vector<4096x256xf32>
    %add3A_138 = arith.addf %dot_general3A_133, %add3A_137 : vector<4096x256xf32>
    %mul3A_139 = vector.broadcast %div3A_26 : vector<4096x1xf32> to vector<4096x256xf32>
    %mul3A_140 = arith.mulf %mul3A_139, %add3A_138 : vector<4096x256xf32>
    %reduce_sum3A_141 = arith.constant dense<0.000000e+00> : vector<256xf32>
    %reduce_sum3A_142 = vector.multi_reduction <add>, %mul3A_140, %reduce_sum3A_141 [0] : vector<4096x256xf32> to vector<256xf32>
    %broadcast_in_dim3A_143 = vector.shape_cast %reduce_sum3A_142 : vector<256xf32> to vector<1x256xf32>
    %sub3A_144 = vector.broadcast %broadcast_in_dim3A_143 : vector<1x256xf32> to vector<4096x256xf32>
    %sub3A_145 = arith.subf %add3A_138, %sub3A_144 : vector<4096x256xf32>
    %mul3A_146 = vector.broadcast %div3A_26 : vector<4096x1xf32> to vector<4096x256xf32>
    %mul3A_147 = arith.mulf %mul3A_146, %sub3A_145 : vector<4096x256xf32>
    %mul3A_148 = arith.mulf %mul3A_147, %sub3A_145 : vector<4096x256xf32>
    %reduce_sum3A_149 = arith.constant dense<0.000000e+00> : vector<256xf32>
    %reduce_sum3A_150 = vector.multi_reduction <add>, %mul3A_148, %reduce_sum3A_149 [0] : vector<4096x256xf32> to vector<256xf32>
    %broadcast_in_dim3A_151 = vector.shape_cast %reduce_sum3A_150 : vector<256xf32> to vector<1x256xf32>
    %add3A_152 = arith.constant 9.99999974E-6 : f32
    %add3A_153 = vector.broadcast %add3A_152 : f32 to vector<1x256xf32>
    %add3A_154 = arith.addf %broadcast_in_dim3A_151, %add3A_153 : vector<1x256xf32>
    %rsqrt3A_155 = math.rsqrt %add3A_154 : vector<1x256xf32>
    %mul3A_156 = vector.broadcast %rsqrt3A_155 : vector<1x256xf32> to vector<4096x256xf32>
    %mul3A_157 = arith.mulf %sub3A_145, %mul3A_156 : vector<4096x256xf32>
    %get3A_158 = arith.constant 0 : index
    %get3A_159 = arith.constant 0 : index
    %get3A_160 = vector.load %arg14[%get3A_158, %get3A_159] : memref<1x256xf32, #tpu.memory_space<vmem>>, vector<1x256xf32>
    %mul3A_161 = vector.broadcast %get3A_160 : vector<1x256xf32> to vector<4096x256xf32>
    %mul3A_162 = arith.mulf %mul3A_157, %mul3A_161 : vector<4096x256xf32>
    %get3A_163 = arith.constant 0 : index
    %get3A_164 = arith.constant 0 : index
    %get3A_165 = vector.load %arg15[%get3A_163, %get3A_164] : memref<1x256xf32, #tpu.memory_space<vmem>>, vector<1x256xf32>
    %add3A_166 = vector.broadcast %get3A_165 : vector<1x256xf32> to vector<4096x256xf32>
    %add3A_167 = arith.addf %mul3A_162, %add3A_166 : vector<4096x256xf32>
    %ge3A_168 = arith.constant 0.000000e+00 : f32
    %ge3A_169 = vector.broadcast %ge3A_168 : f32 to vector<4096x256xf32>
    %ge3A_170 = arith.cmpf oge, %add3A_167, %ge3A_169 : vector<4096x256xf32>
    %mul3A_171 = arith.constant 2.000000e-01 : f32
    %mul3A_172 = vector.broadcast %mul3A_171 : f32 to vector<4096x256xf32>
    %mul3A_173 = arith.mulf %mul3A_172, %add3A_167 : vector<4096x256xf32>
    %select_n3A_174 = arith.select %ge3A_170, %add3A_167, %mul3A_173 : vector<4096x256xi1>, vector<4096x256xf32>
    %get3A_175 = arith.constant 0 : index
    %get3A_176 = arith.constant 0 : index
    %get3A_177 = vector.load %arg16[%get3A_175, %get3A_176] : memref<256x1xf32, #tpu.memory_space<vmem>>, vector<256x1xf32>
    %dot_general3A_178 = arith.constant dense<0.000000e+00> : vector<4096x1xf32>
    %dot_general3A_179 = tpu.matmul %select_n3A_174, %get3A_177, %dot_general3A_178 {dimension_numbers = #tpu.dot_dimension_numbers<[1], [0], [0], [1], [0, 0, 1, 1], [], []>, precision = #tpu.contract_precision<fp32>, transpose_lhs_hint = false} : vector<4096x256xf32>, vector<256x1xf32>, vector<4096x1xf32> -> vector<4096x1xf32>
    %get3A_180 = arith.constant 0 : index
    %get3A_181 = arith.constant 0 : index
    %get3A_182 = vector.load %arg17[%get3A_180, %get3A_181] : memref<1x1xf32, #tpu.memory_space<vmem>>, vector<1x1xf32>
    %add3A_183 = vector.broadcast %get3A_182 : vector<1x1xf32> to vector<4096x1xf32>
    %add3A_184 = arith.addf %dot_general3A_179, %add3A_183 : vector<4096x1xf32>
    %swap3A = arith.constant 0 : index
    %swap3A_185 = arith.constant 0 : index
    %swap3A_186 = vector.load %arg18[%swap3A, %swap3A_185] : memref<4096x1xf32, #tpu.memory_space<vmem>>, vector<4096x1xf32>
    tpu.vector_store %arg18[%swap3A, %swap3A_185], %select_n3A {strides = array<i32>} : memref<4096x1xf32, #tpu.memory_space<vmem>>, vector<4096x1xf32>,
    %swap3A_187 = arith.constant 0 : index
    %swap3A_188 = arith.constant 0 : index
    %swap3A_189 = vector.load %arg19[%swap3A_187, %swap3A_188] : memref<4096x1xf32, #tpu.memory_space<vmem>>, vector<4096x1xf32>
    tpu.vector_store %arg19[%swap3A_187, %swap3A_188], %add3A_184 {strides = array<i32>} : memref<4096x1xf32, #tpu.memory_space<vmem>>, vector<4096x1xf32>,
    %get3A_190 = arith.constant 0 : index
    %get3A_191 = arith.constant 0 : index
    %get3A_192 = vector.load %arg3[%get3A_190, %get3A_191] : memref<10000x32xf32, #tpu.memory_space<vmem>>, vector<10000x32xf32>
    %reduce_sum3A_193 = arith.constant dense<0.000000e+00> : vector<10000xf32>
    %reduce_sum3A_194 = vector.multi_reduction <add>, %get3A_192, %reduce_sum3A_193 [1] : vector<10000x32xf32> to vector<10000xf32>
    %broadcast_in_dim3A_195 = vector.shape_cast %reduce_sum3A_194 : vector<10000xf32> to vector<10000x1xf32>
    %eq3A = arith.constant 0.000000e+00 : f32
    %eq3A_196 = vector.broadcast %eq3A : f32 to vector<10000x1xf32>
    %eq3A_197 = arith.cmpf oeq, %broadcast_in_dim3A_195, %eq3A_196 : vector<10000x1xf32>
    %jit3A = arith.constant 1.000000e+00 : f32
    %broadcast_in_dim3A_198 = vector.broadcast %jit3A : f32 to vector<10000x1xf32>
    %select_n3A_199 = arith.select %eq3A_197, %broadcast_in_dim3A_198, %broadcast_in_dim3A_195 : vector<10000x1xi1>, vector<10000x1xf32>
    %rsqrt3A_200 = math.rsqrt %select_n3A_199 : vector<10000x1xf32>
    %swap3A_201 = arith.constant 0 : index
    %swap3A_202 = arith.constant 0 : index
    %swap3A_203 = vector.load %arg20[%swap3A_201, %swap3A_202] : memref<10000x1xf32, #tpu.memory_space<vmem>>, vector<10000x1xf32>
    tpu.vector_store %arg20[%swap3A_201, %swap3A_202], %rsqrt3A_200 {strides = array<i32>} : memref<10000x1xf32, #tpu.memory_space<vmem>>, vector<10000x1xf32>,
    return
  }
}

module attributes {stable_mosaic.version = 14 : i64} {
  func.func @_f_body(%arg0: i32, %arg1: memref<2x400x128xf32, #tpu.memory_space<vmem>>, %arg2: memref<400x3xf32, #tpu.memory_space<vmem>>, %arg3: memref<400x259xf32, #tpu.memory_space<vmem>>) attributes {dimension_semantics = [#tpu.dimension_semantics<arbitrary>], iteration_bounds = array<i64: 25>, scalar_prefetch = 0 : i64, scratch_operands = 0 : i64, tpu.core_type = #tpu.core_type<tc>, window_params = [{transform_indices = @transform_0, window_bounds = array<i64: 2, 400, 128>}, {transform_indices = @transform_1, window_bounds = array<i64: 400, 3>}, {transform_indices = @transform_2, window_bounds = array<i64: 400, 259>}]} {
    %get3A = arith.constant 0 : index
    %get3A_0 = arith.constant 0 : index
    %get3A_1 = arith.constant 0 : index
    %get3A_2 = vector.load %arg1[%get3A, %get3A_0, %get3A_1] : memref<2x400x128xf32, #tpu.memory_space<vmem>>, vector<1x400x128xf32>
    %get3A_3 = vector.shape_cast %get3A_2 : vector<1x400x128xf32> to vector<400x128xf32>
    %max3A = arith.constant 0.000000e+00 : f32
    %max3A_4 = vector.broadcast %max3A : f32 to vector<400x128xf32>
    %max3A_5 = arith.maximumf %get3A_3, %max3A_4 : vector<400x128xf32>
    %swap3A = arith.constant 0 : index
    %swap3A_6 = arith.constant 0 : index
    %swap3A_7 = vector.load %arg3[%swap3A, %swap3A_6] : memref<400x259xf32, #tpu.memory_space<vmem>>, vector<400x128xf32>
    tpu.vector_store %arg3[%swap3A, %swap3A_6], %max3A_5 {strides = array<i32>} : memref<400x259xf32, #tpu.memory_space<vmem>>, vector<400x128xf32>,
    %get3A_8 = arith.constant 1 : index
    %get3A_9 = arith.constant 0 : index
    %get3A_10 = arith.constant 0 : index
    %get3A_11 = vector.load %arg1[%get3A_8, %get3A_9, %get3A_10] : memref<2x400x128xf32, #tpu.memory_space<vmem>>, vector<1x400x128xf32>
    %get3A_12 = vector.shape_cast %get3A_11 : vector<1x400x128xf32> to vector<400x128xf32>
    %max3A_13 = arith.constant 0.000000e+00 : f32
    %max3A_14 = vector.broadcast %max3A_13 : f32 to vector<400x128xf32>
    %max3A_15 = arith.maximumf %get3A_12, %max3A_14 : vector<400x128xf32>
    %swap3A_16 = arith.constant 0 : index
    %swap3A_17 = arith.constant 128 : index
    %swap3A_18 = vector.load %arg3[%swap3A_16, %swap3A_17] : memref<400x259xf32, #tpu.memory_space<vmem>>, vector<400x128xf32>
    tpu.vector_store %arg3[%swap3A_16, %swap3A_17], %max3A_15 {strides = array<i32>} : memref<400x259xf32, #tpu.memory_space<vmem>>, vector<400x128xf32>,
    %get3A_19 = arith.constant 0 : index
    %get3A_20 = arith.constant 0 : index
    %get3A_21 = vector.load %arg2[%get3A_19, %get3A_20] : memref<400x3xf32, #tpu.memory_space<vmem>>, vector<400x3xf32>
    %swap3A_22 = arith.constant 0 : index
    %swap3A_23 = arith.constant 256 : index
    %swap3A_24 = vector.load %arg3[%swap3A_22, %swap3A_23] : memref<400x259xf32, #tpu.memory_space<vmem>>, vector<400x3xf32>
    tpu.vector_store %arg3[%swap3A_22, %swap3A_23], %get3A_21 {strides = array<i32>} : memref<400x259xf32, #tpu.memory_space<vmem>>, vector<400x3xf32>,
    return
  }
  func.func @transform_0(%arg0: i32) -> (i32, i32, i32) {
    %c0_i32 = arith.constant 0 : i32
    %c0_i32_0 = arith.constant 0 : i32
    %c0_i32_1 = arith.constant 0 : i32
    return %c0_i32, %arg0, %c0_i32_0 : i32, i32, i32
  }
  func.func @transform_1(%arg0: i32) -> (i32, i32) {
    %c0_i32 = arith.constant 0 : i32
    %c0_i32_0 = arith.constant 0 : i32
    return %arg0, %c0_i32 : i32, i32
  }
  func.func @transform_2(%arg0: i32) -> (i32, i32) {
    %c0_i32 = arith.constant 0 : i32
    %c0_i32_0 = arith.constant 0 : i32
    return %arg0, %c0_i32 : i32, i32
  }
}

</mosaic_0001>

<sc_bundles>
// kernel: kernel.10.cloned.1.call-start
scs
__scs_entry_jumppad:
0x0: {  	(pc) =	sbr.rel $0x88, $3  }
0x1: {  	(tag) =	ssettag $0x0;
	lr =	simm.s32 $0x1  }
0x2: {  	[smem:$0x3F8E] =	sst lr;
	_ =	strace $0xD0000000  }
0x3: {  	_ = 	snop  }
0x4: {  	_ = 	snop  }
0x5: {  	_ = 	snop  }
0x6: {  	_ = 	snop  }
0x7: {  	_ = 	snop  }
__scs_overlays_trampoline_lowered:
0x8: {  	[smem:$0x3F9D] =	sst s0  }
0x9: {  	[smem:$0x3F9E] =	sst s1  }
0xa: {  	[smem:$0x3F9F] =	sst s2  }
0xb: {  	[smem:$0x3FA0] =	sst s3  }
0xc: {  	[smem:$0x3FA1] =	sst s4  }
0xd: {  	[smem:$0x3FA2] =	sst s5  }
0xe: {  	[smem:$0x3FA3] =	sst s6  }
0xf: {  	[smem:$0x3FA4] =	sst s7  }
0x10: {  	[smem:$0x3FA5] =	sst s8  }
0x11: {  	[smem:$0x3FA6] =	sst s9;
	s0 =	simm.s32 @!p0 $0x0  }
0x12: {  	s1 =	sld [smem:$0x3F8C];
	s0 =	simm.s32 @p0 $0x1  }
0x13: {  	[smem:$0x3FA7] =	sst s0;
	s0 =	simm.s32 @!p1 $0x0  }
0x14: {  	s2 =	sld [smem:$0x3F8B];
	s0 =	simm.s32 @p1 $0x1  }
0x15: {  	[smem:$0x3FA8] =	sst s0;
	s0 =	simm.s32 @!p2 $0x0  }
0x16: {  	s3 =	sld [smem:$0x3FDB];
	s0 =	simm.s32 @p2 $0x1  }
0x17: {  	s4 =	simm.s32 $0x1BF5;
	[smem:$0x3FAA] =	sst s0  }
0x18: {  	s0 =	sld [smem:$0x3F8D];
	_ =	swait.ge [sflag:s4], $0x0  }
0x19: {  	s7 =	sld [smem:$0x3F8E]  }
0x1a: {  	s8 =	sadd.s32 $0xFFFFE003, lr  }
0x1b: {  	s9 =	sadd.s32 $0xFFFFFEF7, lr;
	s5 =	simm.s32 $0xFFFFFFFF;
	p2 =	slt.u32 s8, $0xFFFFF086  }
0x1c: {  	p1 =	slt.u32 s9, $0xF7A;
	s5 =	simm.s32 @!p2 $0x0  }
0x1d: {  	s5 =	simm.s32 @p1 $0x1;
	p0 =	seq.s32 s7, s2  }
0x1e: {  	s7 =	smul.u32 @!p0 $0xF7A, s2;
	p2 =	seq.s32 @!p0 s5, $0x0  }
0x1f: {  	s9 =	smul.u32 $0xF7A, s1;
	s8 =	simm.s32 @!p0 $0x1BF5;
	p2 =	por !p2, p0  }
0x20: {  	[sflag:s8] =	ssyncset.s32 @!p0 $0xFFFFF086;
	s6 =	sadd.s32 @!p0 s3, s7;
	s7 =	simm.s32 @!p0 $0x108  }
0x21: {  	s3 =	sadd.s32 s3, s9;
	s6 =	sadd.s32 @!p0 $0x88, s6;
	s7 =	simm.s32 @p2 $0x1082  }
0x22: {  	[simem:s7], [sflag:s8] =	dma.local @!p0 [hbm:s6], $0xF7A  }
0x23: {  	s9 =	sor.u32 $0xD0000000, s2;
	s6 =	simm.s32 $0x108;
	_ =	swait.ge @!p0 [sflag:s8], $0x0  }
0x24: {  	s3 =	sadd.s32 $0x88, s3;
	s6 =	simm.s32 @!p1 $0x1082;
	[sflag:s4] =	ssyncset.s32 $0xFFFFF086  }
0x25: {  	[simem:s6], [sflag:s4] =	dma.local [hbm:s3], $0xF7A  }
0x26: {  	[smem:$0x3F8E] =	sst s1;
	(tag) =	ssettag s2;
	_ =	strace s9  }
0x27: {  	s1 =	sld [smem:$0x3F9E]  }
0x28: {  	s2 =	sld [smem:$0x3F9F]  }
0x29: {  	s4 =	sld [smem:$0x3FA1]  }
0x2a: {  	p0 =	seq.s32 s5, $0x0;
	s5 =	sld [smem:$0x3FA2]  }
0x2b: {  	s6 =	sld [smem:$0x3FA3]  }
0x2c: {  	s7 =	sld [smem:$0x3FA4]  }
0x2d: {  	s3 =	simm.s32 $0x108;
	s8 =	sld [smem:$0x3FA5]  }
0x2e: {  	s3 =	simm.s32 @!p0 $0x1082;
	s9 =	sld [smem:$0x3FA6]  }
0x2f: {  	lr =	sadd.s32 s0, s3;
	s0 =	sld [smem:$0x3F9D]  }
0x30: {  	s3 =	sld [smem:$0x3FA0]  }
0x31: {  	[smem:$0x3FA9] =	sst s10  }
0x32: {  	s10 =	sld [smem:$0x3FA7];
	_ =	sdelay $0x3  }
0x33: {  	p0 =	seq.s32 s10, $0x1;
	s10 =	sld [smem:$0x3FA9];
	_ =	sdelay $0x3  }
0x34: {  	[smem:$0x3FA9] =	sst s10  }
0x35: {  	s10 =	sld [smem:$0x3FA8];
	_ =	sdelay $0x3  }
0x36: {  	p1 =	seq.s32 s10, $0x1;
	s10 =	sld [smem:$0x3FA9];
	_ =	sdelay $0x3  }
0x37: {  	[smem:$0x3FA9] =	sst s10  }
0x38: {  	s10 =	sld [smem:$0x3FAA]  }
0x39: {  	_ = 	snop;
	(pc) =	sbr.ind lr, $3  }
0x3a: {  	_ = 	snop  }
0x3b: {  	_ = 	snop  }
0x3c: {  	p2 =	seq.s32 s10, $0x1;
	s10 =	sld [smem:$0x3FA9]  }
0x3d: {  	_ =	shalt  }
0x3e: {  	_ =	shalt  }
0x3f: {  	_ =	shalt  }
0x40: {  	_ =	shalt  }
0x41: {  	_ =	shalt  }
0x42: {  	_ =	shalt  }
0x43: {  	_ =	shalt  }
0x44: {  	_ =	shalt  }
0x45: {  	_ =	shalt  }
0x46: {  	_ =	shalt  }
0x47: {  	_ =	shalt  }
0x48: {  	_ =	shalt  }
0x49: {  	_ =	shalt  }
0x4a: {  	_ =	shalt  }
0x4b: {  	_ =	shalt  }
0x4c: {  	_ =	shalt  }
0x4d: {  	_ =	shalt  }
0x4e: {  	_ =	shalt  }
0x4f: {  	_ =	shalt  }
0x50: {  	_ =	shalt  }
0x51: {  	_ =	shalt  }
0x52: {  	_ =	shalt  }
0x53: {  	_ =	shalt  }
0x54: {  	_ =	shalt  }
0x55: {  	_ =	shalt  }
0x56: {  	_ =	shalt  }
0x57: {  	_ =	shalt  }
0x58: {  	_ =	shalt  }
0x59: {  	_ =	shalt  }
0x5a: {  	_ =	shalt  }
0x5b: {  	_ =	shalt  }
0x5c: {  	_ =	shalt  }
0x5d: {  	_ =	shalt  }
0x5e: {  	_ =	shalt  }
0x5f: {  	_ =	shalt  }
0x60: {  	_ =	shalt  }
0x61: {  	_ =	shalt  }
0x62: {  	_ =	shalt  }
0x63: {  	_ =	shalt  }
0x64: {  	_ =	shalt  }
0x65: {  	_ =	shalt  }
0x66: {  	_ =	shalt  }
0x67: {  	_ =	shalt  }
0x68: {  	_ =	shalt  }
0x69: {  	_ =	shalt  }
0x6a: {  	_ =	shalt  }
0x6b: {  	_ =	shalt  }
0x6c: {  	_ =	shalt  }
0x6d: {  	_ =	shalt  }
0x6e: {  	_ =	shalt  }
0x6f: {  	_ =	shalt  }
0x70: {  	_ =	shalt  }
0x71: {  	_ =	shalt  }
0x72: {  	_ =	shalt  }
0x73: {  	_ =	shalt  }
0x74: {  	_ =	shalt  }
0x75: {  	_ =	shalt  }
0x76: {  	_ =	shalt  }
0x77: {  	_ =	shalt  }
0x78: {  	_ =	shalt  }
0x79: {  	_ =	shalt  }
0x7a: {  	_ =	shalt  }
0x7b: {  	_ =	shalt  }
0x7c: {  	_ =	shalt  }
0x7d: {  	_ =	shalt  }
0x7e: {  	_ =	shalt  }
0x7f: {  	_ =	shalt  }
0x80: {  	_ =	shalt  }
0x81: {  	_ =	shalt  }
0x82: {  	_ =	shalt  }
0x83: {  	_ =	shalt  }
0x84: {  	_ =	shalt  }
0x85: {  	_ =	shalt  }
0x86: {  	_ =	shalt  }
0x87: {  	_ =	shalt  }
.Lfunc_end0:
.L_simem_size_0:
called_computation.1_lowered:
.L_overlay_start_0:
0x88: {  	s2 =	sld [smem:$0x3FD9]  }
0x89: {  	s3 =	sld [smem:$0x3FFE];
	_ =	sdelay $0x1  }
0x8a: {  	s1 =	srdreg.scid  }
0x8b: {  	s0 =	sand.u32 $0x1, s1  }
0x8c: {  	s17 =	sshll.u32 s0, $0xA;
	s2 =	sadd.s32 s3, s2  }
0x8d: {  	s2 =	sadd.s32 s2, s17  }
0x8e: {  	[smem:$0x3FB5] =	sst s2  }
0x8f: {  	_ = 	snop  }
0x90: {  	s2 =	sld [smem:$0x3FD0];
	(tm) =	ssettm $0x1  }
0x91: {  	s18 =	sld [smem:$0x3FFB];
	_ =	sdelay $0x3  }
0x92: {  	_ =	strace s18  }
0x93: {  	s3 =	sld [smem:$0x3FFC];
	_ =	sdelay $0x3  }
0x94: {  	_ =	strace s3  }
0x95: {  	s3 =	sld [smem:$0x3FFD];
	_ =	sdelay $0x3  }
0x96: {  	_ =	strace s3  }
0x97: {  	_ =	strace $0x8FFFFFFF  }
0x98: {  	s19 =	sld [smem:$0x3FDB];
	_ =	sdelay $0x1  }
0x99: {  	s4 =	simm.s32 $_scs_section_size  }
0x9a: {  	s5 =	simm.s32 $_size__tile_overlayer_lowered;
	s6 =	simm.s32 $_tile_overlayer_lowered  }
0x9b: {  	s22 =	simm.s32 $0x1BFF;
	s21 =	sshll.u32 s6, $0x1;
	s3 =	sadd.s32 s4, s19  }
0x9c: {  	s7 =	simm.s32 $0x0;
	s20 =	sshll.u32 s5, $0x1;
	s5 =	sadd.s32 s21, s3  }
0x9d: {  	[timem:s7], [sflag:s22] =	dma.local [hbm:s5], s20  }
0x9e: {  	_ =	swait.ge [sflag:s22], s20  }
0x9f: {  	s4 =	ssub.s32 $0x0, s20;
	[sflag:s22] =	ssyncset.done $0x0  }
0xa0: {  	[sflag:s22] =	ssyncadd.s32 s4;
	_ =	sdelay $0x1  }
0xa1: {  	s23 =	simm.s32 $0x1B8B  }
0xa2: {  	_ =	swait.ge [sflag:s23], $0x1  }
0xa3: {  	[sflag:s23] =	ssyncset.done $0x0  }
0xa4: {  	s25 =	simm.s32 $0x1B8E;
	s24 =	sld [smem:$0x3FFE];
	[sflag:s23] =	ssyncadd.s32 $0xFFFFFFFF  }
0xa5: {  	s26 =	simm.s32 $execute0_lowered;
	[smem:$0x3FD2] =	sst s25  }
0xa6: {  	s5 =	sshll.u32 s26, $0x1;
	_ =	strace $0x80000049;
	[dreg:$0x1] =	wrdreg $0xFFFFFFFF  }
0xa7: {  	s28 =	simm.s32 $_size_execute0_lowered;
	s3 =	sadd.s32 s3, s5;
	[dreg:$0x0] =	wrdreg $0x0  }
0xa8: {  	s5 =	sshll.u32 s28, $0x1;
	[dreg:$0x2] =	wrdreg s3  }
0xa9: {  	[dreg:$0x3] =	wrdreg s5  }
0xaa: {  	[dreg:$0x4] =	wrdreg $0xC0  }
0xab: {  	_ =	task [dreg:s7], $0x5FFFF  }
0xac: {  	[dreg:$0x1] =	wrdreg $0xFFFFFFFF  }
0xad: {  	[dreg:$0x0] =	wrdreg $0x60  }
0xae: {  	[dreg:$0x2] =	wrdreg s24  }
0xaf: {  	[dreg:$0x3] =	wrdreg s2  }
0xb0: {  	[dreg:$0x4] =	wrdreg $0x90800  }
0xb1: {  	[dreg:$0x5] =	wrdreg $0x9  }
0xb2: {  	_ =	task.clear_ibuf [dreg:s7], $0x6FFFF;
	_ =	strace $0x90000049  }
0xb3: {  	s29 =	simm.s32 $0x9;
	_ =	strace $0x8000004B  }
0xb4: {  	_ =	swait.ge [sflag:s29], $0x1  }
0xb5: {  	[sflag:s29] =	ssyncadd.s32 $0xFFFFFFFF  }
0xb6: {  	_ =	strace $0x9000004B  }
0xb7: {  	_ =	sfence  }
0xb8: {  	s30 =	sld [smem:$0x0];
	_ =	sdelay $0x2  }
0xb9: {  	s31 =	sshll.u32 s1, $0xD;
	s1 =	sshrl.u32 s1, $0x2  }
0xba: {  	s3 =	sand.u32 $0x4000, s31;
	s1 =	sadd.s32 s1, s30  }
0xbb: {  	s0 =	sor.u32 s3, s0;
	s1 =	sshll.u32 s1, $0x11  }
0xbc: {  	s0 =	sor.u32 s1, s0  }
0xbd: {  	s0 =	sadd.s32 $0x8F2B, s0  }
0xbe: {  	[sflag:s0] =	ssyncadd.remote.s32 $0x1  }
0xbf: {  	_ =	sfence.sel $0xFFFF  }
0xc0: {  	[dreg:$0x0] =	wrdreg $0xFFFFFFFF;
	(pc) =	sbr.abs _section_cstart, $3  }
0xc1: {  	[dreg:$0x1] =	wrdreg $0xFFFFFFFF  }
0xc2: {  	_ =	task.clear_ibuf [dreg:s7], $0x2FFFF;
	_ =	strace $0x9FFFFFFF  }
0xc3: {  	(tm) =	ssettm $0x7FFFFFFF  }
tec
execute0_lowered:
.L_overlay_start_1:
0x0: {  	(tag) =	ssettag $0x1  }
0x1: {  	s0 =	rddreg [dreg:$0x0]  }
0x2: {  	s1 =	rddreg [dreg:$0x1]  }
0x3: {  	s2 =	rddreg [dreg:$0x2];
	s3 =	simm.s32 $0x0  }
0x4: {  	s4 =	srdreg.scid;
	s10 =	stileid.u32;
	s28 =	simm.s32 $0x2  }
0x5: {  	s29 =	simm.s32 $0x2780;
	s30 =	simm.s32 $0x3780;
	s31 =	simm.s32 $0x4780  }
0x6: {  	[smem:$0x7FF] =	sst s3;
	s4 =	sand.u32 $0x1, s4;
	s5 =	sadd.s32 $0x7000, s0  }
0x7: {  	s6 =	sadd.s32 $0x2000, s0;
	s8 =	smul.u32 $0x3E8, s10;
	s7 =	sadd.s32 $0x21E00, s0  }
0x8: {  	s9 =	sadd.s32 $0xE00, s0;
	s12 =	smul.u32 $0x7D000, s10;
	s11 =	sadd.s32 $0x1000, s0  }
0x9: {  	s13 =	sadd.s32 $0x1200, s0;
	_ =	strace $0x8000004A;
	[dreg:$0x4] =	wrdreg s9  }
0xa: {  	p0 =	sgt.u32 s10, $0x9;
	[dreg:$0x5] =	wrdreg s11;
	s9 =	sshrl.u32 s12, $0x2  }
0xb: {  	s14 =	smul.u32 $0x2710, s4;
	[dreg:$0x6] =	wrdreg s13;
	s11 =	sadd.s32 s9, s2  }
0xc: {  	s4 =	ssub.s32 $0x2, s4;
	s13 =	simm.s32 $0x1;
	s16 =	sadd.s32 $0x2800, s11  }
0xd: {  	s15 =	sshrl.u32 s4, $0x1;
	s17 =	sadd.s32 $0x5000, s11;
	[dreg:$0x7] =	wrdreg s16  }
0xe: {  	s12 =	smul.u32 $0x2710, s10;
	s18 =	sadd.s32 $0x7800, s11;
	[dreg:$0x8] =	wrdreg s17  }
0xf: {  	s10 =	simm.s32 $0x6880;
	s19 =	sadd.s32 $0xA000, s11;
	[dreg:$0x9] =	wrdreg s18  }
0x10: {  	s8 =	sadd.s32 s8, s14;
	s20 =	sadd.s32 $0xC800, s11;
	[dreg:$0xa] =	wrdreg s19  }
0x11: {  	s4 =	ssub.s32 s4, s15;
	s21 =	sadd.s32 $0xF000, s11;
	[dreg:$0xb] =	wrdreg s20  }
0x12: {  	s9 =	simm.s32 $0x6780;
	s22 =	sadd.s32 $0x11800, s11;
	[dreg:$0xc] =	wrdreg s21  }
0x13: {  	v0 =	vmov s14;
	s14 =	simm.s32 $0x5F80;
	s23 =	sadd.s32 $0x14000, s11;
	[dreg:$0xd] =	wrdreg s22  }
0x14: {  	s15 =	simm.s32 $0x6800;
	s24 =	sadd.s32 $0x16800, s11;
	[dreg:$0xe] =	wrdreg s23  }
0x15: {  	s8 =	sshll.u32 s8, $0x4;
	s25 =	sadd.s32 $0x19000, s11;
	[dreg:$0xf] =	wrdreg s24  }
0x16: {  	s26 =	smax.u32 s4, $0x1;
	s4 =	simm.s32 $0x5780;
	[dreg:$0x10] =	wrdreg s25  }
0x17: {  	s0 =	sadd.s32 s8, s0;
	[dreg:$0x12] =	wrdreg s26;
	s25 =	sadd.s32 $0x1B800, s11  }
0x18: {  	s26 =	sadd.s32 $0x1E000, s11;
	s8 =	simm.s32 $0x50;
	s0 =	sadd.s32 $0x26E00, s0  }
0x19: {  	v1 =	vimm.f32 $0.0e+00;
	v2 =	vimm.s32 $0x0;
	s16 =	simm.s32 $0x0;
	[dreg:$0x11] =	wrdreg s0;
	s0 =	simm.s32 $0x4F80  }
.LBB2_1:
0x1a: {  	s17 =	rddreg [dreg:$0x6]  }
0x1b: {  	[tilespmem:s3], [sflag:$0x2] =	stream.linear.gather [hbm4b:s17+s3], $0x2780, $0x38;
	[tilespmem:$0x1C900] =	vst v63  }
0x1c: {  	_ =	swait.ge [sflag:s28], $0x2780  }
0x1d: {  	[sflag:s28] =	ssyncset.done $0x0  }
0x1e: {  	s23 =	rddreg [dreg:$0x4];
	[sflag:s28] =	ssyncadd.s32 $0xFFFFD880  }
0x1f: {  	[tilespmem:s29], [sflag:$0x2] =	stream.linear.gather [hbm4b:s23+s3], $0x1000, $0x38;
	[tilespmem:$0x1C900] =	vst v63  }
0x20: {  	_ =	swait.ge [sflag:s28], $0x1000  }
0x21: {  	[sflag:s28] =	ssyncset.done $0x0  }
0x22: {  	s24 =	rddreg [dreg:$0x5];
	[sflag:s28] =	ssyncadd.s32 $0xFFFFF000  }
0x23: {  	[tilespmem:s30], [sflag:$0x2] =	stream.linear.gather [hbm4b:s24+s3], $0x1000, $0x38;
	[tilespmem:$0x1C900] =	vst v63  }
0x24: {  	_ =	swait.ge [sflag:s28], $0x1000  }
0x25: {  	[sflag:s28] =	ssyncset.done $0x0  }
0x26: {  	s18 =	simm.s32 $0x200;
	s17 =	simm.s32 $0x0;
	[sflag:s28] =	ssyncadd.s32 $0xFFFFF000  }
.LBB2_2:
0x27: {  	p1 =	sne.s32 s18, $0x9E00;
	[tilespmem:s17+$0x68F0] =	vst v1  }
0x28: {  	[tilespmem:s17+$0x6880] =	vst v1  }
0x29: {  	[tilespmem:s17+$0x6890] =	vst v1  }
.Ltmp0:
0x2a: {  	[tilespmem:s17+$0x68A0] =	vst v1;
	(pc) =	sbr.rel @p1 .LBB2_2-.Ltmp0, $4  }
0x2b: {  	[tilespmem:s17+$0x68B0] =	vst v1  }
0x2c: {  	[tilespmem:s17+$0x68C0] =	vst v1  }
0x2d: {  	[tilespmem:s17+$0x68D0] =	vst v1  }
0x2e: {  	[tilespmem:s17+$0x68E0] =	vst v1;
	s17 =	sshra.s32 s18, $0x2;
	s18 =	sadd.s32 $0x200, s18  }
0x2f: {  	[tilespmem:s17+$0x68F0] =	vst v1  }
0x30: {  	[tilespmem:s17+$0x6880] =	vst v1  }
0x31: {  	[tilespmem:s17+$0x6890] =	vst v1  }
0x32: {  	[tilespmem:s17+$0x68A0] =	vst v1  }
0x33: {  	[tilespmem:s17+$0x68B0] =	vst v1  }
0x34: {  	[tilespmem:s17+$0x68C0] =	vst v1  }
0x35: {  	[tilespmem:s17+$0x68D0] =	vst v1  }
0x36: {  	[tilespmem:s17+$0x68E0] =	vst v1;
	s17 =	simm.s32 @!p0 $0x6880;
	s18 =	simm.s32 @!p0 $0x2  }
0x37: {  	[spmem:s11] =	stream.linear.scatter @!p0 [tilespmem:s17], [sflag:$0x2], $0x2800, $0x38;
	[tilespmem:$0x1C900] =	vst v63  }
0x38: {  	_ =	swait.ge @!p0 [sflag:s18], $0x2800  }
0x39: {  	[sflag:s18] =	ssyncset.done @!p0 $0x0  }
0x3a: {  	s19 =	rddreg [dreg:$0x7];
	[sflag:s18] =	ssyncadd.s32 @!p0 $0xFFFFD800  }
0x3b: {  	[spmem:s19] =	stream.linear.scatter @!p0 [tilespmem:s17], [sflag:$0x2], $0x2800, $0x38;
	[tilespmem:$0x1C900] =	vst v63  }
0x3c: {  	_ =	swait.ge @!p0 [sflag:s18], $0x2800  }
0x3d: {  	[sflag:s18] =	ssyncset.done @!p0 $0x0  }
0x3e: {  	s19 =	rddreg [dreg:$0x8];
	[sflag:s18] =	ssyncadd.s32 @!p0 $0xFFFFD800  }
0x3f: {  	[spmem:s19] =	stream.linear.scatter @!p0 [tilespmem:s17], [sflag:$0x2], $0x2800, $0x38;
	[tilespmem:$0x1C900] =	vst v63  }
0x40: {  	_ =	swait.ge @!p0 [sflag:s18], $0x2800  }
0x41: {  	[sflag:s18] =	ssyncset.done @!p0 $0x0  }
0x42: {  	s19 =	rddreg [dreg:$0x9];
	[sflag:s18] =	ssyncadd.s32 @!p0 $0xFFFFD800  }
0x43: {  	[spmem:s19] =	stream.linear.scatter @!p0 [tilespmem:s17], [sflag:$0x2], $0x2800, $0x38;
	[tilespmem:$0x1C900] =	vst v63  }
0x44: {  	_ =	swait.ge @!p0 [sflag:s18], $0x2800  }
0x45: {  	[sflag:s18] =	ssyncset.done @!p0 $0x0  }
0x46: {  	s19 =	rddreg [dreg:$0xa];
	[sflag:s18] =	ssyncadd.s32 @!p0 $0xFFFFD800  }
0x47: {  	[spmem:s19] =	stream.linear.scatter @!p0 [tilespmem:s17], [sflag:$0x2], $0x2800, $0x38;
	[tilespmem:$0x1C900] =	vst v63  }
0x48: {  	_ =	swait.ge @!p0 [sflag:s18], $0x2800  }
0x49: {  	[sflag:s18] =	ssyncset.done @!p0 $0x0  }
0x4a: {  	s19 =	rddreg [dreg:$0xb];
	[sflag:s18] =	ssyncadd.s32 @!p0 $0xFFFFD800  }
0x4b: {  	[spmem:s19] =	stream.linear.scatter @!p0 [tilespmem:s17], [sflag:$0x2], $0x2800, $0x38;
	[tilespmem:$0x1C900] =	vst v63  }
0x4c: {  	_ =	swait.ge @!p0 [sflag:s18], $0x2800  }
0x4d: {  	[sflag:s18] =	ssyncset.done @!p0 $0x0  }
0x4e: {  	s19 =	rddreg [dreg:$0xc];
	[sflag:s18] =	ssyncadd.s32 @!p0 $0xFFFFD800  }
0x4f: {  	[spmem:s19] =	stream.linear.scatter @!p0 [tilespmem:s17], [sflag:$0x2], $0x2800, $0x38;
	[tilespmem:$0x1C900] =	vst v63  }
0x50: {  	_ =	swait.ge @!p0 [sflag:s18], $0x2800  }
0x51: {  	[sflag:s18] =	ssyncset.done @!p0 $0x0  }
0x52: {  	s19 =	rddreg [dreg:$0xd];
	[sflag:s18] =	ssyncadd.s32 @!p0 $0xFFFFD800  }
0x53: {  	[spmem:s19] =	stream.linear.scatter @!p0 [tilespmem:s17], [sflag:$0x2], $0x2800, $0x38;
	[tilespmem:$0x1C900] =	vst v63  }
0x54: {  	_ =	swait.ge @!p0 [sflag:s18], $0x2800  }
0x55: {  	[sflag:s18] =	ssyncset.done @!p0 $0x0  }
0x56: {  	s19 =	rddreg [dreg:$0xe];
	[sflag:s18] =	ssyncadd.s32 @!p0 $0xFFFFD800  }
0x57: {  	[spmem:s19] =	stream.linear.scatter @!p0 [tilespmem:s17], [sflag:$0x2], $0x2800, $0x38;
	[tilespmem:$0x1C900] =	vst v63  }
0x58: {  	_ =	swait.ge @!p0 [sflag:s18], $0x2800  }
0x59: {  	[sflag:s18] =	ssyncset.done @!p0 $0x0  }
0x5a: {  	s19 =	rddreg [dreg:$0xf];
	[sflag:s18] =	ssyncadd.s32 @!p0 $0xFFFFD800  }
0x5b: {  	[spmem:s19] =	stream.linear.scatter @!p0 [tilespmem:s17], [sflag:$0x2], $0x2800, $0x38;
	[tilespmem:$0x1C900] =	vst v63  }
0x5c: {  	_ =	swait.ge @!p0 [sflag:s18], $0x2800  }
0x5d: {  	[sflag:s18] =	ssyncset.done @!p0 $0x0  }
0x5e: {  	s19 =	rddreg [dreg:$0x10];
	[sflag:s18] =	ssyncadd.s32 @!p0 $0xFFFFD800  }
0x5f: {  	[spmem:s19] =	stream.linear.scatter @!p0 [tilespmem:s17], [sflag:$0x2], $0x2800, $0x38;
	[tilespmem:$0x1C900] =	vst v63  }
0x60: {  	_ =	swait.ge @!p0 [sflag:s18], $0x2800  }
0x61: {  	[sflag:s18] =	ssyncset.done @!p0 $0x0  }
0x62: {  	[sflag:s18] =	ssyncadd.s32 @!p0 $0xFFFFD800  }
0x63: {  	[spmem:s25] =	stream.linear.scatter @!p0 [tilespmem:s17], [sflag:$0x2], $0x2800, $0x38;
	[tilespmem:$0x1C900] =	vst v63  }
0x64: {  	_ =	swait.ge @!p0 [sflag:s18], $0x2800  }
0x65: {  	[sflag:s18] =	ssyncset.done @!p0 $0x0  }
0x66: {  	[sflag:s18] =	ssyncadd.s32 @!p0 $0xFFFFD800  }
0x67: {  	[spmem:s26] =	stream.linear.scatter @!p0 [tilespmem:s17], [sflag:$0x2], $0x1400, $0x38;
	[tilespmem:$0x1C900] =	vst v63  }
0x68: {  	_ =	swait.ge @!p0 [sflag:s18], $0x1400  }
0x69: {  	[sflag:s18] =	ssyncset.done @!p0 $0x0  }
0x6a: {  	[sflag:s18] =	ssyncadd.s32 @!p0 $0xFFFFEC00  }
0x6b: {  	s17 =	simm.s32 $0x0;
	s18 =	simm.s32 $0x0;
	[bflag:$0x0] =	sbarrier.arrive $0xFFFF  }
.LBB2_4:
0x6c: {  	s19 =	smul.u32 $0x7D0, s18;
	_ =	sdelay $0x1  }
0x6d: {  	s19 =	sadd.s32 s12, s19  }
0x6e: {  	s19 =	sshrl.u32 s19, $0x3  }
0x6f: {  	s20 =	sadd.s32 s5, s19  }
0x70: {  	[tilespmem:s31], [sflag:$0x2] =	stream.linear.gather [hbm4b:s20+s17], $0x7D0, $0x38;
	[tilespmem:$0x1C900] =	vst v63  }
0x71: {  	_ =	swait.ge [sflag:s28], $0x7D0  }
0x72: {  	[sflag:s28] =	ssyncset.done $0x0  }
0x73: {  	s24 =	sadd.s32 s6, s19;
	[sflag:s28] =	ssyncadd.s32 $0xFFFFF830  }
0x74: {  	[tilespmem:s0], [sflag:$0x2] =	stream.linear.gather [hbm4b:s24+s17], $0x7D0, $0x38;
	[tilespmem:$0x1C900] =	vst v63  }
0x75: {  	_ =	swait.ge [sflag:s28], $0x7D0  }
0x76: {  	[sflag:s28] =	ssyncset.done $0x0  }
0x77: {  	s19 =	sadd.s32 s7, s19;
	[sflag:s28] =	ssyncadd.s32 $0xFFFFF830  }
0x78: {  	[tilespmem:s4], [sflag:$0x2] =	stream.linear.gather [hbm4b:s19+s17], $0x7D0, $0x38;
	[tilespmem:$0x1C900] =	vst v63  }
0x79: {  	_ =	swait.ge [sflag:s28], $0x7D0  }
0x7a: {  	[sflag:s28] =	ssyncset.done $0x0  }
0x7b: {  	s20 =	simm.s32 $0x0;
	[sflag:s28] =	ssyncadd.s32 $0xFFFFF830  }
0x7c: {  	v3 =	vld [tilespmem:s20+$0x5780];
	_ =	sdelay $0x4  }
0x7d: {  	v4 =	vmul.f32 $1.280000000e+02, v3;
	_ =	sdelay $0x1  }
0x7e: {  	v4 =	vtrunc.f32 v4  }
0x7f: {  	v4 =	vcvt.f32.s32 v4;
	_ =	sdelay $0x1  }
0x80: {  	vm0 =	vgt.s32 v4, $0x0  }
0x81: {  	v4 =	vnsel vm0, $0x0, v4  }
0x82: {  	v4 =	vmin.u32 v4, $0xFFF;
	_ =	sdelay $0x4  }
0x83: {  	v5 =	vld.idx.msk [tilespmem:v4+s29+$0x0], $0xffff;
	_ =	sdelay $0x4  }
0x84: {  	vm14 =	vge.f32 v3, v5  }
0x85: {  	vm1 =	vmneg vm14  }
0x86: {  	v6 =	vsel vm14, $0x1, v2;
	v5 =	vsel vm1, $0xFFFFFFFF, v2  }
0x87: {  	v7 =	vadd.s32 v5, v4;
	v4 =	vadd.s32 v6, v4  }
0x88: {  	vm15 =	vgt.s32 v7, $0x0;
	v5 =	vmin.u32 v4, $0xFFF  }
0x89: {  	v6 =	vnsel vm15, $0x0, v7;
	_ =	sdelay $0x3  }
0x8a: {  	v7 =	vld.idx.msk [tilespmem:v5+s29+$0x0], $0xffff  }
0x8b: {  	v4 =	vld.idx.msk [tilespmem:v6+s29+$0x0], $0xffff;
	_ =	sdelay $0x4  }
0x8c: {  	v8 =	vsub.f32 v7, v4;
	_ =	sdelay $0x1  }
0x8d: {  	v7 =	vld [tilespmem:s20+$0x4780];
	v9 =	vmax.f32 v8, $9.999999960e-13  }
0x8e: {  	v8 =	vld [tilespmem:s20+$0x4F80];
	(erf) = vrcp.f32 v9  }
0x8f: {  	s21 =	simm.s32 $0x10;
	s22 =	simm.s32 $0x80  }
.LBB2_5:
0x90: {  	p1 =	sne.s32 s22, $0x1F00;
	v9 =	vld [tilespmem:s21+$0x5780]  }
0x91: {  	v5 =	vld.idx.msk [tilespmem:v5+s30+$0x0], $0xffff  }
0x92: {  	v6 =	vld.idx.msk [tilespmem:v6+s30+$0x0], $0xffff;
	_ =	sdelay $0x1  }
0x93: {  	s19 =	simm.s32 $0x0  }
0x94: {  	v11 =	vmul.f32 $1.280000000e+02, v9;
	v7 =	vld.idx.msk [tilespmem:v7+s19+$0x0], $0xffff  }
0x95: {  	v4 =	vsub.f32 v3, v4;
	v3 =	vmov v9;
	v8 =	vld.idx.msk [tilespmem:v8+s19+$0x0], $0xffff  }
0x96: {  	v9 =	vtrunc.f32 v11;
	v10 =	vpop (erf)  }
0x97: {  	v5 =	vsub.f32 v5, v6;
	v9 =	vcvt.f32.s32 v9;
	v4 =	vmul.f32 v10, v4;
	_ =	sdelay $0x1  }
0x98: {  	vm0 =	vgt.s32 v9, $0x0;
	v4 =	vmul.f32 v4, v5  }
0x99: {  	v5 =	vnsel vm0, $0x0, v9  }
0x9a: {  	v5 =	vmin.u32 v5, $0xFFF;
	v4 =	vadd.f32 v4, v6;
	v6 =	vmul.f32 v8, v7;
	_ =	sdelay $0x1  }
0x9b: {  	v4 =	vmul.f32 v4, v6;
	_ =	sdelay $0x1  }
0x9c: {  	[tilespmem:s20+$0x5F80] =	vst v4;
	s20 =	smov.u32 s21  }
0x9d: {  	v4 =	vld.idx.msk [tilespmem:v5+s29+$0x0], $0xffff;
	_ =	sdelay $0x5  }
0x9e: {  	vm0 =	vge.f32 v3, v4  }
0x9f: {  	vm1 =	vmneg vm0  }
0xa0: {  	v6 =	vsel vm0, $0x1, v2;
	v4 =	vsel vm1, $0xFFFFFFFF, v2  }
0xa1: {  	v4 =	vadd.s32 v4, v5;
	v5 =	vadd.s32 v6, v5  }
0xa2: {  	vm0 =	vgt.s32 v4, $0x0;
	v5 =	vmin.u32 v5, $0xFFF  }
0xa3: {  	v6 =	vnsel vm0, $0x0, v4;
	_ =	sdelay $0x3  }
0xa4: {  	v7 =	vld.idx.msk [tilespmem:v5+s29+$0x0], $0xffff  }
0xa5: {  	v4 =	vld.idx.msk [tilespmem:v6+s29+$0x0], $0xffff;
	_ =	sdelay $0x5  }
.Ltmp1:
0xa6: {  	v8 =	vsub.f32 v7, v4;
	(pc) =	sbr.rel @p1 .LBB2_5-.Ltmp1, $4  }
0xa7: {  	_ = 	snop  }
0xa8: {  	v9 =	vmax.f32 v8, $9.999999960e-13;
	v7 =	vld [tilespmem:s20+$0x4780]  }
0xa9: {  	v8 =	vld [tilespmem:s20+$0x4F80];
	(erf) = vrcp.f32 v9  }
0xaa: {  	s21 =	sshra.s32 s22, $0x2;
	s22 =	sadd.s32 $0x40, s22  }
0xab: {  	_ =	sdelay $0x1  }
0xac: {  	v9 =	vld [tilespmem:s21+$0x5780];
	_ =	sdelay $0x1  }
0xad: {  	v5 =	vld.idx.msk [tilespmem:v5+s30+$0x0], $0xffff  }
0xae: {  	v6 =	vld.idx.msk [tilespmem:v6+s30+$0x0], $0xffff;
	_ =	sdelay $0x1  }
0xaf: {  	v10 =	vmul.f32 $1.280000000e+02, v9  }
0xb0: {  	v3 =	vsub.f32 v3, v4;
	v7 =	vld.idx.msk [tilespmem:v7+s19+$0x0], $0xffff  }
0xb1: {  	v53 =	vld.idx.msk [tilespmem:v8+s19+$0x0], $0xffff;
	v54 =	vtrunc.f32 v10;
	v55 =	vpop (erf)  }
0xb2: {  	v5 =	vsub.f32 v5, v6;
	v8 =	vcvt.f32.s32 v54;
	v3 =	vmul.f32 v55, v3;
	_ =	sdelay $0x1  }
0xb3: {  	vm0 =	vgt.s32 v8, $0x0;
	v3 =	vmul.f32 v3, v5  }
0xb4: {  	v56 =	vnsel vm0, $0x0, v8  }
0xb5: {  	v4 =	vmul.f32 v53, v7;
	v5 =	vmin.u32 v56, $0xFFF;
	v3 =	vadd.f32 v3, v6;
	_ =	sdelay $0x1  }
0xb6: {  	v3 =	vmul.f32 v3, v4;
	_ =	sdelay $0x1  }
0xb7: {  	[tilespmem:s20+$0x5F80] =	vst v3  }
0xb8: {  	v3 =	vld.idx.msk [tilespmem:v5+s29+$0x0], $0xffff;
	_ =	sdelay $0x4  }
0xb9: {  	vm14 =	vge.f32 v9, v3  }
0xba: {  	vm1 =	vmneg vm14  }
0xbb: {  	v57 =	vsel vm14, $0x1, v2;
	v3 =	vsel vm1, $0xFFFFFFFF, v2  }
0xbc: {  	v4 =	vadd.s32 v57, v5;
	v3 =	vadd.s32 v3, v5  }
0xbd: {  	v4 =	vmin.u32 v4, $0xFFF;
	vm15 =	vgt.s32 v3, $0x0  }
0xbe: {  	v3 =	vnsel vm15, $0x0, v3;
	_ =	sdelay $0x3  }
0xbf: {  	v58 =	vld.idx.msk [tilespmem:v4+s29+$0x0], $0xffff  }
0xc0: {  	v59 =	vld.idx.msk [tilespmem:v3+s29+$0x0], $0xffff;
	_ =	sdelay $0x4  }
0xc1: {  	v5 =	vsub.f32 v58, v59;
	_ =	sdelay $0x1  }
0xc2: {  	v5 =	vmax.f32 v5, $9.999999960e-13  }
0xc3: {  	v60 =	vld [tilespmem:s21+$0x4780];
	(erf) = vrcp.f32 v5  }
0xc4: {  	v61 =	vld [tilespmem:s21+$0x4F80];
	_ =	sdelay $0x2  }
0xc5: {  	v4 =	vld.idx.msk [tilespmem:v4+s30+$0x0], $0xffff  }
0xc6: {  	v3 =	vld.idx.msk [tilespmem:v3+s30+$0x0], $0xffff;
	_ =	sdelay $0x2  }
0xc7: {  	v7 =	vld.idx.msk [tilespmem:v60+s19+$0x0], $0xffff;
	v6 =	vsub.f32 v9, v59  }
0xc8: {  	v5 =	vld.idx.msk [tilespmem:v61+s19+$0x0], $0xffff;
	v62 =	vpop (erf)  }
0xc9: {  	v4 =	vsub.f32 v4, v3;
	v6 =	vmul.f32 v62, v6;
	_ =	sdelay $0x1  }
0xca: {  	v4 =	vmul.f32 v6, v4;
	_ =	sdelay $0x1  }
0xcb: {  	v63 =	vmul.f32 v5, v7;
	v3 =	vadd.f32 v4, v3;
	_ =	sdelay $0x1  }
0xcc: {  	v3 =	vmul.f32 v3, v63;
	_ =	sdelay $0x1  }
0xcd: {  	s20 =	simm.s32 $0x0;
	[tilespmem:s21+$0x5F80] =	vst v3  }
.LBB2_7:
0xce: {  	s21 =	smul.u32 $0x50, s20;
	_ =	sdelay $0x1  }
0xcf: {  	v3 =	vld [tilespmem:s21+$0x4F80];
	_ =	sdelay $0x4  }
0xd0: {  	v3 =	vadd.s32 v0, v3  }
0xd1: {  	[tilespmem:$0x6780] =	vst v3  }
0xd2: {  	v3 =	vld [tilespmem:s21+$0x4780];
	_ =	sdelay $0x4  }
0xd3: {  	[tilespmem:$0x6800] =	vst v3  }
0xd4: {  	v3 =	vld [tilespmem:s21+$0x4F90];
	_ =	sdelay $0x4  }
0xd5: {  	v3 =	vadd.s32 v0, v3  }
0xd6: {  	[tilespmem:$0x6790] =	vst v3  }
0xd7: {  	v3 =	vld [tilespmem:s21+$0x4790];
	_ =	sdelay $0x4  }
0xd8: {  	[tilespmem:$0x6810] =	vst v3  }
0xd9: {  	v3 =	vld [tilespmem:s21+$0x4FA0];
	_ =	sdelay $0x4  }
0xda: {  	v3 =	vadd.s32 v0, v3  }
0xdb: {  	[tilespmem:$0x67A0] =	vst v3  }
0xdc: {  	v3 =	vld [tilespmem:s21+$0x47A0];
	_ =	sdelay $0x4  }
0xdd: {  	[tilespmem:$0x6820] =	vst v3  }
0xde: {  	v3 =	vld [tilespmem:s21+$0x4FB0];
	_ =	sdelay $0x4  }
0xdf: {  	v3 =	vadd.s32 v0, v3  }
0xe0: {  	[tilespmem:$0x67B0] =	vst v3  }
0xe1: {  	v3 =	vld [tilespmem:s21+$0x47B0];
	_ =	sdelay $0x4  }
0xe2: {  	[tilespmem:$0x6830] =	vst v3  }
0xe3: {  	v3 =	vld [tilespmem:s21+$0x4FC0];
	_ =	sdelay $0x4  }
0xe4: {  	v3 =	vadd.s32 v0, v3  }
0xe5: {  	[tilespmem:$0x67C0] =	vst v3  }
0xe6: {  	v3 =	vld [tilespmem:s21+$0x47C0];
	_ =	sdelay $0x4  }
0xe7: {  	[tilespmem:$0x6840] =	vst v3  }
0xe8: {  	[tilespmem:s10], [sflag:$0x1] =	stream.indirect.gather [hbm4b:s1+s8], $0x80, s9, s8, $0xb8;
	[tilespmem:$0x1C900] =	vst v63  }
0xe9: {  	s24 =	sadd.s32 $0x0, s19;
	_ =	swait.ge [sflag:s13], $0x2800  }
0xea: {  	v3 =	vmov s24;
	[sflag:s13] =	ssyncset.done $0x0  }
0xeb: {  	s21 =	simm.s32 $0x68C0;
	[sflag:s13] =	ssyncadd.s32 $0xFFFFD800  }
0xec: {  	v7 =	vld [tilespmem:s21+$0x30]  }
0xed: {  	v10 =	vld [tilespmem:s21+$0x10]  }
0xee: {  	v8 =	vld [tilespmem:s21+$0xFFFFFFC0]  }
0xef: {  	v4 =	vld.idx.msk [tilespmem:v3+s14+$0x0], $0xffff  }
0xf0: {  	v12 =	vld [tilespmem:s21+$0xFFFFFFE0]  }
0xf1: {  	v3 =	vld [tilespmem:s21+$0xFFFFFFF0]  }
0xf2: {  	v5 =	vld [tilespmem:s21+$0x20]  }
0xf3: {  	v6 =	vld [tilespmem:s21+$0xFFFFFFD0]  }
0xf4: {  	v11 =	vmul.f32 v7, v4;
	v7 =	vld [tilespmem:s21+$0x0]  }
0xf5: {  	v9 =	vmul.f32 v8, v4  }
0xf6: {  	s22 =	simm.s32 $0x1;
	s23 =	simm.s32 $0x68C0;
	v8 =	vmul.f32 v12, v4;
	v10 =	vmul.f32 v10, v4  }
.LBB2_8:
0xf7: {  	p1 =	sne.s32 s22, $0x4F  }
0xf8: {  	v6 =	vmul.f32 v6, v4;
	v5 =	vmul.f32 v5, v4;
	[tilespmem:s21+$0x30] =	vst v11;
	s23 =	sadd.s32 $0x80, s23;
	s24 =	smov.u32 s22;
	s22 =	sadd.s32 $0x1, s22  }
0xf9: {  	[tilespmem:s21+$0xFFFFFFC0] =	vst v9;
	v9 =	vmul.f32 v3, v4;
	v4 =	vmul.f32 v7, v4  }
0xfa: {  	s24 =	sadd.s32 s24, s19;
	[tilespmem:s21+$0x10] =	vst v10  }
0xfb: {  	v7 =	vmov s24;
	[tilespmem:s21+$0xFFFFFFE0] =	vst v8  }
0xfc: {  	v3 =	vld [tilespmem:s23+$0xFFFFFFF0];
	[tilespmem:s21+$0xFFFFFFF0] =	vst v9  }
0xfd: {  	v8 =	vld [tilespmem:s23+$0x30];
	[tilespmem:s21+$0x0] =	vst v4  }
0xfe: {  	v10 =	vld [tilespmem:s23+$0x10];
	[tilespmem:s21+$0x20] =	vst v5  }
0xff: {  	v9 =	vld [tilespmem:s23+$0xFFFFFFC0];
	[tilespmem:s21+$0xFFFFFFD0] =	vst v6;
	s21 =	smov.u32 s23  }
0x100: {  	v4 =	vld.idx.msk [tilespmem:v7+s14+$0x0], $0xffff  }
0x101: {  	v12 =	vld [tilespmem:s23+$0xFFFFFFE0]  }
0x102: {  	v5 =	vld [tilespmem:s23+$0x20]  }
.Ltmp2:
0x103: {  	v6 =	vld [tilespmem:s23+$0xFFFFFFD0];
	(pc) =	sbr.rel @p1 .LBB2_8-.Ltmp2, $3  }
0x104: {  	v7 =	vld [tilespmem:s23+$0x0];
	_ =	sdelay $0x1  }
0x105: {  	v9 =	vmul.f32 v9, v4;
	v11 =	vmul.f32 v8, v4  }
0x106: {  	v10 =	vmul.f32 v10, v4;
	v8 =	vmul.f32 v12, v4  }
0x107: {  	[tilespmem:s21+$0x30] =	vst v11  }
0x108: {  	[tilespmem:s21+$0xFFFFFFC0] =	vst v9  }
0x109: {  	v3 =	vmul.f32 v3, v4;
	[tilespmem:s21+$0x10] =	vst v10  }
0x10a: {  	v5 =	vmul.f32 v5, v4;
	[tilespmem:s21+$0xFFFFFFE0] =	vst v8  }
0x10b: {  	v7 =	vmul.f32 v7, v4;
	[tilespmem:s21+$0xFFFFFFF0] =	vst v3  }
0x10c: {  	s20 =	sadd.s32 $0x1, s20;
	v3 =	vmul.f32 v6, v4;
	[tilespmem:s21+$0x20] =	vst v5  }
0x10d: {  	p1 =	sne.s32 s20, $0x19;
	[tilespmem:s21+$0x0] =	vst v7  }
.Ltmp3:
0x10e: {  	[tilespmem:s21+$0xFFFFFFD0] =	vst v3;
	(pc) =	sbr.rel @p1 .LBB2_7-.Ltmp3, $4  }
0x10f: {  	[spmem:s2] =	stream.indirect.scatter.add.f32 [tilespmem:s10], [sflag:$0x2], $0x80, s15, s8, $0xb8;
	[tilespmem:$0x1C900] =	vst v63  }
0x110: {  	_ =	swait.ge [sflag:s28], $0x2800  }
0x111: {  	s19 =	sadd.s32 $0x50, s19;
	[sflag:s28] =	ssyncset.done $0x0  }
0x112: {  	s22 =	simm.s32 $0x0;
	s21 =	simm.s32 $0x0;
	[sflag:s28] =	ssyncadd.s32 $0xFFFFD800  }
.LBB2_10:
0x113: {  	s19 =	smul.u32 $0x50, s22;
	_ =	sdelay $0x1  }
0x114: {  	v3 =	vld [tilespmem:s19+$0x4780];
	_ =	sdelay $0x4  }
0x115: {  	v3 =	vadd.s32 v0, v3  }
0x116: {  	[tilespmem:$0x6780] =	vst v3  }
0x117: {  	v3 =	vld [tilespmem:s19+$0x4F80];
	_ =	sdelay $0x4  }
0x118: {  	[tilespmem:$0x6800] =	vst v3  }
0x119: {  	v3 =	vld [tilespmem:s19+$0x4790];
	_ =	sdelay $0x4  }
0x11a: {  	v3 =	vadd.s32 v0, v3  }
0x11b: {  	[tilespmem:$0x6790] =	vst v3  }
0x11c: {  	v3 =	vld [tilespmem:s19+$0x4F90];
	_ =	sdelay $0x4  }
0x11d: {  	[tilespmem:$0x6810] =	vst v3  }
0x11e: {  	v3 =	vld [tilespmem:s19+$0x47A0];
	_ =	sdelay $0x4  }
0x11f: {  	v3 =	vadd.s32 v0, v3  }
0x120: {  	[tilespmem:$0x67A0] =	vst v3  }
0x121: {  	v3 =	vld [tilespmem:s19+$0x4FA0];
	_ =	sdelay $0x4  }
0x122: {  	[tilespmem:$0x6820] =	vst v3  }
0x123: {  	v3 =	vld [tilespmem:s19+$0x47B0];
	_ =	sdelay $0x4  }
0x124: {  	v3 =	vadd.s32 v0, v3  }
0x125: {  	[tilespmem:$0x67B0] =	vst v3  }
0x126: {  	v3 =	vld [tilespmem:s19+$0x4FB0];
	_ =	sdelay $0x4  }
0x127: {  	[tilespmem:$0x6830] =	vst v3  }
0x128: {  	v3 =	vld [tilespmem:s19+$0x47C0];
	_ =	sdelay $0x4  }
0x129: {  	v3 =	vadd.s32 v0, v3  }
0x12a: {  	[tilespmem:$0x67C0] =	vst v3  }
0x12b: {  	v3 =	vld [tilespmem:s19+$0x4FC0];
	_ =	sdelay $0x4  }
0x12c: {  	[tilespmem:$0x6840] =	vst v3  }
0x12d: {  	[tilespmem:s10], [sflag:$0x1] =	stream.indirect.gather [hbm4b:s1+s8], $0x80, s9, s8, $0xb8;
	[tilespmem:$0x1C900] =	vst v63  }
0x12e: {  	s24 =	sadd.s32 $0x0, s21;
	_ =	swait.ge [sflag:s13], $0x2800  }
0x12f: {  	v3 =	vmov s24;
	[sflag:s13] =	ssyncset.done $0x0  }
0x130: {  	s19 =	simm.s32 $0x68C0;
	[sflag:s13] =	ssyncadd.s32 $0xFFFFD800  }
0x131: {  	v7 =	vld [tilespmem:s19+$0x30]  }
0x132: {  	v10 =	vld [tilespmem:s19+$0x10]  }
0x133: {  	v8 =	vld [tilespmem:s19+$0xFFFFFFC0]  }
0x134: {  	v4 =	vld.idx.msk [tilespmem:v3+s14+$0x0], $0xffff  }
0x135: {  	v12 =	vld [tilespmem:s19+$0xFFFFFFE0]  }
0x136: {  	v3 =	vld [tilespmem:s19+$0xFFFFFFF0]  }
0x137: {  	v5 =	vld [tilespmem:s19+$0x20]  }
0x138: {  	v6 =	vld [tilespmem:s19+$0xFFFFFFD0]  }
0x139: {  	v11 =	vmul.f32 v7, v4;
	v7 =	vld [tilespmem:s19+$0x0]  }
0x13a: {  	v9 =	vmul.f32 v8, v4  }
0x13b: {  	s20 =	simm.s32 $0x1;
	s23 =	simm.s32 $0x68C0;
	v8 =	vmul.f32 v12, v4;
	v10 =	vmul.f32 v10, v4  }
.LBB2_11:
0x13c: {  	p1 =	sne.s32 s20, $0x4F  }
0x13d: {  	v6 =	vmul.f32 v6, v4;
	v5 =	vmul.f32 v5, v4;
	[tilespmem:s19+$0x30] =	vst v11;
	s23 =	sadd.s32 $0x80, s23;
	s24 =	smov.u32 s20;
	s20 =	sadd.s32 $0x1, s20  }
0x13e: {  	[tilespmem:s19+$0xFFFFFFC0] =	vst v9;
	v9 =	vmul.f32 v3, v4;
	v4 =	vmul.f32 v7, v4  }
0x13f: {  	s24 =	sadd.s32 s24, s21;
	[tilespmem:s19+$0x10] =	vst v10  }
0x140: {  	v7 =	vmov s24;
	[tilespmem:s19+$0xFFFFFFE0] =	vst v8  }
0x141: {  	v3 =	vld [tilespmem:s23+$0xFFFFFFF0];
	[tilespmem:s19+$0xFFFFFFF0] =	vst v9  }
0x142: {  	v8 =	vld [tilespmem:s23+$0x30];
	[tilespmem:s19+$0x0] =	vst v4  }
0x143: {  	v10 =	vld [tilespmem:s23+$0x10];
	[tilespmem:s19+$0x20] =	vst v5  }
0x144: {  	v9 =	vld [tilespmem:s23+$0xFFFFFFC0];
	[tilespmem:s19+$0xFFFFFFD0] =	vst v6;
	s19 =	smov.u32 s23  }
0x145: {  	v4 =	vld.idx.msk [tilespmem:v7+s14+$0x0], $0xffff  }
0x146: {  	v12 =	vld [tilespmem:s23+$0xFFFFFFE0]  }
0x147: {  	v5 =	vld [tilespmem:s23+$0x20]  }
.Ltmp4:
0x148: {  	v6 =	vld [tilespmem:s23+$0xFFFFFFD0];
	(pc) =	sbr.rel @p1 .LBB2_11-.Ltmp4, $3  }
0x149: {  	v7 =	vld [tilespmem:s23+$0x0];
	_ =	sdelay $0x1  }
0x14a: {  	v9 =	vmul.f32 v9, v4;
	v11 =	vmul.f32 v8, v4  }
0x14b: {  	v10 =	vmul.f32 v10, v4;
	v8 =	vmul.f32 v12, v4  }
0x14c: {  	[tilespmem:s19+$0x30] =	vst v11  }
0x14d: {  	[tilespmem:s19+$0xFFFFFFC0] =	vst v9  }
0x14e: {  	v3 =	vmul.f32 v3, v4;
	[tilespmem:s19+$0x10] =	vst v10  }
0x14f: {  	v5 =	vmul.f32 v5, v4;
	[tilespmem:s19+$0xFFFFFFE0] =	vst v8  }
0x150: {  	v7 =	vmul.f32 v7, v4;
	[tilespmem:s19+$0xFFFFFFF0] =	vst v3  }
0x151: {  	s22 =	sadd.s32 $0x1, s22;
	v3 =	vmul.f32 v6, v4;
	[tilespmem:s19+$0x20] =	vst v5  }
0x152: {  	p1 =	sne.s32 s22, $0x19;
	[tilespmem:s19+$0x0] =	vst v7  }
.Ltmp5:
0x153: {  	[tilespmem:s19+$0xFFFFFFD0] =	vst v3;
	(pc) =	sbr.rel @p1 .LBB2_10-.Ltmp5, $4  }
0x154: {  	[spmem:s2] =	stream.indirect.scatter.add.f32 [tilespmem:s10], [sflag:$0x2], $0x80, s15, s8, $0xb8;
	[tilespmem:$0x1C900] =	vst v63  }
0x155: {  	_ =	swait.ge [sflag:s28], $0x2800  }
0x156: {  	[sflag:s28] =	ssyncset.done $0x0  }
0x157: {  	s21 =	sadd.s32 $0x50, s21;
	[sflag:s28] =	ssyncadd.s32 $0xFFFFD800  }
0x158: {  	s18 =	sadd.s32 $0x1, s18  }
0x159: {  	p1 =	sne.s32 s18, $0x5  }
.Ltmp6:
0x15a: {  	_ = 	snop;
	(pc) =	sbr.rel @p1 .LBB2_4-.Ltmp6, $1  }
0x15b: {  	_ =	sdelay $0x3  }
0x15c: {  	s17 =	stileid.u32  }
0x15d: {  	[bflag:$0x0] =	sbarrier.arrive $0xFFFF;
	s17 =	sshll.u32 @!p0 s17, $0x6  }
0x15e: {  	s18 =	sshrl.u32 @!p0 s11, $0x3;
	s19 =	rddreg [dreg:$0x11];
	s17 =	sor.u32 @!p0 $0x1C02, s17  }
0x15f: {  	[hbm:s19], [sflag:s17] =	dma.local @!p0 [spmem:s18], $0x3E80  }
0x160: {  	s17 =	simm.s32 @!p0 $0x2  }
0x161: {  	_ =	swait.ge @!p0 [sflag:s17], $0x3E80  }
0x162: {  	s16 =	sadd.s32 $0x1, s16;
	s24 =	rddreg [dreg:$0x12]  }
0x163: {  	p1 =	sne.s32 s16, s24  }
.Ltmp7:
0x164: {  	_ = 	snop;
	(pc) =	sbr.rel @p1 .LBB2_1-.Ltmp7, $3  }
0x165: {  	_ =	sdelay $0x1  }
0x166: {  	[sflag:s17] =	ssyncset.done @!p0 $0x0  }
0x167: {  	[sflag:s17] =	ssyncadd.s32 @!p0 $0xFFFFC180  }
0x168: {  	_ =	sfence.sel $0x180000  }
0x169: {  	[bflag:$0x0] =	sbarrier.arrive $0xFFFF  }
0x16a: {  	_ =	strace $0x9000004A  }
0x16b: {  	s0 =	stileid.u32;
	[bflag:$0x2] =	sbarrier.arrive $0xFFFF  }
0x16c: {  	p0 =	sne.s32 s0, $0x0;
	s0 =	rddreg [dreg:$0x3]  }
0x16d: {  	s0 =	sadd.s32 @!p0 $0x100000, s0  }
0x16e: {  	[sflag:s0] =	ssyncadd.tile.s32 @!p0 $0x1;
	_ =	shalt  }
.Lfunc_end2:
_tile_overlayer_lowered:
.L_overlay_start_2:
0x16f: {  	(tag) =	ssettag $0x2  }
0x170: {  	s0 =	rddreg [dreg:$0x0];
	s2 =	stileid.u32  }
0x171: {  	s1 =	rddreg [dreg:$0x1];
	p0 =	sne.s32 s2, $0x0  }
0x172: {  	s3 =	rddreg [dreg:$0x2];
	[bflag:$0x3] =	sbarrier.arrive $0xFFFF;
	s2 =	simm.s32 @!p0 $0x1C02  }
0x173: {  	[timem:s3], [sflag:s2] =	dma.local @!p0 [hbm:s0], s1  }
0x174: {  	s0 =	simm.s32 @!p0 $0x2  }
0x175: {  	_ =	swait.ge @!p0 [sflag:s0], s1  }
0x176: {  	s1 =	ssub.s32 @!p0 $0x0, s1;
	[sflag:s0] =	ssyncset.done @!p0 $0x0  }
0x177: {  	[sflag:s0] =	ssyncadd.s32 @!p0 s1  }
0x178: {  	[bflag:$0x3] =	sbarrier.arrive $0xFFFF  }
0x179: {  	_ =	shalt  }

// kernel: kernel.7.cloned.1.call-start
scs
__scs_entry_jumppad:
0x0: {  	(pc) =	sbr.rel $0x88, $3  }
0x1: {  	(tag) =	ssettag $0x0;
	lr =	simm.s32 $0x1  }
0x2: {  	[smem:$0x3F8E] =	sst lr;
	_ =	strace $0xD0000000  }
0x3: {  	_ = 	snop  }
0x4: {  	_ = 	snop  }
0x5: {  	_ = 	snop  }
0x6: {  	_ = 	snop  }
0x7: {  	_ = 	snop  }
__scs_overlays_trampoline_lowered:
0x8: {  	[smem:$0x3F9D] =	sst s0  }
0x9: {  	[smem:$0x3F9E] =	sst s1  }
0xa: {  	[smem:$0x3F9F] =	sst s2  }
0xb: {  	[smem:$0x3FA0] =	sst s3  }
0xc: {  	[smem:$0x3FA1] =	sst s4  }
0xd: {  	[smem:$0x3FA2] =	sst s5  }
0xe: {  	[smem:$0x3FA3] =	sst s6  }
0xf: {  	[smem:$0x3FA4] =	sst s7  }
0x10: {  	[smem:$0x3FA5] =	sst s8  }
0x11: {  	[smem:$0x3FA6] =	sst s9;
	s0 =	simm.s32 @!p0 $0x0  }
0x12: {  	s1 =	sld [smem:$0x3F8C];
	s0 =	simm.s32 @p0 $0x1  }
0x13: {  	[smem:$0x3FA7] =	sst s0;
	s0 =	simm.s32 @!p1 $0x0  }
0x14: {  	s2 =	sld [smem:$0x3F8B];
	s0 =	simm.s32 @p1 $0x1  }
0x15: {  	[smem:$0x3FA8] =	sst s0;
	s0 =	simm.s32 @!p2 $0x0  }
0x16: {  	s3 =	sld [smem:$0x3FDB];
	s0 =	simm.s32 @p2 $0x1  }
0x17: {  	s4 =	simm.s32 $0x1BF5;
	[smem:$0x3FAA] =	sst s0  }
0x18: {  	s0 =	sld [smem:$0x3F8D];
	_ =	swait.ge [sflag:s4], $0x0  }
0x19: {  	s7 =	sld [smem:$0x3F8E]  }
0x1a: {  	s8 =	sadd.s32 $0xFFFFE003, lr  }
0x1b: {  	s9 =	sadd.s32 $0xFFFFFEF7, lr;
	s5 =	simm.s32 $0xFFFFFFFF;
	p2 =	slt.u32 s8, $0xFFFFF086  }
0x1c: {  	p1 =	slt.u32 s9, $0xF7A;
	s5 =	simm.s32 @!p2 $0x0  }
0x1d: {  	s5 =	simm.s32 @p1 $0x1;
	p0 =	seq.s32 s7, s2  }
0x1e: {  	s7 =	smul.u32 @!p0 $0xF7A, s2;
	p2 =	seq.s32 @!p0 s5, $0x0  }
0x1f: {  	s9 =	smul.u32 $0xF7A, s1;
	s8 =	simm.s32 @!p0 $0x1BF5;
	p2 =	por !p2, p0  }
0x20: {  	[sflag:s8] =	ssyncset.s32 @!p0 $0xFFFFF086;
	s6 =	sadd.s32 @!p0 s3, s7;
	s7 =	simm.s32 @!p0 $0x108  }
0x21: {  	s3 =	sadd.s32 s3, s9;
	s6 =	sadd.s32 @!p0 $0x88, s6;
	s7 =	simm.s32 @p2 $0x1082  }
0x22: {  	[simem:s7], [sflag:s8] =	dma.local @!p0 [hbm:s6], $0xF7A  }
0x23: {  	s9 =	sor.u32 $0xD0000000, s2;
	s6 =	simm.s32 $0x108;
	_ =	swait.ge @!p0 [sflag:s8], $0x0  }
0x24: {  	s3 =	sadd.s32 $0x88, s3;
	s6 =	simm.s32 @!p1 $0x1082;
	[sflag:s4] =	ssyncset.s32 $0xFFFFF086  }
0x25: {  	[simem:s6], [sflag:s4] =	dma.local [hbm:s3], $0xF7A  }
0x26: {  	[smem:$0x3F8E] =	sst s1;
	(tag) =	ssettag s2;
	_ =	strace s9  }
0x27: {  	s1 =	sld [smem:$0x3F9E]  }
0x28: {  	s2 =	sld [smem:$0x3F9F]  }
0x29: {  	s4 =	sld [smem:$0x3FA1]  }
0x2a: {  	p0 =	seq.s32 s5, $0x0;
	s5 =	sld [smem:$0x3FA2]  }
0x2b: {  	s6 =	sld [smem:$0x3FA3]  }
0x2c: {  	s7 =	sld [smem:$0x3FA4]  }
0x2d: {  	s3 =	simm.s32 $0x108;
	s8 =	sld [smem:$0x3FA5]  }
0x2e: {  	s3 =	simm.s32 @!p0 $0x1082;
	s9 =	sld [smem:$0x3FA6]  }
0x2f: {  	lr =	sadd.s32 s0, s3;
	s0 =	sld [smem:$0x3F9D]  }
0x30: {  	s3 =	sld [smem:$0x3FA0]  }
0x31: {  	[smem:$0x3FA9] =	sst s10  }
0x32: {  	s10 =	sld [smem:$0x3FA7];
	_ =	sdelay $0x3  }
0x33: {  	p0 =	seq.s32 s10, $0x1;
	s10 =	sld [smem:$0x3FA9];
	_ =	sdelay $0x3  }
0x34: {  	[smem:$0x3FA9] =	sst s10  }
0x35: {  	s10 =	sld [smem:$0x3FA8];
	_ =	sdelay $0x3  }
0x36: {  	p1 =	seq.s32 s10, $0x1;
	s10 =	sld [smem:$0x3FA9];
	_ =	sdelay $0x3  }
0x37: {  	[smem:$0x3FA9] =	sst s10  }
0x38: {  	s10 =	sld [smem:$0x3FAA]  }
0x39: {  	_ = 	snop;
	(pc) =	sbr.ind lr, $3  }
0x3a: {  	_ = 	snop  }
0x3b: {  	_ = 	snop  }
0x3c: {  	p2 =	seq.s32 s10, $0x1;
	s10 =	sld [smem:$0x3FA9]  }
0x3d: {  	_ =	shalt  }
0x3e: {  	_ =	shalt  }
0x3f: {  	_ =	shalt  }
0x40: {  	_ =	shalt  }
0x41: {  	_ =	shalt  }
0x42: {  	_ =	shalt  }
0x43: {  	_ =	shalt  }
0x44: {  	_ =	shalt  }
0x45: {  	_ =	shalt  }
0x46: {  	_ =	shalt  }
0x47: {  	_ =	shalt  }
0x48: {  	_ =	shalt  }
0x49: {  	_ =	shalt  }
0x4a: {  	_ =	shalt  }
0x4b: {  	_ =	shalt  }
0x4c: {  	_ =	shalt  }
0x4d: {  	_ =	shalt  }
0x4e: {  	_ =	shalt  }
0x4f: {  	_ =	shalt  }
0x50: {  	_ =	shalt  }
0x51: {  	_ =	shalt  }
0x52: {  	_ =	shalt  }
0x53: {  	_ =	shalt  }
0x54: {  	_ =	shalt  }
0x55: {  	_ =	shalt  }
0x56: {  	_ =	shalt  }
0x57: {  	_ =	shalt  }
0x58: {  	_ =	shalt  }
0x59: {  	_ =	shalt  }
0x5a: {  	_ =	shalt  }
0x5b: {  	_ =	shalt  }
0x5c: {  	_ =	shalt  }
0x5d: {  	_ =	shalt  }
0x5e: {  	_ =	shalt  }
0x5f: {  	_ =	shalt  }
0x60: {  	_ =	shalt  }
0x61: {  	_ =	shalt  }
0x62: {  	_ =	shalt  }
0x63: {  	_ =	shalt  }
0x64: {  	_ =	shalt  }
0x65: {  	_ =	shalt  }
0x66: {  	_ =	shalt  }
0x67: {  	_ =	shalt  }
0x68: {  	_ =	shalt  }
0x69: {  	_ =	shalt  }
0x6a: {  	_ =	shalt  }
0x6b: {  	_ =	shalt  }
0x6c: {  	_ =	shalt  }
0x6d: {  	_ =	shalt  }
0x6e: {  	_ =	shalt  }
0x6f: {  	_ =	shalt  }
0x70: {  	_ =	shalt  }
0x71: {  	_ =	shalt  }
0x72: {  	_ =	shalt  }
0x73: {  	_ =	shalt  }
0x74: {  	_ =	shalt  }
0x75: {  	_ =	shalt  }
0x76: {  	_ =	shalt  }
0x77: {  	_ =	shalt  }
0x78: {  	_ =	shalt  }
0x79: {  	_ =	shalt  }
0x7a: {  	_ =	shalt  }
0x7b: {  	_ =	shalt  }
0x7c: {  	_ =	shalt  }
0x7d: {  	_ =	shalt  }
0x7e: {  	_ =	shalt  }
0x7f: {  	_ =	shalt  }
0x80: {  	_ =	shalt  }
0x81: {  	_ =	shalt  }
0x82: {  	_ =	shalt  }
0x83: {  	_ =	shalt  }
0x84: {  	_ =	shalt  }
0x85: {  	_ =	shalt  }
0x86: {  	_ =	shalt  }
0x87: {  	_ =	shalt  }
.Lfunc_end0:
.L_simem_size_0:
called_computation_lowered:
.L_overlay_start_0:
0x88: {  	s2 =	sld [smem:$0x3FD9]  }
0x89: {  	s3 =	sld [smem:$0x3FFE];
	_ =	sdelay $0x1  }
0x8a: {  	s1 =	srdreg.scid  }
0x8b: {  	s0 =	sand.u32 $0x1, s1  }
0x8c: {  	s16 =	sshll.u32 s0, $0xA;
	s2 =	sadd.s32 s3, s2  }
0x8d: {  	s2 =	sadd.s32 s2, s16  }
0x8e: {  	[smem:$0x3FB5] =	sst s2  }
0x8f: {  	_ = 	snop  }
0x90: {  	(tm) =	ssettm $0x1  }
0x91: {  	s17 =	sld [smem:$0x3FFB];
	_ =	sdelay $0x3  }
0x92: {  	_ =	strace s17  }
0x93: {  	s2 =	sld [smem:$0x3FFC];
	_ =	sdelay $0x3  }
0x94: {  	_ =	strace s2  }
0x95: {  	s2 =	sld [smem:$0x3FFD];
	_ =	sdelay $0x3  }
0x96: {  	_ =	strace s2  }
0x97: {  	_ =	strace $0x8FFFFFFF  }
0x98: {  	s18 =	sld [smem:$0x3FDB];
	_ =	sdelay $0x1  }
0x99: {  	s19 =	simm.s32 $_scs_section_size  }
0x9a: {  	s4 =	simm.s32 $_size__tile_overlayer_lowered;
	s5 =	simm.s32 $_tile_overlayer_lowered  }
0x9b: {  	s22 =	simm.s32 $0x1BFF;
	s21 =	sshll.u32 s5, $0x1;
	s2 =	sadd.s32 s19, s18  }
0x9c: {  	s6 =	simm.s32 $0x0;
	s20 =	sshll.u32 s4, $0x1;
	s4 =	sadd.s32 s21, s2  }
0x9d: {  	[timem:s6], [sflag:s22] =	dma.local [hbm:s4], s20  }
0x9e: {  	_ =	swait.ge [sflag:s22], s20  }
0x9f: {  	s3 =	ssub.s32 $0x0, s20;
	[sflag:s22] =	ssyncset.done $0x0  }
0xa0: {  	[sflag:s22] =	ssyncadd.s32 s3;
	_ =	sdelay $0x1  }
0xa1: {  	s23 =	simm.s32 $0x1B8B  }
0xa2: {  	_ =	swait.ge [sflag:s23], $0x1  }
0xa3: {  	[sflag:s23] =	ssyncset.done $0x0  }
0xa4: {  	s25 =	simm.s32 $0x1B8E;
	s24 =	sld [smem:$0x3FFE];
	[sflag:s23] =	ssyncadd.s32 $0xFFFFFFFF  }
0xa5: {  	s26 =	simm.s32 $execute0_lowered;
	[smem:$0x3FD2] =	sst s25  }
0xa6: {  	s4 =	sshll.u32 s26, $0x1;
	_ =	strace $0x80000046;
	[dreg:$0x1] =	wrdreg $0xFFFFFFFF  }
0xa7: {  	s28 =	simm.s32 $_size_execute0_lowered;
	s2 =	sadd.s32 s2, s4;
	[dreg:$0x0] =	wrdreg $0x0  }
0xa8: {  	s4 =	sshll.u32 s28, $0x1;
	[dreg:$0x2] =	wrdreg s2  }
0xa9: {  	[dreg:$0x3] =	wrdreg s4  }
0xaa: {  	[dreg:$0x4] =	wrdreg $0xC0  }
0xab: {  	_ =	task [dreg:s6], $0x5FFFF  }
0xac: {  	[dreg:$0x1] =	wrdreg $0xFFFFFFFF  }
0xad: {  	[dreg:$0x0] =	wrdreg $0x60  }
0xae: {  	[dreg:$0x2] =	wrdreg s24  }
0xaf: {  	[dreg:$0x3] =	wrdreg $0x9  }
0xb0: {  	_ =	task.clear_ibuf [dreg:s6], $0x4FFFF;
	_ =	strace $0x90000046  }
0xb1: {  	s29 =	simm.s32 $0x9;
	_ =	strace $0x80000048  }
0xb2: {  	_ =	swait.ge [sflag:s29], $0x1  }
0xb3: {  	[sflag:s29] =	ssyncadd.s32 $0xFFFFFFFF  }
0xb4: {  	_ =	strace $0x90000048  }
0xb5: {  	_ =	sfence  }
0xb6: {  	s30 =	sld [smem:$0x0];
	_ =	sdelay $0x2  }
0xb7: {  	s31 =	sshll.u32 s1, $0xD;
	s1 =	sshrl.u32 s1, $0x2  }
0xb8: {  	s3 =	sand.u32 $0x4000, s31;
	s1 =	sadd.s32 s1, s30  }
0xb9: {  	s0 =	sor.u32 s3, s0;
	s1 =	sshll.u32 s1, $0x11  }
0xba: {  	s0 =	sor.u32 s1, s0  }
0xbb: {  	s0 =	sadd.s32 $0x8F2B, s0  }
0xbc: {  	[sflag:s0] =	ssyncadd.remote.s32 $0x1  }
0xbd: {  	_ =	sfence.sel $0xFFFF  }
0xbe: {  	[dreg:$0x0] =	wrdreg $0xFFFFFFFF;
	(pc) =	sbr.abs _section_cstart, $3  }
0xbf: {  	[dreg:$0x1] =	wrdreg $0xFFFFFFFF  }
0xc0: {  	_ =	task.clear_ibuf [dreg:s6], $0x2FFFF;
	_ =	strace $0x9FFFFFFF  }
0xc1: {  	(tm) =	ssettm $0x7FFFFFFF  }
tec
execute0_lowered:
.L_overlay_start_1:
0x0: {  	(tag) =	ssettag $0x1  }
0x1: {  	s6 =	rddreg [dreg:$0x0]  }
0x2: {  	s0 =	rddreg [dreg:$0x1]  }
0x3: {  	s2 =	simm.s32 $0x0;
	s3 =	srdreg.scid;
	s1 =	stileid.u32  }
0x4: {  	s17 =	simm.s32 $0x1;
	s18 =	simm.s32 $0x2780;
	s19 =	simm.s32 $0x4F00  }
0x5: {  	s20 =	simm.s32 $0x7680;
	s21 =	simm.s32 $0x8A80;
	s22 =	simm.s32 $0xB280  }
0x6: {  	s23 =	simm.s32 $0xC280;
	s24 =	simm.s32 $0xD280;
	s25 =	simm.s32 $0xE280  }
0x7: {  	s26 =	simm.s32 $0x0;
	[smem:$0x7FF] =	sst s2;
	s7 =	sand.u32 $0x1, s3  }
0x8: {  	s28 =	sshll.u32 s1, $0x1;
	s8 =	sadd.s32 $0x7000, s6;
	s10 =	sadd.s32 $0x2000, s6  }
0x9: {  	s3 =	sadd.s32 $0x1A00, s6;
	s4 =	sadd.s32 $0x1400, s6;
	s5 =	sadd.s32 $0xE00, s6  }
0xa: {  	s13 =	sadd.s32 $0x21E00, s6;
	p0 =	slt.u32 s1, $0x8;
	s9 =	sor.u32 s7, s28  }
0xb: {  	_ =	strace $0x80000047;
	s29 =	ssub.s32 $0x2, s7;
	s11 =	smul.u32 $0x4E2, s9  }
0xc: {  	s12 =	smul.u32 $0x1380, s9;
	s14 =	sshll.u32 s9, $0x9;
	s7 =	sshrl.u32 s29, $0x1  }
0xd: {  	s9 =	smul.u32 $0x1390, s9;
	s14 =	sadd.s32 s14, s6;
	s16 =	ssub.s32 s29, s7  }
0xe: {  	s12 =	sadd.s32 $0x100, s12;
	s15 =	sadd.s32 s11, s6;
	s16 =	smax.u32 s16, $0x1  }
0xf: {  	s12 =	smov.u32 @p0 s9;
	s9 =	sshrl.u32 s9, $0x3;
	s15 =	sadd.s32 $0x18000, s15  }
0x10: {  	p0 =	sgt.u32 s1, $0x7;
	s30 =	sshrl.u32 s12, $0x3;
	s31 =	sadd.s32 $0x270, s9  }
0x11: {  	s12 =	sadd.s32 $0xC000, s14;
	s6 =	sadd.s32 s8, s30;
	s7 =	sadd.s32 s10, s30  }
0x12: {  	s8 =	sadd.s32 s8, s31;
	s9 =	sadd.s32 s10, s31;
	s10 =	sadd.s32 s13, s30  }
0x13: {  	v0 =	vimm.f32 $0.0e+00;
	v1 =	vimm.f32 $1.000000000e+00;
	s11 =	sadd.s32 s13, s31;
	s13 =	sadd.s32 $0x10000, s14;
	s14 =	sadd.s32 $0x14000, s14  }
.LBB2_1:
0x14: {  	s28 =	simm.s32 $0x0  }
.LBB2_2:
0x15: {  	p1 =	sne.s32 s28, $0x3FC0  }
.Ltmp0:
0x16: {  	_ = 	snop;
	(pc) =	sbr.rel @p1 .LBB2_2-.Ltmp0, $4  }
0x17: {  	s29 =	sshra.s32 s28, $0x2  }
0x18: {  	[tilespmem:s29+$0xB280] =	vst v0  }
0x19: {  	[tilespmem:s29+$0xC280] =	vst v0  }
0x1a: {  	s28 =	sadd.s32 $0x40, s28;
	[tilespmem:s29+$0xD280] =	vst v0  }
0x1b: {  	s28 =	simm.s32 $0x40;
	s29 =	simm.s32 $0x0  }
.LBB2_4:
0x1c: {  	p1 =	sne.s32 s28, $0x9C00;
	[tilespmem:s29+$0xE280] =	vst v0;
	s29 =	smov.u32 s28;
	s28 =	sadd.s32 $0x40, s28  }
.Ltmp1:
0x1d: {  	(pc) =	sbr.rel @p1 .LBB2_4-.Ltmp1, $2  }
0x1e: {  	_ =	sdelay $0x2  }
0x1f: {  	s29 =	sshra.s32 s29, $0x2  }
0x20: {  	[tilespmem:s29+$0xE280] =	vst v0  }
0x21: {  	[tilespmem:s2], [sflag:$0x1] =	stream.linear.gather [hbm4b:s3+s2], $0x2780, $0x38;
	[tilespmem:$0x10A00] =	vst v63  }
0x22: {  	_ =	swait.ge [sflag:s17], $0x2780  }
0x23: {  	[sflag:s17] =	ssyncset.done $0x0  }
0x24: {  	[sflag:s17] =	ssyncadd.s32 $0xFFFFD880  }
0x25: {  	[tilespmem:s18], [sflag:$0x1] =	stream.linear.gather [hbm4b:s4+s2], $0x2780, $0x38;
	[tilespmem:$0x10A00] =	vst v63  }
0x26: {  	_ =	swait.ge [sflag:s17], $0x2780  }
0x27: {  	[sflag:s17] =	ssyncset.done $0x0  }
0x28: {  	[sflag:s17] =	ssyncadd.s32 $0xFFFFD880  }
0x29: {  	[tilespmem:s19], [sflag:$0x1] =	stream.linear.gather [hbm4b:s5+s2], $0x2780, $0x38;
	[tilespmem:$0x10A00] =	vst v63  }
0x2a: {  	_ =	swait.ge [sflag:s17], $0x2780  }
0x2b: {  	[sflag:s17] =	ssyncset.done $0x0  }
0x2c: {  	[sflag:s17] =	ssyncadd.s32 $0xFFFFD880  }
0x2d: {  	[tilespmem:s20], [sflag:$0x1] =	stream.linear.gather [hbm4b:s6+s2], $0x1380, $0x38;
	[tilespmem:$0x10A00] =	vst v63  }
0x2e: {  	_ =	swait.ge [sflag:s17], $0x1380  }
0x2f: {  	[sflag:s17] =	ssyncset.done $0x0  }
0x30: {  	[sflag:s17] =	ssyncadd.s32 $0xFFFFEC80  }
0x31: {  	[tilespmem:s21], [sflag:$0x1] =	stream.linear.gather [hbm4b:s7+s2], $0x1380, $0x38;
	[tilespmem:$0x10A00] =	vst v63  }
0x32: {  	_ =	swait.ge [sflag:s17], $0x1380  }
0x33: {  	[sflag:s17] =	ssyncset.done $0x0  }
0x34: {  	s28 =	simm.s32 @!p0 $0x0;
	s29 =	simm.s32 @!p0 $0x8A00;
	[sflag:s17] =	ssyncadd.s32 $0xFFFFEC80  }
0x35: {  	[tilespmem:s29], [sflag:$0x1] =	stream.linear.gather @!p0 [hbm4b:s8+s28], $0x10, $0x38;
	[tilespmem:$0x10A00] =	vst v63  }
0x36: {  	s29 =	simm.s32 @!p0 $0x1  }
0x37: {  	_ =	swait.ge @!p0 [sflag:s29], $0x10  }
0x38: {  	[sflag:s29] =	ssyncset.done @!p0 $0x0  }
0x39: {  	s30 =	simm.s32 @!p0 $0x9E00;
	[sflag:s29] =	ssyncadd.s32 @!p0 $0xFFFFFFF0  }
0x3a: {  	[tilespmem:s30], [sflag:$0x1] =	stream.linear.gather @!p0 [hbm4b:s9+s28], $0x10, $0x38;
	[tilespmem:$0x10A00] =	vst v63  }
0x3b: {  	_ =	swait.ge @!p0 [sflag:s29], $0x10  }
0x3c: {  	[sflag:s29] =	ssyncset.done @!p0 $0x0  }
0x3d: {  	s28 =	simm.s32 $0x0;
	[sflag:s29] =	ssyncadd.s32 @!p0 $0xFFFFFFF0  }
.LBB2_6:
0x3e: {  	s29 =	sshra.s32 s28, $0x2  }
0x3f: {  	v2 =	vld [tilespmem:s29+$0x7680]  }
0x40: {  	v3 =	vld [tilespmem:s29+$0x8A80];
	_ =	sdelay $0x6  }
0x41: {  	v4 =	vld.idx.msk [tilespmem:v2+s2+$0x0], $0xffff  }
0x42: {  	v5 =	vld.idx.msk [tilespmem:v3+s2+$0x0], $0xffff  }
0x43: {  	v6 =	vld.idx.msk [tilespmem:v2+s18+$0x0], $0xffff  }
0x44: {  	v7 =	vld.idx.msk [tilespmem:v3+s18+$0x0], $0xffff  }
0x45: {  	v8 =	vld.idx.msk [tilespmem:v2+s19+$0x0], $0xffff  }
0x46: {  	v3 =	vld.idx.msk [tilespmem:v3+s19+$0x0], $0xffff;
	_ =	sdelay $0x2  }
0x47: {  	v4 =	vsub.f32 v4, v5;
	v59 =	vsub.f32 v6, v7;
	_ =	sdelay $0x1  }
0x48: {  	v3 =	vsub.f32 v8, v3;
	v4 =	vmul.f32 v4, v4;
	v5 =	vmul.f32 v59, v59;
	_ =	sdelay $0x1  }
0x49: {  	v3 =	vmul.f32 v3, v3;
	v4 =	vadd.f32 v5, v4;
	_ =	sdelay $0x1  }
0x4a: {  	v3 =	vadd.f32 v3, v4;
	_ =	sdelay $0x1  }
0x4b: {  	v4 =	vshra.s32 v3, $0x1  }
0x4c: {  	v4 =	vadd.s32 $0x1FBD1DF5, v4  }
0x4d: {  	(erf) = vrcp.f32 v4;
	_ =	sdelay $0x8  }
0x4e: {  	v60 =	vpop (erf)  }
0x4f: {  	v5 =	vmul.f32 v60, v3;
	_ =	sdelay $0x1  }
0x50: {  	v4 =	vadd.f32 v4, v5;
	_ =	sdelay $0x1  }
0x51: {  	v4 =	vmul.f32 $5.000000000e-01, v4;
	_ =	sdelay $0x1  }
0x52: {  	(erf) = vrcp.f32 v4;
	_ =	sdelay $0x8  }
0x53: {  	v61 =	vpop (erf)  }
0x54: {  	v5 =	vmul.f32 v61, v3;
	_ =	sdelay $0x1  }
0x55: {  	v4 =	vadd.f32 v5, v4;
	_ =	sdelay $0x1  }
0x56: {  	v4 =	vmul.f32 $5.000000000e-01, v4;
	_ =	sdelay $0x1  }
0x57: {  	(erf) = vrcp.f32 v4;
	_ =	sdelay $0x8  }
0x58: {  	v62 =	vpop (erf)  }
0x59: {  	v5 =	vmul.f32 v62, v3;
	_ =	sdelay $0x1  }
0x5a: {  	v4 =	vadd.f32 v5, v4;
	_ =	sdelay $0x1  }
0x5b: {  	v4 =	vmul.f32 $5.000000000e-01, v4;
	_ =	sdelay $0x1  }
0x5c: {  	v63 =	vmul.f32 $1.280000000e+02, v4;
	_ =	sdelay $0x1  }
0x5d: {  	v5 =	vtrunc.f32 v63  }
0x5e: {  	v5 =	vcvt.f32.s32 v5;
	_ =	sdelay $0x1  }
0x5f: {  	vm0 =	vgt.s32 v5, $0x0  }
0x60: {  	v5 =	vnsel vm0, $0x0, v5  }
0x61: {  	v5 =	vmin.u32 v5, $0xFFF;
	_ =	sdelay $0x2  }
0x62: {  	p1 =	sne.s32 s28, $0x4DC0  }
.Ltmp2:
0x63: {  	[tilespmem:s29+$0x9E80] =	vst v4;
	(pc) =	sbr.rel @p1 .LBB2_6-.Ltmp2, $4  }
0x64: {  	[tilespmem:v5+s22+$0x0] =	vst.idx.add.f32.msk $0xffff, v1  }
0x65: {  	[tilespmem:v5+s23+$0x0] =	vst.idx.add.f32.msk $0xffff, v4  }
0x66: {  	[tilespmem:v5+s24+$0x0] =	vst.idx.add.f32.msk $0xffff, v3  }
0x67: {  	s28 =	sadd.s32 $0x40, s28;
	[tilespmem:v2+s25+$0x0] =	vst.idx.add.f32.msk $0xffff, v1  }
0x68: {  	s28 =	simm.s32 @p0 $0x0;
	s29 =	simm.s32 @p0 $0x9E80  }
0x69: {  	[hbm4b:s10+s28] =	stream.linear.scatter @p0 [tilespmem:s29], [sflag:$0x1], $0x1380, $0x38;
	[tilespmem:$0x10A00] =	vst v63  }
0x6a: {  	s28 =	simm.s32 @p0 $0x1  }
0x6b: {  	_ =	swait.ge @p0 [sflag:s28], $0x1380  }
0x6c: {  	[sflag:s28] =	ssyncset.done @p0 $0x0  }
0x6d: {  	[sflag:s28] =	ssyncadd.s32 @p0 $0xFFFFEC80  }
0x6e: {  	v2 =	vld @!p0 [tilespmem:$0x8A00]  }
0x6f: {  	v3 =	vld @!p0 [tilespmem:$0x9E00];
	_ =	sdelay $0x5  }
0x70: {  	s28 =	simm.s32 @!p0 $0x0  }
0x71: {  	v4 =	vld.idx.msk @!p0 [tilespmem:v2+s28+$0x0], $0xffff  }
0x72: {  	s29 =	simm.s32 @!p0 $0x2780;
	v5 =	vld.idx.msk @!p0 [tilespmem:v3+s28+$0x0], $0xffff  }
0x73: {  	v6 =	vld.idx.msk @!p0 [tilespmem:v2+s29+$0x0], $0xffff  }
0x74: {  	v7 =	vld.idx.msk @!p0 [tilespmem:v3+s29+$0x0], $0xffff;
	s29 =	simm.s32 @!p0 $0x4F00  }
0x75: {  	v8 =	vld.idx.msk @!p0 [tilespmem:v2+s29+$0x0], $0xffff  }
0x76: {  	v3 =	vld.idx.msk @!p0 [tilespmem:v3+s29+$0x0], $0xffff;
	_ =	sdelay $0x2  }
0x77: {  	v4 =	vsub.f32 @!p0 v4, v5;
	v5 =	vsub.f32 @!p0 v6, v7;
	_ =	sdelay $0x1  }
0x78: {  	v3 =	vsub.f32 @!p0 v8, v3;
	v4 =	vmul.f32 @!p0 v4, v4;
	v5 =	vmul.f32 @!p0 v5, v5;
	_ =	sdelay $0x1  }
0x79: {  	v3 =	vmul.f32 @!p0 v3, v3;
	v4 =	vadd.f32 @!p0 v5, v4;
	_ =	sdelay $0x1  }
0x7a: {  	v3 =	vadd.f32 @!p0 v3, v4;
	_ =	sdelay $0x1  }
0x7b: {  	v4 =	vshra.s32 @!p0 v3, $0x1  }
0x7c: {  	v4 =	vadd.s32 @!p0 $0x1FBD1DF5, v4  }
0x7d: {  	(erf) = vrcp.f32 @!p0 v4;
	_ =	sdelay $0x8  }
0x7e: {  	v5 =	vpop @!p0 (erf)  }
0x7f: {  	v5 =	vmul.f32 @!p0 v5, v3;
	_ =	sdelay $0x1  }
0x80: {  	v4 =	vadd.f32 @!p0 v4, v5;
	_ =	sdelay $0x1  }
0x81: {  	v4 =	vmul.f32 @!p0 $5.000000000e-01, v4;
	_ =	sdelay $0x1  }
0x82: {  	(erf) = vrcp.f32 @!p0 v4;
	_ =	sdelay $0x8  }
0x83: {  	v5 =	vpop @!p0 (erf)  }
0x84: {  	v5 =	vmul.f32 @!p0 v5, v3;
	_ =	sdelay $0x1  }
0x85: {  	v4 =	vadd.f32 @!p0 v5, v4;
	_ =	sdelay $0x1  }
0x86: {  	v4 =	vmul.f32 @!p0 $5.000000000e-01, v4;
	_ =	sdelay $0x1  }
0x87: {  	(erf) = vrcp.f32 @!p0 v4;
	_ =	sdelay $0x8  }
0x88: {  	v5 =	vpop @!p0 (erf)  }
0x89: {  	v5 =	vmul.f32 @!p0 v5, v3;
	_ =	sdelay $0x1  }
0x8a: {  	v4 =	vadd.f32 @!p0 v5, v4;
	_ =	sdelay $0x1  }
0x8b: {  	v4 =	vmul.f32 @!p0 $5.000000000e-01, v4;
	_ =	sdelay $0x1  }
0x8c: {  	v5 =	vmul.f32 @!p0 $1.280000000e+02, v4;
	_ =	sdelay $0x1  }
0x8d: {  	v5 =	vtrunc.f32 @!p0 v5  }
0x8e: {  	v5 =	vcvt.f32.s32 @!p0 v5;
	_ =	sdelay $0x1  }
0x8f: {  	vm0 =	vgt.s32 @!p0 v5, $0x0  }
0x90: {  	v5 =	vnsel @!p0 vm0, $0x0, v5  }
0x91: {  	v5 =	vmin.u32 @!p0 v5, $0xFFF;
	_ =	sdelay $0x3  }
0x92: {  	s29 =	simm.s32 @!p0 $0xB280;
	v6 =	vimm.f32 @!p0 $1.000000000e+00;
	[tilespmem:$0xB200] =	vst @!p0 v4  }
0x93: {  	[tilespmem:v5+s29+$0x0] =	vst.idx.add.f32.msk @!p0 $0xffff, v6;
	s29 =	simm.s32 @!p0 $0xC280  }
0x94: {  	[tilespmem:v5+s29+$0x0] =	vst.idx.add.f32.msk @!p0 $0xffff, v4;
	s29 =	simm.s32 @!p0 $0xD280  }
0x95: {  	[tilespmem:v5+s29+$0x0] =	vst.idx.add.f32.msk @!p0 $0xffff, v3;
	s29 =	simm.s32 @!p0 $0xE280  }
0x96: {  	[tilespmem:v2+s29+$0x0] =	vst.idx.add.f32.msk @!p0 $0xffff, v6;
	s29 =	simm.s32 @!p0 $0x9E80  }
0x97: {  	[hbm4b:s10+s28] =	stream.linear.scatter @!p0 [tilespmem:s29], [sflag:$0x1], $0x1380, $0x38;
	[tilespmem:$0x10A00] =	vst v63  }
0x98: {  	s29 =	simm.s32 @!p0 $0x1  }
0x99: {  	_ =	swait.ge @!p0 [sflag:s29], $0x1380  }
0x9a: {  	[sflag:s29] =	ssyncset.done @!p0 $0x0  }
0x9b: {  	s30 =	simm.s32 @!p0 $0xB200;
	[sflag:s29] =	ssyncadd.s32 @!p0 $0xFFFFEC80  }
0x9c: {  	[hbm4b:s11+s28] =	stream.linear.scatter @!p0 [tilespmem:s30], [sflag:$0x1], $0x10, $0x38;
	[tilespmem:$0x10A00] =	vst v63  }
0x9d: {  	_ =	swait.ge @!p0 [sflag:s29], $0x10  }
0x9e: {  	[sflag:s29] =	ssyncset.done @!p0 $0x0  }
0x9f: {  	[sflag:s29] =	ssyncadd.s32 @!p0 $0xFFFFFFF0  }
0xa0: {  	[hbm4b:s12+s2] =	stream.linear.scatter [tilespmem:s22], [sflag:$0x1], $0x1000, $0x38;
	[tilespmem:$0x10A00] =	vst v63  }
0xa1: {  	_ =	swait.ge [sflag:s17], $0x1000  }
0xa2: {  	[sflag:s17] =	ssyncset.done $0x0  }
0xa3: {  	[sflag:s17] =	ssyncadd.s32 $0xFFFFF000  }
0xa4: {  	[hbm4b:s13+s2] =	stream.linear.scatter [tilespmem:s23], [sflag:$0x1], $0x1000, $0x38;
	[tilespmem:$0x10A00] =	vst v63  }
0xa5: {  	_ =	swait.ge [sflag:s17], $0x1000  }
0xa6: {  	[sflag:s17] =	ssyncset.done $0x0  }
0xa7: {  	[sflag:s17] =	ssyncadd.s32 $0xFFFFF000  }
0xa8: {  	[hbm4b:s14+s2] =	stream.linear.scatter [tilespmem:s24], [sflag:$0x1], $0x1000, $0x38;
	[tilespmem:$0x10A00] =	vst v63  }
0xa9: {  	s26 =	sadd.s32 $0x1, s26;
	_ =	swait.ge [sflag:s17], $0x1000  }
0xaa: {  	p1 =	sne.s32 s26, s16;
	[sflag:s17] =	ssyncset.done $0x0  }
.Ltmp3:
0xab: {  	[sflag:s17] =	ssyncadd.s32 $0xFFFFF000;
	(pc) =	sbr.rel @p1 .LBB2_1-.Ltmp3, $4  }
0xac: {  	[hbm4b:s15+s2] =	stream.linear.scatter [tilespmem:s25], [sflag:$0x1], $0x2710, $0x38;
	[tilespmem:$0x10A00] =	vst v63  }
0xad: {  	_ =	swait.ge [sflag:s17], $0x2710  }
0xae: {  	[sflag:s17] =	ssyncset.done $0x0  }
0xaf: {  	[sflag:s17] =	ssyncadd.s32 $0xFFFFD8F0  }
0xb0: {  	_ =	sfence.sel $0x180000  }
0xb1: {  	[bflag:$0x0] =	sbarrier.arrive $0xFFFF  }
0xb2: {  	p0 =	sne.s32 s1, $0x0;
	_ =	strace $0x90000047  }
0xb3: {  	s0 =	sadd.s32 @!p0 $0x100000, s0;
	[bflag:$0x2] =	sbarrier.arrive $0xFFFF  }
0xb4: {  	[sflag:s0] =	ssyncadd.tile.s32 @!p0 $0x1;
	_ =	shalt  }
.Lfunc_end2:
_tile_overlayer_lowered:
.L_overlay_start_2:
0xb5: {  	(tag) =	ssettag $0x2  }
0xb6: {  	s0 =	rddreg [dreg:$0x0];
	s2 =	stileid.u32  }
0xb7: {  	s1 =	rddreg [dreg:$0x1];
	p0 =	sne.s32 s2, $0x0  }
0xb8: {  	s3 =	rddreg [dreg:$0x2];
	[bflag:$0x3] =	sbarrier.arrive $0xFFFF;
	s2 =	simm.s32 @!p0 $0x1C01  }
0xb9: {  	[timem:s3], [sflag:s2] =	dma.local @!p0 [hbm:s0], s1  }
0xba: {  	s0 =	simm.s32 @!p0 $0x1  }
0xbb: {  	_ =	swait.ge @!p0 [sflag:s0], s1  }
0xbc: {  	s1 =	ssub.s32 @!p0 $0x0, s1;
	[sflag:s0] =	ssyncset.done @!p0 $0x0  }
0xbd: {  	[sflag:s0] =	ssyncadd.s32 @!p0 s1  }
0xbe: {  	[bflag:$0x3] =	sbarrier.arrive $0xFFFF  }
0xbf: {  	_ =	shalt  }

</sc_bundles>
